<compile_context>
chip_gen: v7x
topology: tpu7x:2x2x1
jax: 0.10.2.dev20260603
libtpu: 0.0.44.dev20260713+nightly
codegen_flags: <defaults>
</compile_context>

<pallas_src>
import functools

import jax
import jax.numpy as jnp
from jax import lax
from jax.experimental import pallas as pl
from jax.experimental.pallas import tpu as pltpu
from jax.experimental.pallas import tpu_sc as plsc

NC = 2
NS = 16
NW = NC * NS
CH = 80
SR = CH
DW = 16


def _npad(n):
    return -(-n // (NS * SR)) * NS * SR


def _fill_loop(ref, nrows, d, value):
    vv = jnp.full((16,), value, jnp.float32)

    def frow(i, carry):
        for j in range(d // 16):
            ref[i, pl.ds(16 * j, 16)] = vv
        return carry

    lax.fori_loop(0, nrows, frow, 0)


@functools.lru_cache(maxsize=None)
def _sc_aggregate(n, e, d, with_gather):
    epw = e // NW
    nchunk = epw // CH
    assert e % NW == 0 and epw % CH == 0 and d % 16 == 0
    npad = _npad(n)
    rpt = npad // NS
    nstage = rpt // SR

    mesh = plsc.VectorSubcoreMesh(core_axis_name="c", subcore_axis_name="s")

    scratch = [
        pltpu.VMEM_SHARED((npad, d), jnp.float32),
        pltpu.VMEM((CH,), jnp.int32),
        pltpu.VMEM((CH,), jnp.int32),
        pltpu.VMEM((CH, d), jnp.float32),
        pltpu.SemaphoreType.DMA,
    ]
    if with_gather:
        scratch += [
            pltpu.VMEM((CH,), jnp.int32),
            pltpu.VMEM((CH,), jnp.int32),
            pltpu.VMEM((CH, d), jnp.float32),
        ]

    @functools.partial(pl.kernel, mesh=mesh,
                       out_type=jax.ShapeDtypeStruct((NC * npad, d),
                                                     jnp.float32),
                       scratch_types=scratch)
    def agg(h_hbm, src_hbm, dst_hbm, p_out, acc, src_v, dst_v, rows_v,
            sem, *rest):
        cid = lax.axis_index("c")
        sid = lax.axis_index("s")
        wid = sid * NC + cid
        row0 = sid * rpt

        _fill_loop(rows_v, SR, d, 0.0)
        for k in range(nstage):
            pltpu.sync_copy(rows_v, acc.at[pl.ds(row0 + SR * k, SR)])
        if not with_gather:
            _fill_loop(rows_v, CH, d, 1.0)
        plsc.subcore_barrier()

        base0 = wid * epw

        if with_gather:
            src_w, dst_w, rows_w = rest

            def body(i, carry):
                b0 = base0 + (2 * i) * CH
                b1 = b0 + CH
                pltpu.sync_copy(src_hbm.at[pl.ds(b0, CH)], src_v)
                pltpu.sync_copy(dst_hbm.at[pl.ds(b0, CH)], dst_v)
                cp0 = pltpu.async_copy(h_hbm.at[src_v], rows_v, sem)
                pltpu.sync_copy(src_hbm.at[pl.ds(b1, CH)], src_w)
                pltpu.sync_copy(dst_hbm.at[pl.ds(b1, CH)], dst_w)
                cp0.wait()
                cp1 = pltpu.async_copy(h_hbm.at[src_w], rows_w, sem)
                pltpu.sync_copy(rows_v, acc.at[dst_v], add=True)
                cp1.wait()
                pltpu.sync_copy(rows_w, acc.at[dst_w], add=True)
                return carry

            lax.fori_loop(0, nchunk // 2, body, 0)
            for c in range(2 * (nchunk // 2), nchunk):
                base = base0 + c * CH
                pltpu.sync_copy(src_hbm.at[pl.ds(base, CH)], src_v)
                pltpu.sync_copy(dst_hbm.at[pl.ds(base, CH)], dst_v)
                pltpu.async_copy(h_hbm.at[src_v], rows_v, sem).wait()
                pltpu.sync_copy(rows_v, acc.at[dst_v], add=True)
        else:
            def body(c, carry):
                base = base0 + c * CH
                pltpu.sync_copy(dst_hbm.at[pl.ds(base, CH)], dst_v)
                pltpu.sync_copy(rows_v, acc.at[dst_v], add=True)
                return carry

            lax.fori_loop(0, nchunk, body, 0)
        plsc.subcore_barrier()

        out0 = cid * npad + row0
        for k in range(nstage):
            pltpu.sync_copy(acc.at[pl.ds(row0 + SR * k, SR)], rows_v)
            pltpu.sync_copy(rows_v, p_out.at[pl.ds(out0 + SR * k, SR)])

    return agg


def _dense_body(relu, pp, dp, h, w, b, o):
    s = pp[0] + pp[1] + h[...]
    deg = dp[0][:, 0:1] + dp[1][:, 0:1]
    hn = s / (deg + 1.0)
    y = jnp.dot(hn, w[...], preferred_element_type=jnp.float32) + b[...]
    if relu:
        y = jnp.maximum(y, 0.0)
    o[...] = y


@functools.lru_cache(maxsize=None)
def _dense(n, npad, d_in, d_out, relu, bn=1000):
    assert n % bn == 0
    grid = (n // bn,)
    return pl.pallas_call(
        functools.partial(_dense_body, relu),
        grid=grid,
        in_specs=[
            pl.BlockSpec((NC, bn, d_in), lambda i: (0, i, 0)),
            pl.BlockSpec((NC, bn, DW), lambda i: (0, i, 0)),
            pl.BlockSpec((bn, d_in), lambda i: (i, 0)),
            pl.BlockSpec((d_in, d_out), lambda i: (0, 0)),
            pl.BlockSpec((d_out,), lambda i: (0,)),
        ],
        out_specs=pl.BlockSpec((bn, d_out), lambda i: (i, 0)),
        out_shape=jax.ShapeDtypeStruct((n, d_out), jnp.float32),
    )


def _unwrap(x):
    return x[0] if isinstance(x, (list, tuple)) else x


def kernel(features, edge_index, W1, b1, W2, b2):
    n, d = features.shape
    e = edge_index.shape[1]
    src = edge_index[0]
    dst = edge_index[1]
    npad = _npad(n)

    p1 = _unwrap(_sc_aggregate(n, e, d, True)(features, src, dst))
    p1 = p1.reshape(NC, npad, d)
    pd = _unwrap(_sc_aggregate(n, e, d, False)(features, src, dst))
    degp = pd.reshape(NC, npad, d)[:, :, :DW]
    h1 = _dense(n, npad, d, W1.shape[1], True)(p1, degp, features, W1, b1)
    p2 = _unwrap(_sc_aggregate(n, e, d, True)(h1, src, dst))
    p2 = p2.reshape(NC, npad, d)
    h2 = _dense(n, npad, W1.shape[1], W2.shape[1], False)(p2, degp, h1, W2, b2)
    return (features, h1, h2)

# --- scband reference (transcript-rebuilt; emitter-appended) ---
"""Pipeline reference for scband-gcn-5944234737808 (READ-ONLY COPY).

The authoritative reference and input builder live on the scoring server;
editing this copy changes nothing except your own understanding.
"""

import jax, jax.numpy as jnp
import numpy as np

N = 10000
E = 320000
D_IN = 128
D_HID = 128
D_OUT = 128


def setup_inputs(seed: int = 0) -> dict:
    key = jax.random.key(seed)
    k1, k2, k3, k4 = jax.random.split(key, 4)
    features = jax.random.normal(k1, (N, D_IN), dtype=jnp.float32)
    edge_index = jax.random.randint(k2, (2, E), 0, N, dtype=jnp.int32)
    # SAGEConv(gcn) layer 1: fc_neigh weight/bias
    W1 = jax.random.normal(k3, (D_IN, D_HID), dtype=jnp.float32) * 0.05
    b1 = jnp.zeros((D_HID,), dtype=jnp.float32)
    # SAGEConv(gcn) layer 2: fc_neigh weight/bias
    W2 = jax.random.normal(k4, (D_HID, D_OUT), dtype=jnp.float32) * 0.05
    b2 = jnp.zeros((D_OUT,), dtype=jnp.float32)
    return {"features": features, "edge_index": edge_index, "W1": W1, "b1": b1, "W2": W2, "b2": b2}


def _sage_gcn_layer(h, src, dst, W, b):
    # DGL SAGEConv aggregator_type='gcn':
    #   neigh = sum over incoming edges of h[src]
    #   h_neigh = (neigh + h_self) / (in_degree + 1)
    #   out = fc_neigh(h_neigh)
    msg = jnp.take(h, src, axis=0)
    agg = jax.ops.segment_sum(msg, dst, num_segments=N)
    deg = jax.ops.segment_sum(jnp.ones((src.shape[0],), dtype=h.dtype), dst, num_segments=N)
    h_neigh = (agg + h) / (deg[:, None] + 1.0)
    return h_neigh @ W + b


def reference(features, edge_index, W1, b1, W2, b2):
    src = edge_index[0]
    dst = edge_index[1]
    h0 = features
    # layer 1 (activation=relu); dropout p=0.0 is identity
    h1 = jax.nn.relu(_sage_gcn_layer(h0, src, dst, W1, b1))
    # layer 2 (activation=None)
    h2 = _sage_gcn_layer(h1, src, dst, W2, b2)
    # default h_per_layer=False -> returns hidden_rep list [features, h1, h2]
    return (h0, h1, h2)

if __name__ == "__main__":
    import jax
    _d = setup_inputs()
    print(jax.jit(kernel)(*tuple(_d.values())))

</pallas_src>

<mosaic_0001>
#map = affine_map<(d0, d1) -> (0, 0)>
#map1 = affine_map<(d0, d1) -> (0)>
module attributes {stable_mosaic.version = 14 : i64} {
  func.func @agg(%arg0: i32, %arg1: i32, %arg2: memref<10000x128xf32, #tpu.memory_space<hbm>>, %arg3: memref<320000xi32, #tpu.memory_space<hbm>>, %arg4: memref<320000xi32, #tpu.memory_space<hbm>>, %arg5: memref<20480x128xf32, #tpu.memory_space<hbm>>, %arg6: memref<10240x128xf32, #tpu.memory_space<vmem_shared>>, %arg7: memref<80xi32, #tpu.memory_space<vmem>>, %arg8: memref<80xi32, #tpu.memory_space<vmem>>, %arg9: memref<80x128xf32, #tpu.memory_space<vmem>>, %arg10: memref<!tpu.dma_semaphore, #tpu.memory_space<semaphore_mem>>) attributes {dimension_semantics = [#tpu.dimension_semantics<core_parallel>, #tpu.dimension_semantics<subcore_parallel>], iteration_bounds = array<i64: 2, 16>, scalar_prefetch = 0 : i64, scratch_operands = 5 : i64, tpu.core_type = #tpu.core_type<sc_vector_subcore>, window_params = [{transform_indices = #map}, {transform_indices = #map1}, {transform_indices = #map1}, {transform_indices = #map}]} {
    %mul3A = arith.constant 2 : i32
    %mul3A_0 = arith.muli %arg1, %mul3A : i32
    %add3A = arith.addi %mul3A_0, %arg0 : i32
    %mul3A_1 = arith.constant 640 : i32
    %mul3A_2 = arith.muli %arg1, %mul3A_1 : i32
    %broadcast_in_dim3A = arith.constant 0.000000e+00 : f32
    %broadcast_in_dim3A_3 = vector.broadcast %broadcast_in_dim3A : f32 to vector<16xf32>
    %scan3A = arith.constant 0 : i32
    %scan3A_4 = arith.constant 0 : i32
    %scan3A_5 = arith.constant 80 : i32
    %scan3A_6 = arith.addi %scan3A_4, %scan3A_5 : i32
    %scan3A_7 = arith.constant 1 : i32
    scf.for %scan3A_77 = %scan3A_4 to %scan3A_6 step %scan3A_7  : i32 {
      %swap3A = arith.index_cast %scan3A_77 : i32 to index
      %swap3A_78 = arith.constant 0 : index
      %swap3A_79 = tpu.vector_load %arg9[%swap3A, %swap3A_78] {strides = array<i32>} : memref<80x128xf32, #tpu.memory_space<vmem>>, vector<1x16xf32>,
      %swap3A_80 = vector.shape_cast %swap3A_79 : vector<1x16xf32> to vector<16xf32>
      %swap3A_81 = vector.shape_cast %broadcast_in_dim3A_3 : vector<16xf32> to vector<1x16xf32>
      tpu.vector_store %arg9[%swap3A, %swap3A_78], %swap3A_81 {strides = array<i32>} : memref<80x128xf32, #tpu.memory_space<vmem>>, vector<1x16xf32>,
      %swap3A_82 = arith.index_cast %scan3A_77 : i32 to index
      %swap3A_83 = arith.constant 16 : index
      %swap3A_84 = tpu.vector_load %arg9[%swap3A_82, %swap3A_83] {strides = array<i32>} : memref<80x128xf32, #tpu.memory_space<vmem>>, vector<1x16xf32>,
      %swap3A_85 = vector.shape_cast %swap3A_84 : vector<1x16xf32> to vector<16xf32>
      %swap3A_86 = vector.shape_cast %broadcast_in_dim3A_3 : vector<16xf32> to vector<1x16xf32>
      tpu.vector_store %arg9[%swap3A_82, %swap3A_83], %swap3A_86 {strides = array<i32>} : memref<80x128xf32, #tpu.memory_space<vmem>>, vector<1x16xf32>,
      %swap3A_87 = arith.index_cast %scan3A_77 : i32 to index
      %swap3A_88 = arith.constant 32 : index
      %swap3A_89 = tpu.vector_load %arg9[%swap3A_87, %swap3A_88] {strides = array<i32>} : memref<80x128xf32, #tpu.memory_space<vmem>>, vector<1x16xf32>,
      %swap3A_90 = vector.shape_cast %swap3A_89 : vector<1x16xf32> to vector<16xf32>
      %swap3A_91 = vector.shape_cast %broadcast_in_dim3A_3 : vector<16xf32> to vector<1x16xf32>
      tpu.vector_store %arg9[%swap3A_87, %swap3A_88], %swap3A_91 {strides = array<i32>} : memref<80x128xf32, #tpu.memory_space<vmem>>, vector<1x16xf32>,
      %swap3A_92 = arith.index_cast %scan3A_77 : i32 to index
      %swap3A_93 = arith.constant 48 : index
      %swap3A_94 = tpu.vector_load %arg9[%swap3A_92, %swap3A_93] {strides = array<i32>} : memref<80x128xf32, #tpu.memory_space<vmem>>, vector<1x16xf32>,
      %swap3A_95 = vector.shape_cast %swap3A_94 : vector<1x16xf32> to vector<16xf32>
      %swap3A_96 = vector.shape_cast %broadcast_in_dim3A_3 : vector<16xf32> to vector<1x16xf32>
      tpu.vector_store %arg9[%swap3A_92, %swap3A_93], %swap3A_96 {strides = array<i32>} : memref<80x128xf32, #tpu.memory_space<vmem>>, vector<1x16xf32>,
      %swap3A_97 = arith.index_cast %scan3A_77 : i32 to index
      %swap3A_98 = arith.constant 64 : index
      %swap3A_99 = tpu.vector_load %arg9[%swap3A_97, %swap3A_98] {strides = array<i32>} : memref<80x128xf32, #tpu.memory_space<vmem>>, vector<1x16xf32>,
      %swap3A_100 = vector.shape_cast %swap3A_99 : vector<1x16xf32> to vector<16xf32>
      %swap3A_101 = vector.shape_cast %broadcast_in_dim3A_3 : vector<16xf32> to vector<1x16xf32>
      tpu.vector_store %arg9[%swap3A_97, %swap3A_98], %swap3A_101 {strides = array<i32>} : memref<80x128xf32, #tpu.memory_space<vmem>>, vector<1x16xf32>,
      %swap3A_102 = arith.index_cast %scan3A_77 : i32 to index
      %swap3A_103 = arith.constant 80 : index
      %swap3A_104 = tpu.vector_load %arg9[%swap3A_102, %swap3A_103] {strides = array<i32>} : memref<80x128xf32, #tpu.memory_space<vmem>>, vector<1x16xf32>,
      %swap3A_105 = vector.shape_cast %swap3A_104 : vector<1x16xf32> to vector<16xf32>
      %swap3A_106 = vector.shape_cast %broadcast_in_dim3A_3 : vector<16xf32> to vector<1x16xf32>
      tpu.vector_store %arg9[%swap3A_102, %swap3A_103], %swap3A_106 {strides = array<i32>} : memref<80x128xf32, #tpu.memory_space<vmem>>, vector<1x16xf32>,
      %swap3A_107 = arith.index_cast %scan3A_77 : i32 to index
      %swap3A_108 = arith.constant 96 : index
      %swap3A_109 = tpu.vector_load %arg9[%swap3A_107, %swap3A_108] {strides = array<i32>} : memref<80x128xf32, #tpu.memory_space<vmem>>, vector<1x16xf32>,
      %swap3A_110 = vector.shape_cast %swap3A_109 : vector<1x16xf32> to vector<16xf32>
      %swap3A_111 = vector.shape_cast %broadcast_in_dim3A_3 : vector<16xf32> to vector<1x16xf32>
      tpu.vector_store %arg9[%swap3A_107, %swap3A_108], %swap3A_111 {strides = array<i32>} : memref<80x128xf32, #tpu.memory_space<vmem>>, vector<1x16xf32>,
      %swap3A_112 = arith.index_cast %scan3A_77 : i32 to index
      %swap3A_113 = arith.constant 112 : index
      %swap3A_114 = tpu.vector_load %arg9[%swap3A_112, %swap3A_113] {strides = array<i32>} : memref<80x128xf32, #tpu.memory_space<vmem>>, vector<1x16xf32>,
      %swap3A_115 = vector.shape_cast %swap3A_114 : vector<1x16xf32> to vector<16xf32>
      %swap3A_116 = vector.shape_cast %broadcast_in_dim3A_3 : vector<16xf32> to vector<1x16xf32>
      tpu.vector_store %arg9[%swap3A_112, %swap3A_113], %swap3A_116 {strides = array<i32>} : memref<80x128xf32, #tpu.memory_space<vmem>>, vector<1x16xf32>,
    }
    %scan3A_8 = arith.constant 80 : i32
    %add3A_9 = arith.constant 0 : i32
    %add3A_10 = arith.addi %mul3A_2, %add3A_9 : i32
    "tpu.region"() ({
      %run_scoped3A = tpu.sem_alloc : memref<!tpu.dma_semaphore, #tpu.memory_space<semaphore_mem>>
      %dma_start3A = arith.constant 0 : i32
      %dma_start3A_77 = tpu.memref_slice %arg6[%add3A_10, %dma_start3A] : memref<10240x128xf32, #tpu.memory_space<vmem_shared>> -> memref<80x128xf32, #tpu.memory_space<vmem_shared>>
      %dma_start3A_78 = arith.constant 0 : i32
      %dma_start3A_79 = tpu.memref_slice %arg6[%add3A_10, %dma_start3A_78] : memref<10240x128xf32, #tpu.memory_space<vmem_shared>> -> memref<80x128xf32, #tpu.memory_space<vmem_shared>>
      tpu.enqueue_dma source(%arg9 : memref<80x128xf32, #tpu.memory_space<vmem>>) target(%dma_start3A_79 : memref<80x128xf32, #tpu.memory_space<vmem_shared>>) target_semaphore(%run_scoped3A : memref<!tpu.dma_semaphore, #tpu.memory_space<semaphore_mem>>)
      %dma_wait3A = arith.constant 0 : i32
      %dma_wait3A_80 = tpu.memref_slice %arg6[%add3A_10, %dma_wait3A] : memref<10240x128xf32, #tpu.memory_space<vmem_shared>> -> memref<80x128xf32, #tpu.memory_space<vmem_shared>>
      %dma_wait3A_81 = arith.constant 0 : i32
      %dma_wait3A_82 = tpu.memref_slice %arg6[%add3A_10, %dma_wait3A_81] : memref<10240x128xf32, #tpu.memory_space<vmem_shared>> -> memref<80x128xf32, #tpu.memory_space<vmem_shared>>
      tpu.wait_dma2 semaphore(%run_scoped3A : memref<!tpu.dma_semaphore, #tpu.memory_space<semaphore_mem>>) src(%arg9 : memref<80x128xf32, #tpu.memory_space<vmem>>) dst(%dma_wait3A_82 : memref<80x128xf32, #tpu.memory_space<vmem_shared>>)
      tpu.yield
    }) : () -> ()
    %add3A_11 = arith.constant 80 : i32
    %add3A_12 = arith.addi %mul3A_2, %add3A_11 : i32
    "tpu.region"() ({
      %run_scoped3A = tpu.sem_alloc : memref<!tpu.dma_semaphore, #tpu.memory_space<semaphore_mem>>
      %dma_start3A = arith.constant 0 : i32
      %dma_start3A_77 = tpu.memref_slice %arg6[%add3A_12, %dma_start3A] : memref<10240x128xf32, #tpu.memory_space<vmem_shared>> -> memref<80x128xf32, #tpu.memory_space<vmem_shared>>
      %dma_start3A_78 = arith.constant 0 : i32
      %dma_start3A_79 = tpu.memref_slice %arg6[%add3A_12, %dma_start3A_78] : memref<10240x128xf32, #tpu.memory_space<vmem_shared>> -> memref<80x128xf32, #tpu.memory_space<vmem_shared>>
      tpu.enqueue_dma source(%arg9 : memref<80x128xf32, #tpu.memory_space<vmem>>) target(%dma_start3A_79 : memref<80x128xf32, #tpu.memory_space<vmem_shared>>) target_semaphore(%run_scoped3A : memref<!tpu.dma_semaphore, #tpu.memory_space<semaphore_mem>>)
      %dma_wait3A = arith.constant 0 : i32
      %dma_wait3A_80 = tpu.memref_slice %arg6[%add3A_12, %dma_wait3A] : memref<10240x128xf32, #tpu.memory_space<vmem_shared>> -> memref<80x128xf32, #tpu.memory_space<vmem_shared>>
      %dma_wait3A_81 = arith.constant 0 : i32
      %dma_wait3A_82 = tpu.memref_slice %arg6[%add3A_12, %dma_wait3A_81] : memref<10240x128xf32, #tpu.memory_space<vmem_shared>> -> memref<80x128xf32, #tpu.memory_space<vmem_shared>>
      tpu.wait_dma2 semaphore(%run_scoped3A : memref<!tpu.dma_semaphore, #tpu.memory_space<semaphore_mem>>) src(%arg9 : memref<80x128xf32, #tpu.memory_space<vmem>>) dst(%dma_wait3A_82 : memref<80x128xf32, #tpu.memory_space<vmem_shared>>)
      tpu.yield
    }) : () -> ()
    %add3A_13 = arith.constant 160 : i32
    %add3A_14 = arith.addi %mul3A_2, %add3A_13 : i32
    "tpu.region"() ({
      %run_scoped3A = tpu.sem_alloc : memref<!tpu.dma_semaphore, #tpu.memory_space<semaphore_mem>>
      %dma_start3A = arith.constant 0 : i32
      %dma_start3A_77 = tpu.memref_slice %arg6[%add3A_14, %dma_start3A] : memref<10240x128xf32, #tpu.memory_space<vmem_shared>> -> memref<80x128xf32, #tpu.memory_space<vmem_shared>>
      %dma_start3A_78 = arith.constant 0 : i32
      %dma_start3A_79 = tpu.memref_slice %arg6[%add3A_14, %dma_start3A_78] : memref<10240x128xf32, #tpu.memory_space<vmem_shared>> -> memref<80x128xf32, #tpu.memory_space<vmem_shared>>
      tpu.enqueue_dma source(%arg9 : memref<80x128xf32, #tpu.memory_space<vmem>>) target(%dma_start3A_79 : memref<80x128xf32, #tpu.memory_space<vmem_shared>>) target_semaphore(%run_scoped3A : memref<!tpu.dma_semaphore, #tpu.memory_space<semaphore_mem>>)
      %dma_wait3A = arith.constant 0 : i32
      %dma_wait3A_80 = tpu.memref_slice %arg6[%add3A_14, %dma_wait3A] : memref<10240x128xf32, #tpu.memory_space<vmem_shared>> -> memref<80x128xf32, #tpu.memory_space<vmem_shared>>
      %dma_wait3A_81 = arith.constant 0 : i32
      %dma_wait3A_82 = tpu.memref_slice %arg6[%add3A_14, %dma_wait3A_81] : memref<10240x128xf32, #tpu.memory_space<vmem_shared>> -> memref<80x128xf32, #tpu.memory_space<vmem_shared>>
      tpu.wait_dma2 semaphore(%run_scoped3A : memref<!tpu.dma_semaphore, #tpu.memory_space<semaphore_mem>>) src(%arg9 : memref<80x128xf32, #tpu.memory_space<vmem>>) dst(%dma_wait3A_82 : memref<80x128xf32, #tpu.memory_space<vmem_shared>>)
      tpu.yield
    }) : () -> ()
    %add3A_15 = arith.constant 240 : i32
    %add3A_16 = arith.addi %mul3A_2, %add3A_15 : i32
    "tpu.region"() ({
      %run_scoped3A = tpu.sem_alloc : memref<!tpu.dma_semaphore, #tpu.memory_space<semaphore_mem>>
      %dma_start3A = arith.constant 0 : i32
      %dma_start3A_77 = tpu.memref_slice %arg6[%add3A_16, %dma_start3A] : memref<10240x128xf32, #tpu.memory_space<vmem_shared>> -> memref<80x128xf32, #tpu.memory_space<vmem_shared>>
      %dma_start3A_78 = arith.constant 0 : i32
      %dma_start3A_79 = tpu.memref_slice %arg6[%add3A_16, %dma_start3A_78] : memref<10240x128xf32, #tpu.memory_space<vmem_shared>> -> memref<80x128xf32, #tpu.memory_space<vmem_shared>>
      tpu.enqueue_dma source(%arg9 : memref<80x128xf32, #tpu.memory_space<vmem>>) target(%dma_start3A_79 : memref<80x128xf32, #tpu.memory_space<vmem_shared>>) target_semaphore(%run_scoped3A : memref<!tpu.dma_semaphore, #tpu.memory_space<semaphore_mem>>)
      %dma_wait3A = arith.constant 0 : i32
      %dma_wait3A_80 = tpu.memref_slice %arg6[%add3A_16, %dma_wait3A] : memref<10240x128xf32, #tpu.memory_space<vmem_shared>> -> memref<80x128xf32, #tpu.memory_space<vmem_shared>>
      %dma_wait3A_81 = arith.constant 0 : i32
      %dma_wait3A_82 = tpu.memref_slice %arg6[%add3A_16, %dma_wait3A_81] : memref<10240x128xf32, #tpu.memory_space<vmem_shared>> -> memref<80x128xf32, #tpu.memory_space<vmem_shared>>
      tpu.wait_dma2 semaphore(%run_scoped3A : memref<!tpu.dma_semaphore, #tpu.memory_space<semaphore_mem>>) src(%arg9 : memref<80x128xf32, #tpu.memory_space<vmem>>) dst(%dma_wait3A_82 : memref<80x128xf32, #tpu.memory_space<vmem_shared>>)
      tpu.yield
    }) : () -> ()
    %add3A_17 = arith.constant 320 : i32
    %add3A_18 = arith.addi %mul3A_2, %add3A_17 : i32
    "tpu.region"() ({
      %run_scoped3A = tpu.sem_alloc : memref<!tpu.dma_semaphore, #tpu.memory_space<semaphore_mem>>
      %dma_start3A = arith.constant 0 : i32
      %dma_start3A_77 = tpu.memref_slice %arg6[%add3A_18, %dma_start3A] : memref<10240x128xf32, #tpu.memory_space<vmem_shared>> -> memref<80x128xf32, #tpu.memory_space<vmem_shared>>
      %dma_start3A_78 = arith.constant 0 : i32
      %dma_start3A_79 = tpu.memref_slice %arg6[%add3A_18, %dma_start3A_78] : memref<10240x128xf32, #tpu.memory_space<vmem_shared>> -> memref<80x128xf32, #tpu.memory_space<vmem_shared>>
      tpu.enqueue_dma source(%arg9 : memref<80x128xf32, #tpu.memory_space<vmem>>) target(%dma_start3A_79 : memref<80x128xf32, #tpu.memory_space<vmem_shared>>) target_semaphore(%run_scoped3A : memref<!tpu.dma_semaphore, #tpu.memory_space<semaphore_mem>>)
      %dma_wait3A = arith.constant 0 : i32
      %dma_wait3A_80 = tpu.memref_slice %arg6[%add3A_18, %dma_wait3A] : memref<10240x128xf32, #tpu.memory_space<vmem_shared>> -> memref<80x128xf32, #tpu.memory_space<vmem_shared>>
      %dma_wait3A_81 = arith.constant 0 : i32
      %dma_wait3A_82 = tpu.memref_slice %arg6[%add3A_18, %dma_wait3A_81] : memref<10240x128xf32, #tpu.memory_space<vmem_shared>> -> memref<80x128xf32, #tpu.memory_space<vmem_shared>>
      tpu.wait_dma2 semaphore(%run_scoped3A : memref<!tpu.dma_semaphore, #tpu.memory_space<semaphore_mem>>) src(%arg9 : memref<80x128xf32, #tpu.memory_space<vmem>>) dst(%dma_wait3A_82 : memref<80x128xf32, #tpu.memory_space<vmem_shared>>)
      tpu.yield
    }) : () -> ()
    %add3A_19 = arith.constant 400 : i32
    %add3A_20 = arith.addi %mul3A_2, %add3A_19 : i32
    "tpu.region"() ({
      %run_scoped3A = tpu.sem_alloc : memref<!tpu.dma_semaphore, #tpu.memory_space<semaphore_mem>>
      %dma_start3A = arith.constant 0 : i32
      %dma_start3A_77 = tpu.memref_slice %arg6[%add3A_20, %dma_start3A] : memref<10240x128xf32, #tpu.memory_space<vmem_shared>> -> memref<80x128xf32, #tpu.memory_space<vmem_shared>>
      %dma_start3A_78 = arith.constant 0 : i32
      %dma_start3A_79 = tpu.memref_slice %arg6[%add3A_20, %dma_start3A_78] : memref<10240x128xf32, #tpu.memory_space<vmem_shared>> -> memref<80x128xf32, #tpu.memory_space<vmem_shared>>
      tpu.enqueue_dma source(%arg9 : memref<80x128xf32, #tpu.memory_space<vmem>>) target(%dma_start3A_79 : memref<80x128xf32, #tpu.memory_space<vmem_shared>>) target_semaphore(%run_scoped3A : memref<!tpu.dma_semaphore, #tpu.memory_space<semaphore_mem>>)
      %dma_wait3A = arith.constant 0 : i32
      %dma_wait3A_80 = tpu.memref_slice %arg6[%add3A_20, %dma_wait3A] : memref<10240x128xf32, #tpu.memory_space<vmem_shared>> -> memref<80x128xf32, #tpu.memory_space<vmem_shared>>
      %dma_wait3A_81 = arith.constant 0 : i32
      %dma_wait3A_82 = tpu.memref_slice %arg6[%add3A_20, %dma_wait3A_81] : memref<10240x128xf32, #tpu.memory_space<vmem_shared>> -> memref<80x128xf32, #tpu.memory_space<vmem_shared>>
      tpu.wait_dma2 semaphore(%run_scoped3A : memref<!tpu.dma_semaphore, #tpu.memory_space<semaphore_mem>>) src(%arg9 : memref<80x128xf32, #tpu.memory_space<vmem>>) dst(%dma_wait3A_82 : memref<80x128xf32, #tpu.memory_space<vmem_shared>>)
      tpu.yield
    }) : () -> ()
    %add3A_21 = arith.constant 480 : i32
    %add3A_22 = arith.addi %mul3A_2, %add3A_21 : i32
    "tpu.region"() ({
      %run_scoped3A = tpu.sem_alloc : memref<!tpu.dma_semaphore, #tpu.memory_space<semaphore_mem>>
      %dma_start3A = arith.constant 0 : i32
      %dma_start3A_77 = tpu.memref_slice %arg6[%add3A_22, %dma_start3A] : memref<10240x128xf32, #tpu.memory_space<vmem_shared>> -> memref<80x128xf32, #tpu.memory_space<vmem_shared>>
      %dma_start3A_78 = arith.constant 0 : i32
      %dma_start3A_79 = tpu.memref_slice %arg6[%add3A_22, %dma_start3A_78] : memref<10240x128xf32, #tpu.memory_space<vmem_shared>> -> memref<80x128xf32, #tpu.memory_space<vmem_shared>>
      tpu.enqueue_dma source(%arg9 : memref<80x128xf32, #tpu.memory_space<vmem>>) target(%dma_start3A_79 : memref<80x128xf32, #tpu.memory_space<vmem_shared>>) target_semaphore(%run_scoped3A : memref<!tpu.dma_semaphore, #tpu.memory_space<semaphore_mem>>)
      %dma_wait3A = arith.constant 0 : i32
      %dma_wait3A_80 = tpu.memref_slice %arg6[%add3A_22, %dma_wait3A] : memref<10240x128xf32, #tpu.memory_space<vmem_shared>> -> memref<80x128xf32, #tpu.memory_space<vmem_shared>>
      %dma_wait3A_81 = arith.constant 0 : i32
      %dma_wait3A_82 = tpu.memref_slice %arg6[%add3A_22, %dma_wait3A_81] : memref<10240x128xf32, #tpu.memory_space<vmem_shared>> -> memref<80x128xf32, #tpu.memory_space<vmem_shared>>
      tpu.wait_dma2 semaphore(%run_scoped3A : memref<!tpu.dma_semaphore, #tpu.memory_space<semaphore_mem>>) src(%arg9 : memref<80x128xf32, #tpu.memory_space<vmem>>) dst(%dma_wait3A_82 : memref<80x128xf32, #tpu.memory_space<vmem_shared>>)
      tpu.yield
    }) : () -> ()
    %add3A_23 = arith.constant 560 : i32
    %add3A_24 = arith.addi %mul3A_2, %add3A_23 : i32
    "tpu.region"() ({
      %run_scoped3A = tpu.sem_alloc : memref<!tpu.dma_semaphore, #tpu.memory_space<semaphore_mem>>
      %dma_start3A = arith.constant 0 : i32
      %dma_start3A_77 = tpu.memref_slice %arg6[%add3A_24, %dma_start3A] : memref<10240x128xf32, #tpu.memory_space<vmem_shared>> -> memref<80x128xf32, #tpu.memory_space<vmem_shared>>
      %dma_start3A_78 = arith.constant 0 : i32
      %dma_start3A_79 = tpu.memref_slice %arg6[%add3A_24, %dma_start3A_78] : memref<10240x128xf32, #tpu.memory_space<vmem_shared>> -> memref<80x128xf32, #tpu.memory_space<vmem_shared>>
      tpu.enqueue_dma source(%arg9 : memref<80x128xf32, #tpu.memory_space<vmem>>) target(%dma_start3A_79 : memref<80x128xf32, #tpu.memory_space<vmem_shared>>) target_semaphore(%run_scoped3A : memref<!tpu.dma_semaphore, #tpu.memory_space<semaphore_mem>>)
      %dma_wait3A = arith.constant 0 : i32
      %dma_wait3A_80 = tpu.memref_slice %arg6[%add3A_24, %dma_wait3A] : memref<10240x128xf32, #tpu.memory_space<vmem_shared>> -> memref<80x128xf32, #tpu.memory_space<vmem_shared>>
      %dma_wait3A_81 = arith.constant 0 : i32
      %dma_wait3A_82 = tpu.memref_slice %arg6[%add3A_24, %dma_wait3A_81] : memref<10240x128xf32, #tpu.memory_space<vmem_shared>> -> memref<80x128xf32, #tpu.memory_space<vmem_shared>>
      tpu.wait_dma2 semaphore(%run_scoped3A : memref<!tpu.dma_semaphore, #tpu.memory_space<semaphore_mem>>) src(%arg9 : memref<80x128xf32, #tpu.memory_space<vmem>>) dst(%dma_wait3A_82 : memref<80x128xf32, #tpu.memory_space<vmem_shared>>)
      tpu.yield
    }) : () -> ()
    %broadcast_in_dim3A_25 = arith.constant 1.000000e+00 : f32
    %broadcast_in_dim3A_26 = vector.broadcast %broadcast_in_dim3A_25 : f32 to vector<16xf32>
    %scan3A_27 = arith.constant 0 : i32
    %scan3A_28 = arith.constant 0 : i32
    %scan3A_29 = arith.constant 80 : i32
    %scan3A_30 = arith.addi %scan3A_28, %scan3A_29 : i32
    %scan3A_31 = arith.constant 1 : i32
    scf.for %scan3A_77 = %scan3A_28 to %scan3A_30 step %scan3A_31  : i32 {
      %swap3A = arith.index_cast %scan3A_77 : i32 to index
      %swap3A_78 = arith.constant 0 : index
      %swap3A_79 = tpu.vector_load %arg9[%swap3A, %swap3A_78] {strides = array<i32>} : memref<80x128xf32, #tpu.memory_space<vmem>>, vector<1x16xf32>,
      %swap3A_80 = vector.shape_cast %swap3A_79 : vector<1x16xf32> to vector<16xf32>
      %swap3A_81 = vector.shape_cast %broadcast_in_dim3A_26 : vector<16xf32> to vector<1x16xf32>
      tpu.vector_store %arg9[%swap3A, %swap3A_78], %swap3A_81 {strides = array<i32>} : memref<80x128xf32, #tpu.memory_space<vmem>>, vector<1x16xf32>,
      %swap3A_82 = arith.index_cast %scan3A_77 : i32 to index
      %swap3A_83 = arith.constant 16 : index
      %swap3A_84 = tpu.vector_load %arg9[%swap3A_82, %swap3A_83] {strides = array<i32>} : memref<80x128xf32, #tpu.memory_space<vmem>>, vector<1x16xf32>,
      %swap3A_85 = vector.shape_cast %swap3A_84 : vector<1x16xf32> to vector<16xf32>
      %swap3A_86 = vector.shape_cast %broadcast_in_dim3A_26 : vector<16xf32> to vector<1x16xf32>
      tpu.vector_store %arg9[%swap3A_82, %swap3A_83], %swap3A_86 {strides = array<i32>} : memref<80x128xf32, #tpu.memory_space<vmem>>, vector<1x16xf32>,
      %swap3A_87 = arith.index_cast %scan3A_77 : i32 to index
      %swap3A_88 = arith.constant 32 : index
      %swap3A_89 = tpu.vector_load %arg9[%swap3A_87, %swap3A_88] {strides = array<i32>} : memref<80x128xf32, #tpu.memory_space<vmem>>, vector<1x16xf32>,
      %swap3A_90 = vector.shape_cast %swap3A_89 : vector<1x16xf32> to vector<16xf32>
      %swap3A_91 = vector.shape_cast %broadcast_in_dim3A_26 : vector<16xf32> to vector<1x16xf32>
      tpu.vector_store %arg9[%swap3A_87, %swap3A_88], %swap3A_91 {strides = array<i32>} : memref<80x128xf32, #tpu.memory_space<vmem>>, vector<1x16xf32>,
      %swap3A_92 = arith.index_cast %scan3A_77 : i32 to index
      %swap3A_93 = arith.constant 48 : index
      %swap3A_94 = tpu.vector_load %arg9[%swap3A_92, %swap3A_93] {strides = array<i32>} : memref<80x128xf32, #tpu.memory_space<vmem>>, vector<1x16xf32>,
      %swap3A_95 = vector.shape_cast %swap3A_94 : vector<1x16xf32> to vector<16xf32>
      %swap3A_96 = vector.shape_cast %broadcast_in_dim3A_26 : vector<16xf32> to vector<1x16xf32>
      tpu.vector_store %arg9[%swap3A_92, %swap3A_93], %swap3A_96 {strides = array<i32>} : memref<80x128xf32, #tpu.memory_space<vmem>>, vector<1x16xf32>,
      %swap3A_97 = arith.index_cast %scan3A_77 : i32 to index
      %swap3A_98 = arith.constant 64 : index
      %swap3A_99 = tpu.vector_load %arg9[%swap3A_97, %swap3A_98] {strides = array<i32>} : memref<80x128xf32, #tpu.memory_space<vmem>>, vector<1x16xf32>,
      %swap3A_100 = vector.shape_cast %swap3A_99 : vector<1x16xf32> to vector<16xf32>
      %swap3A_101 = vector.shape_cast %broadcast_in_dim3A_26 : vector<16xf32> to vector<1x16xf32>
      tpu.vector_store %arg9[%swap3A_97, %swap3A_98], %swap3A_101 {strides = array<i32>} : memref<80x128xf32, #tpu.memory_space<vmem>>, vector<1x16xf32>,
      %swap3A_102 = arith.index_cast %scan3A_77 : i32 to index
      %swap3A_103 = arith.constant 80 : index
      %swap3A_104 = tpu.vector_load %arg9[%swap3A_102, %swap3A_103] {strides = array<i32>} : memref<80x128xf32, #tpu.memory_space<vmem>>, vector<1x16xf32>,
      %swap3A_105 = vector.shape_cast %swap3A_104 : vector<1x16xf32> to vector<16xf32>
      %swap3A_106 = vector.shape_cast %broadcast_in_dim3A_26 : vector<16xf32> to vector<1x16xf32>
      tpu.vector_store %arg9[%swap3A_102, %swap3A_103], %swap3A_106 {strides = array<i32>} : memref<80x128xf32, #tpu.memory_space<vmem>>, vector<1x16xf32>,
      %swap3A_107 = arith.index_cast %scan3A_77 : i32 to index
      %swap3A_108 = arith.constant 96 : index
      %swap3A_109 = tpu.vector_load %arg9[%swap3A_107, %swap3A_108] {strides = array<i32>} : memref<80x128xf32, #tpu.memory_space<vmem>>, vector<1x16xf32>,
      %swap3A_110 = vector.shape_cast %swap3A_109 : vector<1x16xf32> to vector<16xf32>
      %swap3A_111 = vector.shape_cast %broadcast_in_dim3A_26 : vector<16xf32> to vector<1x16xf32>
      tpu.vector_store %arg9[%swap3A_107, %swap3A_108], %swap3A_111 {strides = array<i32>} : memref<80x128xf32, #tpu.memory_space<vmem>>, vector<1x16xf32>,
      %swap3A_112 = arith.index_cast %scan3A_77 : i32 to index
      %swap3A_113 = arith.constant 112 : index
      %swap3A_114 = tpu.vector_load %arg9[%swap3A_112, %swap3A_113] {strides = array<i32>} : memref<80x128xf32, #tpu.memory_space<vmem>>, vector<1x16xf32>,
      %swap3A_115 = vector.shape_cast %swap3A_114 : vector<1x16xf32> to vector<16xf32>
      %swap3A_116 = vector.shape_cast %broadcast_in_dim3A_26 : vector<16xf32> to vector<1x16xf32>
      tpu.vector_store %arg9[%swap3A_112, %swap3A_113], %swap3A_116 {strides = array<i32>} : memref<80x128xf32, #tpu.memory_space<vmem>>, vector<1x16xf32>,
    }
    %scan3A_32 = arith.constant 80 : i32
    %barrier3A = arith.constant 0 : index
    tpu.barrier barrier_id(%barrier3A)
    %mul3A_33 = arith.constant 10000 : i32
    %mul3A_34 = arith.muli %add3A, %mul3A_33 : i32
    %scan3A_35 = arith.constant 0 : i32
    %scan3A_36 = arith.constant 0 : i32
    %scan3A_37 = arith.constant 125 : i32
    %scan3A_38 = arith.addi %scan3A_36, %scan3A_37 : i32
    %scan3A_39 = arith.constant 1 : i32
    scf.for %scan3A_77 = %scan3A_36 to %scan3A_38 step %scan3A_39  : i32 {
      %mul3A_78 = arith.constant 80 : i32
      %mul3A_79 = arith.muli %scan3A_77, %mul3A_78 : i32
      %add3A_80 = arith.addi %mul3A_34, %mul3A_79 : i32
      "tpu.region"() ({
        %run_scoped3A = tpu.sem_alloc : memref<!tpu.dma_semaphore, #tpu.memory_space<semaphore_mem>>
        %dma_start3A = tpu.memref_slice %arg4[%add3A_80] : memref<320000xi32, #tpu.memory_space<hbm>> -> memref<80xi32, #tpu.memory_space<hbm>>
        %dma_start3A_81 = tpu.memref_slice %arg4[%add3A_80] : memref<320000xi32, #tpu.memory_space<hbm>> -> memref<80xi32, #tpu.memory_space<hbm>>
        tpu.enqueue_dma source(%dma_start3A_81 : memref<80xi32, #tpu.memory_space<hbm>>) target(%arg8 : memref<80xi32, #tpu.memory_space<vmem>>) target_semaphore(%run_scoped3A : memref<!tpu.dma_semaphore, #tpu.memory_space<semaphore_mem>>)
        %dma_wait3A = tpu.memref_slice %arg4[%add3A_80] : memref<320000xi32, #tpu.memory_space<hbm>> -> memref<80xi32, #tpu.memory_space<hbm>>
        %dma_wait3A_82 = tpu.memref_slice %arg4[%add3A_80] : memref<320000xi32, #tpu.memory_space<hbm>> -> memref<80xi32, #tpu.memory_space<hbm>>
        tpu.wait_dma2 semaphore(%run_scoped3A : memref<!tpu.dma_semaphore, #tpu.memory_space<semaphore_mem>>) src(%dma_wait3A_82 : memref<80xi32, #tpu.memory_space<hbm>>) dst(%arg8 : memref<80xi32, #tpu.memory_space<vmem>>)
        tpu.yield
      }) : () -> ()
      "tpu.region"() ({
        %run_scoped3A = tpu.sem_alloc : memref<!tpu.dma_semaphore, #tpu.memory_space<semaphore_mem>>
        %dma_start3A = arith.constant 0 : i32
        %dma_start3A_81 = arith.constant 0 : i32
        %dma_start3A_82 = tpu.memref_slice %arg6[%dma_start3A, %dma_start3A_81] : memref<10240x128xf32, #tpu.memory_space<vmem_shared>> -> memref<10240x128xf32, #tpu.memory_space<vmem_shared>>
        tpu.enqueue_indirect_dma source(%arg9 : memref<80x128xf32, #tpu.memory_space<vmem>>) target(%dma_start3A_82 : memref<10240x128xf32, #tpu.memory_space<vmem_shared>>) offsets(%arg8 : memref<80xi32, #tpu.memory_space<vmem>>) semaphore(%run_scoped3A : memref<!tpu.dma_semaphore, #tpu.memory_space<semaphore_mem>>) {add = true}
        %dma_wait3A = arith.constant 0 : i32
        %dma_wait3A_83 = arith.constant 0 : i32
        %dma_wait3A_84 = tpu.memref_slice %arg6[%dma_wait3A, %dma_wait3A_83] : memref<10240x128xf32, #tpu.memory_space<vmem_shared>> -> memref<10240x128xf32, #tpu.memory_space<vmem_shared>>
        tpu.wait_indirect_dma semaphore(%run_scoped3A : memref<!tpu.dma_semaphore, #tpu.memory_space<semaphore_mem>>) src(%arg9 : memref<80x128xf32, #tpu.memory_space<vmem>>) dst(%dma_wait3A_84 : memref<10240x128xf32, #tpu.memory_space<vmem_shared>>)
        tpu.yield
      }) : () -> ()
    }
    %scan3A_40 = arith.constant 125 : i32
    %barrier3A_41 = arith.constant 0 : index
    tpu.barrier barrier_id(%barrier3A_41)
    %mul3A_42 = arith.constant 10240 : i32
    %mul3A_43 = arith.muli %arg0, %mul3A_42 : i32
    %add3A_44 = arith.addi %mul3A_43, %mul3A_2 : i32
    %add3A_45 = arith.constant 0 : i32
    %add3A_46 = arith.addi %mul3A_2, %add3A_45 : i32
    "tpu.region"() ({
      %run_scoped3A = tpu.sem_alloc : memref<!tpu.dma_semaphore, #tpu.memory_space<semaphore_mem>>
      %dma_start3A = arith.constant 0 : i32
      %dma_start3A_77 = tpu.memref_slice %arg6[%add3A_46, %dma_start3A] : memref<10240x128xf32, #tpu.memory_space<vmem_shared>> -> memref<80x128xf32, #tpu.memory_space<vmem_shared>>
      %dma_start3A_78 = arith.constant 0 : i32
      %dma_start3A_79 = tpu.memref_slice %arg6[%add3A_46, %dma_start3A_78] : memref<10240x128xf32, #tpu.memory_space<vmem_shared>> -> memref<80x128xf32, #tpu.memory_space<vmem_shared>>
      tpu.enqueue_dma source(%dma_start3A_79 : memref<80x128xf32, #tpu.memory_space<vmem_shared>>) target(%arg9 : memref<80x128xf32, #tpu.memory_space<vmem>>) target_semaphore(%run_scoped3A : memref<!tpu.dma_semaphore, #tpu.memory_space<semaphore_mem>>)
      %dma_wait3A = arith.constant 0 : i32
      %dma_wait3A_80 = tpu.memref_slice %arg6[%add3A_46, %dma_wait3A] : memref<10240x128xf32, #tpu.memory_space<vmem_shared>> -> memref<80x128xf32, #tpu.memory_space<vmem_shared>>
      %dma_wait3A_81 = arith.constant 0 : i32
      %dma_wait3A_82 = tpu.memref_slice %arg6[%add3A_46, %dma_wait3A_81] : memref<10240x128xf32, #tpu.memory_space<vmem_shared>> -> memref<80x128xf32, #tpu.memory_space<vmem_shared>>
      tpu.wait_dma2 semaphore(%run_scoped3A : memref<!tpu.dma_semaphore, #tpu.memory_space<semaphore_mem>>) src(%dma_wait3A_82 : memref<80x128xf32, #tpu.memory_space<vmem_shared>>) dst(%arg9 : memref<80x128xf32, #tpu.memory_space<vmem>>)
      tpu.yield
    }) : () -> ()
    %add3A_47 = arith.constant 0 : i32
    %add3A_48 = arith.addi %add3A_44, %add3A_47 : i32
    "tpu.region"() ({
      %run_scoped3A = tpu.sem_alloc : memref<!tpu.dma_semaphore, #tpu.memory_space<semaphore_mem>>
      %dma_start3A = arith.constant 0 : i32
      %dma_start3A_77 = tpu.memref_slice %arg5[%add3A_48, %dma_start3A] : memref<20480x128xf32, #tpu.memory_space<hbm>> -> memref<80x128xf32, #tpu.memory_space<hbm>>
      %dma_start3A_78 = arith.constant 0 : i32
      %dma_start3A_79 = tpu.memref_slice %arg5[%add3A_48, %dma_start3A_78] : memref<20480x128xf32, #tpu.memory_space<hbm>> -> memref<80x128xf32, #tpu.memory_space<hbm>>
      tpu.enqueue_dma source(%arg9 : memref<80x128xf32, #tpu.memory_space<vmem>>) target(%dma_start3A_79 : memref<80x128xf32, #tpu.memory_space<hbm>>) target_semaphore(%run_scoped3A : memref<!tpu.dma_semaphore, #tpu.memory_space<semaphore_mem>>)
      %dma_wait3A = arith.constant 0 : i32
      %dma_wait3A_80 = tpu.memref_slice %arg5[%add3A_48, %dma_wait3A] : memref<20480x128xf32, #tpu.memory_space<hbm>> -> memref<80x128xf32, #tpu.memory_space<hbm>>
      %dma_wait3A_81 = arith.constant 0 : i32
      %dma_wait3A_82 = tpu.memref_slice %arg5[%add3A_48, %dma_wait3A_81] : memref<20480x128xf32, #tpu.memory_space<hbm>> -> memref<80x128xf32, #tpu.memory_space<hbm>>
      tpu.wait_dma2 semaphore(%run_scoped3A : memref<!tpu.dma_semaphore, #tpu.memory_space<semaphore_mem>>) src(%arg9 : memref<80x128xf32, #tpu.memory_space<vmem>>) dst(%dma_wait3A_82 : memref<80x128xf32, #tpu.memory_space<hbm>>)
      tpu.yield
    }) : () -> ()
    %add3A_49 = arith.constant 80 : i32
    %add3A_50 = arith.addi %mul3A_2, %add3A_49 : i32
    "tpu.region"() ({
      %run_scoped3A = tpu.sem_alloc : memref<!tpu.dma_semaphore, #tpu.memory_space<semaphore_mem>>
      %dma_start3A = arith.constant 0 : i32
      %dma_start3A_77 = tpu.memref_slice %arg6[%add3A_50, %dma_start3A] : memref<10240x128xf32, #tpu.memory_space<vmem_shared>> -> memref<80x128xf32, #tpu.memory_space<vmem_shared>>
      %dma_start3A_78 = arith.constant 0 : i32
      %dma_start3A_79 = tpu.memref_slice %arg6[%add3A_50, %dma_start3A_78] : memref<10240x128xf32, #tpu.memory_space<vmem_shared>> -> memref<80x128xf32, #tpu.memory_space<vmem_shared>>
      tpu.enqueue_dma source(%dma_start3A_79 : memref<80x128xf32, #tpu.memory_space<vmem_shared>>) target(%arg9 : memref<80x128xf32, #tpu.memory_space<vmem>>) target_semaphore(%run_scoped3A : memref<!tpu.dma_semaphore, #tpu.memory_space<semaphore_mem>>)
      %dma_wait3A = arith.constant 0 : i32
      %dma_wait3A_80 = tpu.memref_slice %arg6[%add3A_50, %dma_wait3A] : memref<10240x128xf32, #tpu.memory_space<vmem_shared>> -> memref<80x128xf32, #tpu.memory_space<vmem_shared>>
      %dma_wait3A_81 = arith.constant 0 : i32
      %dma_wait3A_82 = tpu.memref_slice %arg6[%add3A_50, %dma_wait3A_81] : memref<10240x128xf32, #tpu.memory_space<vmem_shared>> -> memref<80x128xf32, #tpu.memory_space<vmem_shared>>
      tpu.wait_dma2 semaphore(%run_scoped3A : memref<!tpu.dma_semaphore, #tpu.memory_space<semaphore_mem>>) src(%dma_wait3A_82 : memref<80x128xf32, #tpu.memory_space<vmem_shared>>) dst(%arg9 : memref<80x128xf32, #tpu.memory_space<vmem>>)
      tpu.yield
    }) : () -> ()
    %add3A_51 = arith.constant 80 : i32
    %add3A_52 = arith.addi %add3A_44, %add3A_51 : i32
    "tpu.region"() ({
      %run_scoped3A = tpu.sem_alloc : memref<!tpu.dma_semaphore, #tpu.memory_space<semaphore_mem>>
      %dma_start3A = arith.constant 0 : i32
      %dma_start3A_77 = tpu.memref_slice %arg5[%add3A_52, %dma_start3A] : memref<20480x128xf32, #tpu.memory_space<hbm>> -> memref<80x128xf32, #tpu.memory_space<hbm>>
      %dma_start3A_78 = arith.constant 0 : i32
      %dma_start3A_79 = tpu.memref_slice %arg5[%add3A_52, %dma_start3A_78] : memref<20480x128xf32, #tpu.memory_space<hbm>> -> memref<80x128xf32, #tpu.memory_space<hbm>>
      tpu.enqueue_dma source(%arg9 : memref<80x128xf32, #tpu.memory_space<vmem>>) target(%dma_start3A_79 : memref<80x128xf32, #tpu.memory_space<hbm>>) target_semaphore(%run_scoped3A : memref<!tpu.dma_semaphore, #tpu.memory_space<semaphore_mem>>)
      %dma_wait3A = arith.constant 0 : i32
      %dma_wait3A_80 = tpu.memref_slice %arg5[%add3A_52, %dma_wait3A] : memref<20480x128xf32, #tpu.memory_space<hbm>> -> memref<80x128xf32, #tpu.memory_space<hbm>>
      %dma_wait3A_81 = arith.constant 0 : i32
      %dma_wait3A_82 = tpu.memref_slice %arg5[%add3A_52, %dma_wait3A_81] : memref<20480x128xf32, #tpu.memory_space<hbm>> -> memref<80x128xf32, #tpu.memory_space<hbm>>
      tpu.wait_dma2 semaphore(%run_scoped3A : memref<!tpu.dma_semaphore, #tpu.memory_space<semaphore_mem>>) src(%arg9 : memref<80x128xf32, #tpu.memory_space<vmem>>) dst(%dma_wait3A_82 : memref<80x128xf32, #tpu.memory_space<hbm>>)
      tpu.yield
    }) : () -> ()
    %add3A_53 = arith.constant 160 : i32
    %add3A_54 = arith.addi %mul3A_2, %add3A_53 : i32
    "tpu.region"() ({
      %run_scoped3A = tpu.sem_alloc : memref<!tpu.dma_semaphore, #tpu.memory_space<semaphore_mem>>
      %dma_start3A = arith.constant 0 : i32
      %dma_start3A_77 = tpu.memref_slice %arg6[%add3A_54, %dma_start3A] : memref<10240x128xf32, #tpu.memory_space<vmem_shared>> -> memref<80x128xf32, #tpu.memory_space<vmem_shared>>
      %dma_start3A_78 = arith.constant 0 : i32
      %dma_start3A_79 = tpu.memref_slice %arg6[%add3A_54, %dma_start3A_78] : memref<10240x128xf32, #tpu.memory_space<vmem_shared>> -> memref<80x128xf32, #tpu.memory_space<vmem_shared>>
      tpu.enqueue_dma source(%dma_start3A_79 : memref<80x128xf32, #tpu.memory_space<vmem_shared>>) target(%arg9 : memref<80x128xf32, #tpu.memory_space<vmem>>) target_semaphore(%run_scoped3A : memref<!tpu.dma_semaphore, #tpu.memory_space<semaphore_mem>>)
      %dma_wait3A = arith.constant 0 : i32
      %dma_wait3A_80 = tpu.memref_slice %arg6[%add3A_54, %dma_wait3A] : memref<10240x128xf32, #tpu.memory_space<vmem_shared>> -> memref<80x128xf32, #tpu.memory_space<vmem_shared>>
      %dma_wait3A_81 = arith.constant 0 : i32
      %dma_wait3A_82 = tpu.memref_slice %arg6[%add3A_54, %dma_wait3A_81] : memref<10240x128xf32, #tpu.memory_space<vmem_shared>> -> memref<80x128xf32, #tpu.memory_space<vmem_shared>>
      tpu.wait_dma2 semaphore(%run_scoped3A : memref<!tpu.dma_semaphore, #tpu.memory_space<semaphore_mem>>) src(%dma_wait3A_82 : memref<80x128xf32, #tpu.memory_space<vmem_shared>>) dst(%arg9 : memref<80x128xf32, #tpu.memory_space<vmem>>)
      tpu.yield
    }) : () -> ()
    %add3A_55 = arith.constant 160 : i32
    %add3A_56 = arith.addi %add3A_44, %add3A_55 : i32
    "tpu.region"() ({
      %run_scoped3A = tpu.sem_alloc : memref<!tpu.dma_semaphore, #tpu.memory_space<semaphore_mem>>
      %dma_start3A = arith.constant 0 : i32
      %dma_start3A_77 = tpu.memref_slice %arg5[%add3A_56, %dma_start3A] : memref<20480x128xf32, #tpu.memory_space<hbm>> -> memref<80x128xf32, #tpu.memory_space<hbm>>
      %dma_start3A_78 = arith.constant 0 : i32
      %dma_start3A_79 = tpu.memref_slice %arg5[%add3A_56, %dma_start3A_78] : memref<20480x128xf32, #tpu.memory_space<hbm>> -> memref<80x128xf32, #tpu.memory_space<hbm>>
      tpu.enqueue_dma source(%arg9 : memref<80x128xf32, #tpu.memory_space<vmem>>) target(%dma_start3A_79 : memref<80x128xf32, #tpu.memory_space<hbm>>) target_semaphore(%run_scoped3A : memref<!tpu.dma_semaphore, #tpu.memory_space<semaphore_mem>>)
      %dma_wait3A = arith.constant 0 : i32
      %dma_wait3A_80 = tpu.memref_slice %arg5[%add3A_56, %dma_wait3A] : memref<20480x128xf32, #tpu.memory_space<hbm>> -> memref<80x128xf32, #tpu.memory_space<hbm>>
      %dma_wait3A_81 = arith.constant 0 : i32
      %dma_wait3A_82 = tpu.memref_slice %arg5[%add3A_56, %dma_wait3A_81] : memref<20480x128xf32, #tpu.memory_space<hbm>> -> memref<80x128xf32, #tpu.memory_space<hbm>>
      tpu.wait_dma2 semaphore(%run_scoped3A : memref<!tpu.dma_semaphore, #tpu.memory_space<semaphore_mem>>) src(%arg9 : memref<80x128xf32, #tpu.memory_space<vmem>>) dst(%dma_wait3A_82 : memref<80x128xf32, #tpu.memory_space<hbm>>)
      tpu.yield
    }) : () -> ()
    %add3A_57 = arith.constant 240 : i32
    %add3A_58 = arith.addi %mul3A_2, %add3A_57 : i32
    "tpu.region"() ({
      %run_scoped3A = tpu.sem_alloc : memref<!tpu.dma_semaphore, #tpu.memory_space<semaphore_mem>>
      %dma_start3A = arith.constant 0 : i32
      %dma_start3A_77 = tpu.memref_slice %arg6[%add3A_58, %dma_start3A] : memref<10240x128xf32, #tpu.memory_space<vmem_shared>> -> memref<80x128xf32, #tpu.memory_space<vmem_shared>>
      %dma_start3A_78 = arith.constant 0 : i32
      %dma_start3A_79 = tpu.memref_slice %arg6[%add3A_58, %dma_start3A_78] : memref<10240x128xf32, #tpu.memory_space<vmem_shared>> -> memref<80x128xf32, #tpu.memory_space<vmem_shared>>
      tpu.enqueue_dma source(%dma_start3A_79 : memref<80x128xf32, #tpu.memory_space<vmem_shared>>) target(%arg9 : memref<80x128xf32, #tpu.memory_space<vmem>>) target_semaphore(%run_scoped3A : memref<!tpu.dma_semaphore, #tpu.memory_space<semaphore_mem>>)
      %dma_wait3A = arith.constant 0 : i32
      %dma_wait3A_80 = tpu.memref_slice %arg6[%add3A_58, %dma_wait3A] : memref<10240x128xf32, #tpu.memory_space<vmem_shared>> -> memref<80x128xf32, #tpu.memory_space<vmem_shared>>
      %dma_wait3A_81 = arith.constant 0 : i32
      %dma_wait3A_82 = tpu.memref_slice %arg6[%add3A_58, %dma_wait3A_81] : memref<10240x128xf32, #tpu.memory_space<vmem_shared>> -> memref<80x128xf32, #tpu.memory_space<vmem_shared>>
      tpu.wait_dma2 semaphore(%run_scoped3A : memref<!tpu.dma_semaphore, #tpu.memory_space<semaphore_mem>>) src(%dma_wait3A_82 : memref<80x128xf32, #tpu.memory_space<vmem_shared>>) dst(%arg9 : memref<80x128xf32, #tpu.memory_space<vmem>>)
      tpu.yield
    }) : () -> ()
    %add3A_59 = arith.constant 240 : i32
    %add3A_60 = arith.addi %add3A_44, %add3A_59 : i32
    "tpu.region"() ({
      %run_scoped3A = tpu.sem_alloc : memref<!tpu.dma_semaphore, #tpu.memory_space<semaphore_mem>>
      %dma_start3A = arith.constant 0 : i32
      %dma_start3A_77 = tpu.memref_slice %arg5[%add3A_60, %dma_start3A] : memref<20480x128xf32, #tpu.memory_space<hbm>> -> memref<80x128xf32, #tpu.memory_space<hbm>>
      %dma_start3A_78 = arith.constant 0 : i32
      %dma_start3A_79 = tpu.memref_slice %arg5[%add3A_60, %dma_start3A_78] : memref<20480x128xf32, #tpu.memory_space<hbm>> -> memref<80x128xf32, #tpu.memory_space<hbm>>
      tpu.enqueue_dma source(%arg9 : memref<80x128xf32, #tpu.memory_space<vmem>>) target(%dma_start3A_79 : memref<80x128xf32, #tpu.memory_space<hbm>>) target_semaphore(%run_scoped3A : memref<!tpu.dma_semaphore, #tpu.memory_space<semaphore_mem>>)
      %dma_wait3A = arith.constant 0 : i32
      %dma_wait3A_80 = tpu.memref_slice %arg5[%add3A_60, %dma_wait3A] : memref<20480x128xf32, #tpu.memory_space<hbm>> -> memref<80x128xf32, #tpu.memory_space<hbm>>
      %dma_wait3A_81 = arith.constant 0 : i32
      %dma_wait3A_82 = tpu.memref_slice %arg5[%add3A_60, %dma_wait3A_81] : memref<20480x128xf32, #tpu.memory_space<hbm>> -> memref<80x128xf32, #tpu.memory_space<hbm>>
      tpu.wait_dma2 semaphore(%run_scoped3A : memref<!tpu.dma_semaphore, #tpu.memory_space<semaphore_mem>>) src(%arg9 : memref<80x128xf32, #tpu.memory_space<vmem>>) dst(%dma_wait3A_82 : memref<80x128xf32, #tpu.memory_space<hbm>>)
      tpu.yield
    }) : () -> ()
    %add3A_61 = arith.constant 320 : i32
    %add3A_62 = arith.addi %mul3A_2, %add3A_61 : i32
    "tpu.region"() ({
      %run_scoped3A = tpu.sem_alloc : memref<!tpu.dma_semaphore, #tpu.memory_space<semaphore_mem>>
      %dma_start3A = arith.constant 0 : i32
      %dma_start3A_77 = tpu.memref_slice %arg6[%add3A_62, %dma_start3A] : memref<10240x128xf32, #tpu.memory_space<vmem_shared>> -> memref<80x128xf32, #tpu.memory_space<vmem_shared>>
      %dma_start3A_78 = arith.constant 0 : i32
      %dma_start3A_79 = tpu.memref_slice %arg6[%add3A_62, %dma_start3A_78] : memref<10240x128xf32, #tpu.memory_space<vmem_shared>> -> memref<80x128xf32, #tpu.memory_space<vmem_shared>>
      tpu.enqueue_dma source(%dma_start3A_79 : memref<80x128xf32, #tpu.memory_space<vmem_shared>>) target(%arg9 : memref<80x128xf32, #tpu.memory_space<vmem>>) target_semaphore(%run_scoped3A : memref<!tpu.dma_semaphore, #tpu.memory_space<semaphore_mem>>)
      %dma_wait3A = arith.constant 0 : i32
      %dma_wait3A_80 = tpu.memref_slice %arg6[%add3A_62, %dma_wait3A] : memref<10240x128xf32, #tpu.memory_space<vmem_shared>> -> memref<80x128xf32, #tpu.memory_space<vmem_shared>>
      %dma_wait3A_81 = arith.constant 0 : i32
      %dma_wait3A_82 = tpu.memref_slice %arg6[%add3A_62, %dma_wait3A_81] : memref<10240x128xf32, #tpu.memory_space<vmem_shared>> -> memref<80x128xf32, #tpu.memory_space<vmem_shared>>
      tpu.wait_dma2 semaphore(%run_scoped3A : memref<!tpu.dma_semaphore, #tpu.memory_space<semaphore_mem>>) src(%dma_wait3A_82 : memref<80x128xf32, #tpu.memory_space<vmem_shared>>) dst(%arg9 : memref<80x128xf32, #tpu.memory_space<vmem>>)
      tpu.yield
    }) : () -> ()
    %add3A_63 = arith.constant 320 : i32
    %add3A_64 = arith.addi %add3A_44, %add3A_63 : i32
    "tpu.region"() ({
      %run_scoped3A = tpu.sem_alloc : memref<!tpu.dma_semaphore, #tpu.memory_space<semaphore_mem>>
      %dma_start3A = arith.constant 0 : i32
      %dma_start3A_77 = tpu.memref_slice %arg5[%add3A_64, %dma_start3A] : memref<20480x128xf32, #tpu.memory_space<hbm>> -> memref<80x128xf32, #tpu.memory_space<hbm>>
      %dma_start3A_78 = arith.constant 0 : i32
      %dma_start3A_79 = tpu.memref_slice %arg5[%add3A_64, %dma_start3A_78] : memref<20480x128xf32, #tpu.memory_space<hbm>> -> memref<80x128xf32, #tpu.memory_space<hbm>>
      tpu.enqueue_dma source(%arg9 : memref<80x128xf32, #tpu.memory_space<vmem>>) target(%dma_start3A_79 : memref<80x128xf32, #tpu.memory_space<hbm>>) target_semaphore(%run_scoped3A : memref<!tpu.dma_semaphore, #tpu.memory_space<semaphore_mem>>)
      %dma_wait3A = arith.constant 0 : i32
      %dma_wait3A_80 = tpu.memref_slice %arg5[%add3A_64, %dma_wait3A] : memref<20480x128xf32, #tpu.memory_space<hbm>> -> memref<80x128xf32, #tpu.memory_space<hbm>>
      %dma_wait3A_81 = arith.constant 0 : i32
      %dma_wait3A_82 = tpu.memref_slice %arg5[%add3A_64, %dma_wait3A_81] : memref<20480x128xf32, #tpu.memory_space<hbm>> -> memref<80x128xf32, #tpu.memory_space<hbm>>
      tpu.wait_dma2 semaphore(%run_scoped3A : memref<!tpu.dma_semaphore, #tpu.memory_space<semaphore_mem>>) src(%arg9 : memref<80x128xf32, #tpu.memory_space<vmem>>) dst(%dma_wait3A_82 : memref<80x128xf32, #tpu.memory_space<hbm>>)
      tpu.yield
    }) : () -> ()
    %add3A_65 = arith.constant 400 : i32
    %add3A_66 = arith.addi %mul3A_2, %add3A_65 : i32
    "tpu.region"() ({
      %run_scoped3A = tpu.sem_alloc : memref<!tpu.dma_semaphore, #tpu.memory_space<semaphore_mem>>
      %dma_start3A = arith.constant 0 : i32
      %dma_start3A_77 = tpu.memref_slice %arg6[%add3A_66, %dma_start3A] : memref<10240x128xf32, #tpu.memory_space<vmem_shared>> -> memref<80x128xf32, #tpu.memory_space<vmem_shared>>
      %dma_start3A_78 = arith.constant 0 : i32
      %dma_start3A_79 = tpu.memref_slice %arg6[%add3A_66, %dma_start3A_78] : memref<10240x128xf32, #tpu.memory_space<vmem_shared>> -> memref<80x128xf32, #tpu.memory_space<vmem_shared>>
      tpu.enqueue_dma source(%dma_start3A_79 : memref<80x128xf32, #tpu.memory_space<vmem_shared>>) target(%arg9 : memref<80x128xf32, #tpu.memory_space<vmem>>) target_semaphore(%run_scoped3A : memref<!tpu.dma_semaphore, #tpu.memory_space<semaphore_mem>>)
      %dma_wait3A = arith.constant 0 : i32
      %dma_wait3A_80 = tpu.memref_slice %arg6[%add3A_66, %dma_wait3A] : memref<10240x128xf32, #tpu.memory_space<vmem_shared>> -> memref<80x128xf32, #tpu.memory_space<vmem_shared>>
      %dma_wait3A_81 = arith.constant 0 : i32
      %dma_wait3A_82 = tpu.memref_slice %arg6[%add3A_66, %dma_wait3A_81] : memref<10240x128xf32, #tpu.memory_space<vmem_shared>> -> memref<80x128xf32, #tpu.memory_space<vmem_shared>>
      tpu.wait_dma2 semaphore(%run_scoped3A : memref<!tpu.dma_semaphore, #tpu.memory_space<semaphore_mem>>) src(%dma_wait3A_82 : memref<80x128xf32, #tpu.memory_space<vmem_shared>>) dst(%arg9 : memref<80x128xf32, #tpu.memory_space<vmem>>)
      tpu.yield
    }) : () -> ()
    %add3A_67 = arith.constant 400 : i32
    %add3A_68 = arith.addi %add3A_44, %add3A_67 : i32
    "tpu.region"() ({
      %run_scoped3A = tpu.sem_alloc : memref<!tpu.dma_semaphore, #tpu.memory_space<semaphore_mem>>
      %dma_start3A = arith.constant 0 : i32
      %dma_start3A_77 = tpu.memref_slice %arg5[%add3A_68, %dma_start3A] : memref<20480x128xf32, #tpu.memory_space<hbm>> -> memref<80x128xf32, #tpu.memory_space<hbm>>
      %dma_start3A_78 = arith.constant 0 : i32
      %dma_start3A_79 = tpu.memref_slice %arg5[%add3A_68, %dma_start3A_78] : memref<20480x128xf32, #tpu.memory_space<hbm>> -> memref<80x128xf32, #tpu.memory_space<hbm>>
      tpu.enqueue_dma source(%arg9 : memref<80x128xf32, #tpu.memory_space<vmem>>) target(%dma_start3A_79 : memref<80x128xf32, #tpu.memory_space<hbm>>) target_semaphore(%run_scoped3A : memref<!tpu.dma_semaphore, #tpu.memory_space<semaphore_mem>>)
      %dma_wait3A = arith.constant 0 : i32
      %dma_wait3A_80 = tpu.memref_slice %arg5[%add3A_68, %dma_wait3A] : memref<20480x128xf32, #tpu.memory_space<hbm>> -> memref<80x128xf32, #tpu.memory_space<hbm>>
      %dma_wait3A_81 = arith.constant 0 : i32
      %dma_wait3A_82 = tpu.memref_slice %arg5[%add3A_68, %dma_wait3A_81] : memref<20480x128xf32, #tpu.memory_space<hbm>> -> memref<80x128xf32, #tpu.memory_space<hbm>>
      tpu.wait_dma2 semaphore(%run_scoped3A : memref<!tpu.dma_semaphore, #tpu.memory_space<semaphore_mem>>) src(%arg9 : memref<80x128xf32, #tpu.memory_space<vmem>>) dst(%dma_wait3A_82 : memref<80x128xf32, #tpu.memory_space<hbm>>)
      tpu.yield
    }) : () -> ()
    %add3A_69 = arith.constant 480 : i32
    %add3A_70 = arith.addi %mul3A_2, %add3A_69 : i32
    "tpu.region"() ({
      %run_scoped3A = tpu.sem_alloc : memref<!tpu.dma_semaphore, #tpu.memory_space<semaphore_mem>>
      %dma_start3A = arith.constant 0 : i32
      %dma_start3A_77 = tpu.memref_slice %arg6[%add3A_70, %dma_start3A] : memref<10240x128xf32, #tpu.memory_space<vmem_shared>> -> memref<80x128xf32, #tpu.memory_space<vmem_shared>>
      %dma_start3A_78 = arith.constant 0 : i32
      %dma_start3A_79 = tpu.memref_slice %arg6[%add3A_70, %dma_start3A_78] : memref<10240x128xf32, #tpu.memory_space<vmem_shared>> -> memref<80x128xf32, #tpu.memory_space<vmem_shared>>
      tpu.enqueue_dma source(%dma_start3A_79 : memref<80x128xf32, #tpu.memory_space<vmem_shared>>) target(%arg9 : memref<80x128xf32, #tpu.memory_space<vmem>>) target_semaphore(%run_scoped3A : memref<!tpu.dma_semaphore, #tpu.memory_space<semaphore_mem>>)
      %dma_wait3A = arith.constant 0 : i32
      %dma_wait3A_80 = tpu.memref_slice %arg6[%add3A_70, %dma_wait3A] : memref<10240x128xf32, #tpu.memory_space<vmem_shared>> -> memref<80x128xf32, #tpu.memory_space<vmem_shared>>
      %dma_wait3A_81 = arith.constant 0 : i32
      %dma_wait3A_82 = tpu.memref_slice %arg6[%add3A_70, %dma_wait3A_81] : memref<10240x128xf32, #tpu.memory_space<vmem_shared>> -> memref<80x128xf32, #tpu.memory_space<vmem_shared>>
      tpu.wait_dma2 semaphore(%run_scoped3A : memref<!tpu.dma_semaphore, #tpu.memory_space<semaphore_mem>>) src(%dma_wait3A_82 : memref<80x128xf32, #tpu.memory_space<vmem_shared>>) dst(%arg9 : memref<80x128xf32, #tpu.memory_space<vmem>>)
      tpu.yield
    }) : () -> ()
    %add3A_71 = arith.constant 480 : i32
    %add3A_72 = arith.addi %add3A_44, %add3A_71 : i32
    "tpu.region"() ({
      %run_scoped3A = tpu.sem_alloc : memref<!tpu.dma_semaphore, #tpu.memory_space<semaphore_mem>>
      %dma_start3A = arith.constant 0 : i32
      %dma_start3A_77 = tpu.memref_slice %arg5[%add3A_72, %dma_start3A] : memref<20480x128xf32, #tpu.memory_space<hbm>> -> memref<80x128xf32, #tpu.memory_space<hbm>>
      %dma_start3A_78 = arith.constant 0 : i32
      %dma_start3A_79 = tpu.memref_slice %arg5[%add3A_72, %dma_start3A_78] : memref<20480x128xf32, #tpu.memory_space<hbm>> -> memref<80x128xf32, #tpu.memory_space<hbm>>
      tpu.enqueue_dma source(%arg9 : memref<80x128xf32, #tpu.memory_space<vmem>>) target(%dma_start3A_79 : memref<80x128xf32, #tpu.memory_space<hbm>>) target_semaphore(%run_scoped3A : memref<!tpu.dma_semaphore, #tpu.memory_space<semaphore_mem>>)
      %dma_wait3A = arith.constant 0 : i32
      %dma_wait3A_80 = tpu.memref_slice %arg5[%add3A_72, %dma_wait3A] : memref<20480x128xf32, #tpu.memory_space<hbm>> -> memref<80x128xf32, #tpu.memory_space<hbm>>
      %dma_wait3A_81 = arith.constant 0 : i32
      %dma_wait3A_82 = tpu.memref_slice %arg5[%add3A_72, %dma_wait3A_81] : memref<20480x128xf32, #tpu.memory_space<hbm>> -> memref<80x128xf32, #tpu.memory_space<hbm>>
      tpu.wait_dma2 semaphore(%run_scoped3A : memref<!tpu.dma_semaphore, #tpu.memory_space<semaphore_mem>>) src(%arg9 : memref<80x128xf32, #tpu.memory_space<vmem>>) dst(%dma_wait3A_82 : memref<80x128xf32, #tpu.memory_space<hbm>>)
      tpu.yield
    }) : () -> ()
    %add3A_73 = arith.constant 560 : i32
    %add3A_74 = arith.addi %mul3A_2, %add3A_73 : i32
    "tpu.region"() ({
      %run_scoped3A = tpu.sem_alloc : memref<!tpu.dma_semaphore, #tpu.memory_space<semaphore_mem>>
      %dma_start3A = arith.constant 0 : i32
      %dma_start3A_77 = tpu.memref_slice %arg6[%add3A_74, %dma_start3A] : memref<10240x128xf32, #tpu.memory_space<vmem_shared>> -> memref<80x128xf32, #tpu.memory_space<vmem_shared>>
      %dma_start3A_78 = arith.constant 0 : i32
      %dma_start3A_79 = tpu.memref_slice %arg6[%add3A_74, %dma_start3A_78] : memref<10240x128xf32, #tpu.memory_space<vmem_shared>> -> memref<80x128xf32, #tpu.memory_space<vmem_shared>>
      tpu.enqueue_dma source(%dma_start3A_79 : memref<80x128xf32, #tpu.memory_space<vmem_shared>>) target(%arg9 : memref<80x128xf32, #tpu.memory_space<vmem>>) target_semaphore(%run_scoped3A : memref<!tpu.dma_semaphore, #tpu.memory_space<semaphore_mem>>)
      %dma_wait3A = arith.constant 0 : i32
      %dma_wait3A_80 = tpu.memref_slice %arg6[%add3A_74, %dma_wait3A] : memref<10240x128xf32, #tpu.memory_space<vmem_shared>> -> memref<80x128xf32, #tpu.memory_space<vmem_shared>>
      %dma_wait3A_81 = arith.constant 0 : i32
      %dma_wait3A_82 = tpu.memref_slice %arg6[%add3A_74, %dma_wait3A_81] : memref<10240x128xf32, #tpu.memory_space<vmem_shared>> -> memref<80x128xf32, #tpu.memory_space<vmem_shared>>
      tpu.wait_dma2 semaphore(%run_scoped3A : memref<!tpu.dma_semaphore, #tpu.memory_space<semaphore_mem>>) src(%dma_wait3A_82 : memref<80x128xf32, #tpu.memory_space<vmem_shared>>) dst(%arg9 : memref<80x128xf32, #tpu.memory_space<vmem>>)
      tpu.yield
    }) : () -> ()
    %add3A_75 = arith.constant 560 : i32
    %add3A_76 = arith.addi %add3A_44, %add3A_75 : i32
    "tpu.region"() ({
      %run_scoped3A = tpu.sem_alloc : memref<!tpu.dma_semaphore, #tpu.memory_space<semaphore_mem>>
      %dma_start3A = arith.constant 0 : i32
      %dma_start3A_77 = tpu.memref_slice %arg5[%add3A_76, %dma_start3A] : memref<20480x128xf32, #tpu.memory_space<hbm>> -> memref<80x128xf32, #tpu.memory_space<hbm>>
      %dma_start3A_78 = arith.constant 0 : i32
      %dma_start3A_79 = tpu.memref_slice %arg5[%add3A_76, %dma_start3A_78] : memref<20480x128xf32, #tpu.memory_space<hbm>> -> memref<80x128xf32, #tpu.memory_space<hbm>>
      tpu.enqueue_dma source(%arg9 : memref<80x128xf32, #tpu.memory_space<vmem>>) target(%dma_start3A_79 : memref<80x128xf32, #tpu.memory_space<hbm>>) target_semaphore(%run_scoped3A : memref<!tpu.dma_semaphore, #tpu.memory_space<semaphore_mem>>)
      %dma_wait3A = arith.constant 0 : i32
      %dma_wait3A_80 = tpu.memref_slice %arg5[%add3A_76, %dma_wait3A] : memref<20480x128xf32, #tpu.memory_space<hbm>> -> memref<80x128xf32, #tpu.memory_space<hbm>>
      %dma_wait3A_81 = arith.constant 0 : i32
      %dma_wait3A_82 = tpu.memref_slice %arg5[%add3A_76, %dma_wait3A_81] : memref<20480x128xf32, #tpu.memory_space<hbm>> -> memref<80x128xf32, #tpu.memory_space<hbm>>
      tpu.wait_dma2 semaphore(%run_scoped3A : memref<!tpu.dma_semaphore, #tpu.memory_space<semaphore_mem>>) src(%arg9 : memref<80x128xf32, #tpu.memory_space<vmem>>) dst(%dma_wait3A_82 : memref<80x128xf32, #tpu.memory_space<hbm>>)
      tpu.yield
    }) : () -> ()
    return
  }
}

#map = affine_map<(d0, d1) -> (0, 0)>
#map1 = affine_map<(d0, d1) -> (0)>
module attributes {stable_mosaic.version = 14 : i64} {
  func.func @agg(%arg0: i32, %arg1: i32, %arg2: memref<10000x128xf32, #tpu.memory_space<hbm>>, %arg3: memref<320000xi32, #tpu.memory_space<hbm>>, %arg4: memref<320000xi32, #tpu.memory_space<hbm>>, %arg5: memref<20480x128xf32, #tpu.memory_space<hbm>>, %arg6: memref<10240x128xf32, #tpu.memory_space<vmem_shared>>, %arg7: memref<80xi32, #tpu.memory_space<vmem>>, %arg8: memref<80xi32, #tpu.memory_space<vmem>>, %arg9: memref<80x128xf32, #tpu.memory_space<vmem>>, %arg10: memref<!tpu.dma_semaphore, #tpu.memory_space<semaphore_mem>>, %arg11: memref<80xi32, #tpu.memory_space<vmem>>, %arg12: memref<80xi32, #tpu.memory_space<vmem>>, %arg13: memref<80x128xf32, #tpu.memory_space<vmem>>) attributes {dimension_semantics = [#tpu.dimension_semantics<core_parallel>, #tpu.dimension_semantics<subcore_parallel>], iteration_bounds = array<i64: 2, 16>, scalar_prefetch = 0 : i64, scratch_operands = 8 : i64, tpu.core_type = #tpu.core_type<sc_vector_subcore>, window_params = [{transform_indices = #map}, {transform_indices = #map1}, {transform_indices = #map1}, {transform_indices = #map}]} {
    %mul3A = arith.constant 2 : i32
    %mul3A_0 = arith.muli %arg1, %mul3A : i32
    %add3A = arith.addi %mul3A_0, %arg0 : i32
    %mul3A_1 = arith.constant 640 : i32
    %mul3A_2 = arith.muli %arg1, %mul3A_1 : i32
    %broadcast_in_dim3A = arith.constant 0.000000e+00 : f32
    %broadcast_in_dim3A_3 = vector.broadcast %broadcast_in_dim3A : f32 to vector<16xf32>
    %scan3A = arith.constant 0 : i32
    %scan3A_4 = arith.constant 0 : i32
    %scan3A_5 = arith.constant 80 : i32
    %scan3A_6 = arith.addi %scan3A_4, %scan3A_5 : i32
    %scan3A_7 = arith.constant 1 : i32
    scf.for %scan3A_75 = %scan3A_4 to %scan3A_6 step %scan3A_7  : i32 {
      %swap3A = arith.index_cast %scan3A_75 : i32 to index
      %swap3A_76 = arith.constant 0 : index
      %swap3A_77 = tpu.vector_load %arg9[%swap3A, %swap3A_76] {strides = array<i32>} : memref<80x128xf32, #tpu.memory_space<vmem>>, vector<1x16xf32>,
      %swap3A_78 = vector.shape_cast %swap3A_77 : vector<1x16xf32> to vector<16xf32>
      %swap3A_79 = vector.shape_cast %broadcast_in_dim3A_3 : vector<16xf32> to vector<1x16xf32>
      tpu.vector_store %arg9[%swap3A, %swap3A_76], %swap3A_79 {strides = array<i32>} : memref<80x128xf32, #tpu.memory_space<vmem>>, vector<1x16xf32>,
      %swap3A_80 = arith.index_cast %scan3A_75 : i32 to index
      %swap3A_81 = arith.constant 16 : index
      %swap3A_82 = tpu.vector_load %arg9[%swap3A_80, %swap3A_81] {strides = array<i32>} : memref<80x128xf32, #tpu.memory_space<vmem>>, vector<1x16xf32>,
      %swap3A_83 = vector.shape_cast %swap3A_82 : vector<1x16xf32> to vector<16xf32>
      %swap3A_84 = vector.shape_cast %broadcast_in_dim3A_3 : vector<16xf32> to vector<1x16xf32>
      tpu.vector_store %arg9[%swap3A_80, %swap3A_81], %swap3A_84 {strides = array<i32>} : memref<80x128xf32, #tpu.memory_space<vmem>>, vector<1x16xf32>,
      %swap3A_85 = arith.index_cast %scan3A_75 : i32 to index
      %swap3A_86 = arith.constant 32 : index
      %swap3A_87 = tpu.vector_load %arg9[%swap3A_85, %swap3A_86] {strides = array<i32>} : memref<80x128xf32, #tpu.memory_space<vmem>>, vector<1x16xf32>,
      %swap3A_88 = vector.shape_cast %swap3A_87 : vector<1x16xf32> to vector<16xf32>
      %swap3A_89 = vector.shape_cast %broadcast_in_dim3A_3 : vector<16xf32> to vector<1x16xf32>
      tpu.vector_store %arg9[%swap3A_85, %swap3A_86], %swap3A_89 {strides = array<i32>} : memref<80x128xf32, #tpu.memory_space<vmem>>, vector<1x16xf32>,
      %swap3A_90 = arith.index_cast %scan3A_75 : i32 to index
      %swap3A_91 = arith.constant 48 : index
      %swap3A_92 = tpu.vector_load %arg9[%swap3A_90, %swap3A_91] {strides = array<i32>} : memref<80x128xf32, #tpu.memory_space<vmem>>, vector<1x16xf32>,
      %swap3A_93 = vector.shape_cast %swap3A_92 : vector<1x16xf32> to vector<16xf32>
      %swap3A_94 = vector.shape_cast %broadcast_in_dim3A_3 : vector<16xf32> to vector<1x16xf32>
      tpu.vector_store %arg9[%swap3A_90, %swap3A_91], %swap3A_94 {strides = array<i32>} : memref<80x128xf32, #tpu.memory_space<vmem>>, vector<1x16xf32>,
      %swap3A_95 = arith.index_cast %scan3A_75 : i32 to index
      %swap3A_96 = arith.constant 64 : index
      %swap3A_97 = tpu.vector_load %arg9[%swap3A_95, %swap3A_96] {strides = array<i32>} : memref<80x128xf32, #tpu.memory_space<vmem>>, vector<1x16xf32>,
      %swap3A_98 = vector.shape_cast %swap3A_97 : vector<1x16xf32> to vector<16xf32>
      %swap3A_99 = vector.shape_cast %broadcast_in_dim3A_3 : vector<16xf32> to vector<1x16xf32>
      tpu.vector_store %arg9[%swap3A_95, %swap3A_96], %swap3A_99 {strides = array<i32>} : memref<80x128xf32, #tpu.memory_space<vmem>>, vector<1x16xf32>,
      %swap3A_100 = arith.index_cast %scan3A_75 : i32 to index
      %swap3A_101 = arith.constant 80 : index
      %swap3A_102 = tpu.vector_load %arg9[%swap3A_100, %swap3A_101] {strides = array<i32>} : memref<80x128xf32, #tpu.memory_space<vmem>>, vector<1x16xf32>,
      %swap3A_103 = vector.shape_cast %swap3A_102 : vector<1x16xf32> to vector<16xf32>
      %swap3A_104 = vector.shape_cast %broadcast_in_dim3A_3 : vector<16xf32> to vector<1x16xf32>
      tpu.vector_store %arg9[%swap3A_100, %swap3A_101], %swap3A_104 {strides = array<i32>} : memref<80x128xf32, #tpu.memory_space<vmem>>, vector<1x16xf32>,
      %swap3A_105 = arith.index_cast %scan3A_75 : i32 to index
      %swap3A_106 = arith.constant 96 : index
      %swap3A_107 = tpu.vector_load %arg9[%swap3A_105, %swap3A_106] {strides = array<i32>} : memref<80x128xf32, #tpu.memory_space<vmem>>, vector<1x16xf32>,
      %swap3A_108 = vector.shape_cast %swap3A_107 : vector<1x16xf32> to vector<16xf32>
      %swap3A_109 = vector.shape_cast %broadcast_in_dim3A_3 : vector<16xf32> to vector<1x16xf32>
      tpu.vector_store %arg9[%swap3A_105, %swap3A_106], %swap3A_109 {strides = array<i32>} : memref<80x128xf32, #tpu.memory_space<vmem>>, vector<1x16xf32>,
      %swap3A_110 = arith.index_cast %scan3A_75 : i32 to index
      %swap3A_111 = arith.constant 112 : index
      %swap3A_112 = tpu.vector_load %arg9[%swap3A_110, %swap3A_111] {strides = array<i32>} : memref<80x128xf32, #tpu.memory_space<vmem>>, vector<1x16xf32>,
      %swap3A_113 = vector.shape_cast %swap3A_112 : vector<1x16xf32> to vector<16xf32>
      %swap3A_114 = vector.shape_cast %broadcast_in_dim3A_3 : vector<16xf32> to vector<1x16xf32>
      tpu.vector_store %arg9[%swap3A_110, %swap3A_111], %swap3A_114 {strides = array<i32>} : memref<80x128xf32, #tpu.memory_space<vmem>>, vector<1x16xf32>,
    }
    %scan3A_8 = arith.constant 80 : i32
    %add3A_9 = arith.constant 0 : i32
    %add3A_10 = arith.addi %mul3A_2, %add3A_9 : i32
    "tpu.region"() ({
      %run_scoped3A = tpu.sem_alloc : memref<!tpu.dma_semaphore, #tpu.memory_space<semaphore_mem>>
      %dma_start3A_75 = arith.constant 0 : i32
      %dma_start3A_76 = tpu.memref_slice %arg6[%add3A_10, %dma_start3A_75] : memref<10240x128xf32, #tpu.memory_space<vmem_shared>> -> memref<80x128xf32, #tpu.memory_space<vmem_shared>>
      %dma_start3A_77 = arith.constant 0 : i32
      %dma_start3A_78 = tpu.memref_slice %arg6[%add3A_10, %dma_start3A_77] : memref<10240x128xf32, #tpu.memory_space<vmem_shared>> -> memref<80x128xf32, #tpu.memory_space<vmem_shared>>
      tpu.enqueue_dma source(%arg9 : memref<80x128xf32, #tpu.memory_space<vmem>>) target(%dma_start3A_78 : memref<80x128xf32, #tpu.memory_space<vmem_shared>>) target_semaphore(%run_scoped3A : memref<!tpu.dma_semaphore, #tpu.memory_space<semaphore_mem>>)
      %dma_wait3A_79 = arith.constant 0 : i32
      %dma_wait3A_80 = tpu.memref_slice %arg6[%add3A_10, %dma_wait3A_79] : memref<10240x128xf32, #tpu.memory_space<vmem_shared>> -> memref<80x128xf32, #tpu.memory_space<vmem_shared>>
      %dma_wait3A_81 = arith.constant 0 : i32
      %dma_wait3A_82 = tpu.memref_slice %arg6[%add3A_10, %dma_wait3A_81] : memref<10240x128xf32, #tpu.memory_space<vmem_shared>> -> memref<80x128xf32, #tpu.memory_space<vmem_shared>>
      tpu.wait_dma2 semaphore(%run_scoped3A : memref<!tpu.dma_semaphore, #tpu.memory_space<semaphore_mem>>) src(%arg9 : memref<80x128xf32, #tpu.memory_space<vmem>>) dst(%dma_wait3A_82 : memref<80x128xf32, #tpu.memory_space<vmem_shared>>)
      tpu.yield
    }) : () -> ()
    %add3A_11 = arith.constant 80 : i32
    %add3A_12 = arith.addi %mul3A_2, %add3A_11 : i32
    "tpu.region"() ({
      %run_scoped3A = tpu.sem_alloc : memref<!tpu.dma_semaphore, #tpu.memory_space<semaphore_mem>>
      %dma_start3A_75 = arith.constant 0 : i32
      %dma_start3A_76 = tpu.memref_slice %arg6[%add3A_12, %dma_start3A_75] : memref<10240x128xf32, #tpu.memory_space<vmem_shared>> -> memref<80x128xf32, #tpu.memory_space<vmem_shared>>
      %dma_start3A_77 = arith.constant 0 : i32
      %dma_start3A_78 = tpu.memref_slice %arg6[%add3A_12, %dma_start3A_77] : memref<10240x128xf32, #tpu.memory_space<vmem_shared>> -> memref<80x128xf32, #tpu.memory_space<vmem_shared>>
      tpu.enqueue_dma source(%arg9 : memref<80x128xf32, #tpu.memory_space<vmem>>) target(%dma_start3A_78 : memref<80x128xf32, #tpu.memory_space<vmem_shared>>) target_semaphore(%run_scoped3A : memref<!tpu.dma_semaphore, #tpu.memory_space<semaphore_mem>>)
      %dma_wait3A_79 = arith.constant 0 : i32
      %dma_wait3A_80 = tpu.memref_slice %arg6[%add3A_12, %dma_wait3A_79] : memref<10240x128xf32, #tpu.memory_space<vmem_shared>> -> memref<80x128xf32, #tpu.memory_space<vmem_shared>>
      %dma_wait3A_81 = arith.constant 0 : i32
      %dma_wait3A_82 = tpu.memref_slice %arg6[%add3A_12, %dma_wait3A_81] : memref<10240x128xf32, #tpu.memory_space<vmem_shared>> -> memref<80x128xf32, #tpu.memory_space<vmem_shared>>
      tpu.wait_dma2 semaphore(%run_scoped3A : memref<!tpu.dma_semaphore, #tpu.memory_space<semaphore_mem>>) src(%arg9 : memref<80x128xf32, #tpu.memory_space<vmem>>) dst(%dma_wait3A_82 : memref<80x128xf32, #tpu.memory_space<vmem_shared>>)
      tpu.yield
    }) : () -> ()
    %add3A_13 = arith.constant 160 : i32
    %add3A_14 = arith.addi %mul3A_2, %add3A_13 : i32
    "tpu.region"() ({
      %run_scoped3A = tpu.sem_alloc : memref<!tpu.dma_semaphore, #tpu.memory_space<semaphore_mem>>
      %dma_start3A_75 = arith.constant 0 : i32
      %dma_start3A_76 = tpu.memref_slice %arg6[%add3A_14, %dma_start3A_75] : memref<10240x128xf32, #tpu.memory_space<vmem_shared>> -> memref<80x128xf32, #tpu.memory_space<vmem_shared>>
      %dma_start3A_77 = arith.constant 0 : i32
      %dma_start3A_78 = tpu.memref_slice %arg6[%add3A_14, %dma_start3A_77] : memref<10240x128xf32, #tpu.memory_space<vmem_shared>> -> memref<80x128xf32, #tpu.memory_space<vmem_shared>>
      tpu.enqueue_dma source(%arg9 : memref<80x128xf32, #tpu.memory_space<vmem>>) target(%dma_start3A_78 : memref<80x128xf32, #tpu.memory_space<vmem_shared>>) target_semaphore(%run_scoped3A : memref<!tpu.dma_semaphore, #tpu.memory_space<semaphore_mem>>)
      %dma_wait3A_79 = arith.constant 0 : i32
      %dma_wait3A_80 = tpu.memref_slice %arg6[%add3A_14, %dma_wait3A_79] : memref<10240x128xf32, #tpu.memory_space<vmem_shared>> -> memref<80x128xf32, #tpu.memory_space<vmem_shared>>
      %dma_wait3A_81 = arith.constant 0 : i32
      %dma_wait3A_82 = tpu.memref_slice %arg6[%add3A_14, %dma_wait3A_81] : memref<10240x128xf32, #tpu.memory_space<vmem_shared>> -> memref<80x128xf32, #tpu.memory_space<vmem_shared>>
      tpu.wait_dma2 semaphore(%run_scoped3A : memref<!tpu.dma_semaphore, #tpu.memory_space<semaphore_mem>>) src(%arg9 : memref<80x128xf32, #tpu.memory_space<vmem>>) dst(%dma_wait3A_82 : memref<80x128xf32, #tpu.memory_space<vmem_shared>>)
      tpu.yield
    }) : () -> ()
    %add3A_15 = arith.constant 240 : i32
    %add3A_16 = arith.addi %mul3A_2, %add3A_15 : i32
    "tpu.region"() ({
      %run_scoped3A = tpu.sem_alloc : memref<!tpu.dma_semaphore, #tpu.memory_space<semaphore_mem>>
      %dma_start3A_75 = arith.constant 0 : i32
      %dma_start3A_76 = tpu.memref_slice %arg6[%add3A_16, %dma_start3A_75] : memref<10240x128xf32, #tpu.memory_space<vmem_shared>> -> memref<80x128xf32, #tpu.memory_space<vmem_shared>>
      %dma_start3A_77 = arith.constant 0 : i32
      %dma_start3A_78 = tpu.memref_slice %arg6[%add3A_16, %dma_start3A_77] : memref<10240x128xf32, #tpu.memory_space<vmem_shared>> -> memref<80x128xf32, #tpu.memory_space<vmem_shared>>
      tpu.enqueue_dma source(%arg9 : memref<80x128xf32, #tpu.memory_space<vmem>>) target(%dma_start3A_78 : memref<80x128xf32, #tpu.memory_space<vmem_shared>>) target_semaphore(%run_scoped3A : memref<!tpu.dma_semaphore, #tpu.memory_space<semaphore_mem>>)
      %dma_wait3A_79 = arith.constant 0 : i32
      %dma_wait3A_80 = tpu.memref_slice %arg6[%add3A_16, %dma_wait3A_79] : memref<10240x128xf32, #tpu.memory_space<vmem_shared>> -> memref<80x128xf32, #tpu.memory_space<vmem_shared>>
      %dma_wait3A_81 = arith.constant 0 : i32
      %dma_wait3A_82 = tpu.memref_slice %arg6[%add3A_16, %dma_wait3A_81] : memref<10240x128xf32, #tpu.memory_space<vmem_shared>> -> memref<80x128xf32, #tpu.memory_space<vmem_shared>>
      tpu.wait_dma2 semaphore(%run_scoped3A : memref<!tpu.dma_semaphore, #tpu.memory_space<semaphore_mem>>) src(%arg9 : memref<80x128xf32, #tpu.memory_space<vmem>>) dst(%dma_wait3A_82 : memref<80x128xf32, #tpu.memory_space<vmem_shared>>)
      tpu.yield
    }) : () -> ()
    %add3A_17 = arith.constant 320 : i32
    %add3A_18 = arith.addi %mul3A_2, %add3A_17 : i32
    "tpu.region"() ({
      %run_scoped3A = tpu.sem_alloc : memref<!tpu.dma_semaphore, #tpu.memory_space<semaphore_mem>>
      %dma_start3A_75 = arith.constant 0 : i32
      %dma_start3A_76 = tpu.memref_slice %arg6[%add3A_18, %dma_start3A_75] : memref<10240x128xf32, #tpu.memory_space<vmem_shared>> -> memref<80x128xf32, #tpu.memory_space<vmem_shared>>
      %dma_start3A_77 = arith.constant 0 : i32
      %dma_start3A_78 = tpu.memref_slice %arg6[%add3A_18, %dma_start3A_77] : memref<10240x128xf32, #tpu.memory_space<vmem_shared>> -> memref<80x128xf32, #tpu.memory_space<vmem_shared>>
      tpu.enqueue_dma source(%arg9 : memref<80x128xf32, #tpu.memory_space<vmem>>) target(%dma_start3A_78 : memref<80x128xf32, #tpu.memory_space<vmem_shared>>) target_semaphore(%run_scoped3A : memref<!tpu.dma_semaphore, #tpu.memory_space<semaphore_mem>>)
      %dma_wait3A_79 = arith.constant 0 : i32
      %dma_wait3A_80 = tpu.memref_slice %arg6[%add3A_18, %dma_wait3A_79] : memref<10240x128xf32, #tpu.memory_space<vmem_shared>> -> memref<80x128xf32, #tpu.memory_space<vmem_shared>>
      %dma_wait3A_81 = arith.constant 0 : i32
      %dma_wait3A_82 = tpu.memref_slice %arg6[%add3A_18, %dma_wait3A_81] : memref<10240x128xf32, #tpu.memory_space<vmem_shared>> -> memref<80x128xf32, #tpu.memory_space<vmem_shared>>
      tpu.wait_dma2 semaphore(%run_scoped3A : memref<!tpu.dma_semaphore, #tpu.memory_space<semaphore_mem>>) src(%arg9 : memref<80x128xf32, #tpu.memory_space<vmem>>) dst(%dma_wait3A_82 : memref<80x128xf32, #tpu.memory_space<vmem_shared>>)
      tpu.yield
    }) : () -> ()
    %add3A_19 = arith.constant 400 : i32
    %add3A_20 = arith.addi %mul3A_2, %add3A_19 : i32
    "tpu.region"() ({
      %run_scoped3A = tpu.sem_alloc : memref<!tpu.dma_semaphore, #tpu.memory_space<semaphore_mem>>
      %dma_start3A_75 = arith.constant 0 : i32
      %dma_start3A_76 = tpu.memref_slice %arg6[%add3A_20, %dma_start3A_75] : memref<10240x128xf32, #tpu.memory_space<vmem_shared>> -> memref<80x128xf32, #tpu.memory_space<vmem_shared>>
      %dma_start3A_77 = arith.constant 0 : i32
      %dma_start3A_78 = tpu.memref_slice %arg6[%add3A_20, %dma_start3A_77] : memref<10240x128xf32, #tpu.memory_space<vmem_shared>> -> memref<80x128xf32, #tpu.memory_space<vmem_shared>>
      tpu.enqueue_dma source(%arg9 : memref<80x128xf32, #tpu.memory_space<vmem>>) target(%dma_start3A_78 : memref<80x128xf32, #tpu.memory_space<vmem_shared>>) target_semaphore(%run_scoped3A : memref<!tpu.dma_semaphore, #tpu.memory_space<semaphore_mem>>)
      %dma_wait3A_79 = arith.constant 0 : i32
      %dma_wait3A_80 = tpu.memref_slice %arg6[%add3A_20, %dma_wait3A_79] : memref<10240x128xf32, #tpu.memory_space<vmem_shared>> -> memref<80x128xf32, #tpu.memory_space<vmem_shared>>
      %dma_wait3A_81 = arith.constant 0 : i32
      %dma_wait3A_82 = tpu.memref_slice %arg6[%add3A_20, %dma_wait3A_81] : memref<10240x128xf32, #tpu.memory_space<vmem_shared>> -> memref<80x128xf32, #tpu.memory_space<vmem_shared>>
      tpu.wait_dma2 semaphore(%run_scoped3A : memref<!tpu.dma_semaphore, #tpu.memory_space<semaphore_mem>>) src(%arg9 : memref<80x128xf32, #tpu.memory_space<vmem>>) dst(%dma_wait3A_82 : memref<80x128xf32, #tpu.memory_space<vmem_shared>>)
      tpu.yield
    }) : () -> ()
    %add3A_21 = arith.constant 480 : i32
    %add3A_22 = arith.addi %mul3A_2, %add3A_21 : i32
    "tpu.region"() ({
      %run_scoped3A = tpu.sem_alloc : memref<!tpu.dma_semaphore, #tpu.memory_space<semaphore_mem>>
      %dma_start3A_75 = arith.constant 0 : i32
      %dma_start3A_76 = tpu.memref_slice %arg6[%add3A_22, %dma_start3A_75] : memref<10240x128xf32, #tpu.memory_space<vmem_shared>> -> memref<80x128xf32, #tpu.memory_space<vmem_shared>>
      %dma_start3A_77 = arith.constant 0 : i32
      %dma_start3A_78 = tpu.memref_slice %arg6[%add3A_22, %dma_start3A_77] : memref<10240x128xf32, #tpu.memory_space<vmem_shared>> -> memref<80x128xf32, #tpu.memory_space<vmem_shared>>
      tpu.enqueue_dma source(%arg9 : memref<80x128xf32, #tpu.memory_space<vmem>>) target(%dma_start3A_78 : memref<80x128xf32, #tpu.memory_space<vmem_shared>>) target_semaphore(%run_scoped3A : memref<!tpu.dma_semaphore, #tpu.memory_space<semaphore_mem>>)
      %dma_wait3A_79 = arith.constant 0 : i32
      %dma_wait3A_80 = tpu.memref_slice %arg6[%add3A_22, %dma_wait3A_79] : memref<10240x128xf32, #tpu.memory_space<vmem_shared>> -> memref<80x128xf32, #tpu.memory_space<vmem_shared>>
      %dma_wait3A_81 = arith.constant 0 : i32
      %dma_wait3A_82 = tpu.memref_slice %arg6[%add3A_22, %dma_wait3A_81] : memref<10240x128xf32, #tpu.memory_space<vmem_shared>> -> memref<80x128xf32, #tpu.memory_space<vmem_shared>>
      tpu.wait_dma2 semaphore(%run_scoped3A : memref<!tpu.dma_semaphore, #tpu.memory_space<semaphore_mem>>) src(%arg9 : memref<80x128xf32, #tpu.memory_space<vmem>>) dst(%dma_wait3A_82 : memref<80x128xf32, #tpu.memory_space<vmem_shared>>)
      tpu.yield
    }) : () -> ()
    %add3A_23 = arith.constant 560 : i32
    %add3A_24 = arith.addi %mul3A_2, %add3A_23 : i32
    "tpu.region"() ({
      %run_scoped3A = tpu.sem_alloc : memref<!tpu.dma_semaphore, #tpu.memory_space<semaphore_mem>>
      %dma_start3A_75 = arith.constant 0 : i32
      %dma_start3A_76 = tpu.memref_slice %arg6[%add3A_24, %dma_start3A_75] : memref<10240x128xf32, #tpu.memory_space<vmem_shared>> -> memref<80x128xf32, #tpu.memory_space<vmem_shared>>
      %dma_start3A_77 = arith.constant 0 : i32
      %dma_start3A_78 = tpu.memref_slice %arg6[%add3A_24, %dma_start3A_77] : memref<10240x128xf32, #tpu.memory_space<vmem_shared>> -> memref<80x128xf32, #tpu.memory_space<vmem_shared>>
      tpu.enqueue_dma source(%arg9 : memref<80x128xf32, #tpu.memory_space<vmem>>) target(%dma_start3A_78 : memref<80x128xf32, #tpu.memory_space<vmem_shared>>) target_semaphore(%run_scoped3A : memref<!tpu.dma_semaphore, #tpu.memory_space<semaphore_mem>>)
      %dma_wait3A_79 = arith.constant 0 : i32
      %dma_wait3A_80 = tpu.memref_slice %arg6[%add3A_24, %dma_wait3A_79] : memref<10240x128xf32, #tpu.memory_space<vmem_shared>> -> memref<80x128xf32, #tpu.memory_space<vmem_shared>>
      %dma_wait3A_81 = arith.constant 0 : i32
      %dma_wait3A_82 = tpu.memref_slice %arg6[%add3A_24, %dma_wait3A_81] : memref<10240x128xf32, #tpu.memory_space<vmem_shared>> -> memref<80x128xf32, #tpu.memory_space<vmem_shared>>
      tpu.wait_dma2 semaphore(%run_scoped3A : memref<!tpu.dma_semaphore, #tpu.memory_space<semaphore_mem>>) src(%arg9 : memref<80x128xf32, #tpu.memory_space<vmem>>) dst(%dma_wait3A_82 : memref<80x128xf32, #tpu.memory_space<vmem_shared>>)
      tpu.yield
    }) : () -> ()
    %barrier3A = arith.constant 0 : index
    tpu.barrier barrier_id(%barrier3A)
    %mul3A_25 = arith.constant 10000 : i32
    %mul3A_26 = arith.muli %add3A, %mul3A_25 : i32
    %scan3A_27 = arith.constant 0 : i32
    %scan3A_28 = arith.constant 0 : i32
    %scan3A_29 = arith.constant 62 : i32
    %scan3A_30 = arith.addi %scan3A_28, %scan3A_29 : i32
    %scan3A_31 = arith.constant 1 : i32
    scf.for %scan3A_75 = %scan3A_28 to %scan3A_30 step %scan3A_31  : i32 {
      %mul3A_76 = arith.constant 2 : i32
      %mul3A_77 = arith.muli %mul3A_76, %scan3A_75 : i32
      %mul3A_78 = arith.constant 80 : i32
      %mul3A_79 = arith.muli %mul3A_77, %mul3A_78 : i32
      %add3A_80 = arith.addi %mul3A_26, %mul3A_79 : i32
      %add3A_81 = arith.constant 80 : i32
      %add3A_82 = arith.addi %add3A_80, %add3A_81 : i32
      "tpu.region"() ({
        %run_scoped3A = tpu.sem_alloc : memref<!tpu.dma_semaphore, #tpu.memory_space<semaphore_mem>>
        %dma_start3A_95 = tpu.memref_slice %arg3[%add3A_80] : memref<320000xi32, #tpu.memory_space<hbm>> -> memref<80xi32, #tpu.memory_space<hbm>>
        %dma_start3A_96 = tpu.memref_slice %arg3[%add3A_80] : memref<320000xi32, #tpu.memory_space<hbm>> -> memref<80xi32, #tpu.memory_space<hbm>>
        tpu.enqueue_dma source(%dma_start3A_96 : memref<80xi32, #tpu.memory_space<hbm>>) target(%arg7 : memref<80xi32, #tpu.memory_space<vmem>>) target_semaphore(%run_scoped3A : memref<!tpu.dma_semaphore, #tpu.memory_space<semaphore_mem>>)
        %dma_wait3A_97 = tpu.memref_slice %arg3[%add3A_80] : memref<320000xi32, #tpu.memory_space<hbm>> -> memref<80xi32, #tpu.memory_space<hbm>>
        %dma_wait3A_98 = tpu.memref_slice %arg3[%add3A_80] : memref<320000xi32, #tpu.memory_space<hbm>> -> memref<80xi32, #tpu.memory_space<hbm>>
        tpu.wait_dma2 semaphore(%run_scoped3A : memref<!tpu.dma_semaphore, #tpu.memory_space<semaphore_mem>>) src(%dma_wait3A_98 : memref<80xi32, #tpu.memory_space<hbm>>) dst(%arg7 : memref<80xi32, #tpu.memory_space<vmem>>)
        tpu.yield
      }) : () -> ()
      "tpu.region"() ({
        %run_scoped3A = tpu.sem_alloc : memref<!tpu.dma_semaphore, #tpu.memory_space<semaphore_mem>>
        %dma_start3A_95 = tpu.memref_slice %arg4[%add3A_80] : memref<320000xi32, #tpu.memory_space<hbm>> -> memref<80xi32, #tpu.memory_space<hbm>>
        %dma_start3A_96 = tpu.memref_slice %arg4[%add3A_80] : memref<320000xi32, #tpu.memory_space<hbm>> -> memref<80xi32, #tpu.memory_space<hbm>>
        tpu.enqueue_dma source(%dma_start3A_96 : memref<80xi32, #tpu.memory_space<hbm>>) target(%arg8 : memref<80xi32, #tpu.memory_space<vmem>>) target_semaphore(%run_scoped3A : memref<!tpu.dma_semaphore, #tpu.memory_space<semaphore_mem>>)
        %dma_wait3A_97 = tpu.memref_slice %arg4[%add3A_80] : memref<320000xi32, #tpu.memory_space<hbm>> -> memref<80xi32, #tpu.memory_space<hbm>>
        %dma_wait3A_98 = tpu.memref_slice %arg4[%add3A_80] : memref<320000xi32, #tpu.memory_space<hbm>> -> memref<80xi32, #tpu.memory_space<hbm>>
        tpu.wait_dma2 semaphore(%run_scoped3A : memref<!tpu.dma_semaphore, #tpu.memory_space<semaphore_mem>>) src(%dma_wait3A_98 : memref<80xi32, #tpu.memory_space<hbm>>) dst(%arg8 : memref<80xi32, #tpu.memory_space<vmem>>)
        tpu.yield
      }) : () -> ()
      %dma_start3A_83 = arith.constant 0 : i32
      %dma_start3A_84 = arith.constant 0 : i32
      %dma_start3A_85 = tpu.memref_slice %arg2[%dma_start3A_83, %dma_start3A_84] : memref<10000x128xf32, #tpu.memory_space<hbm>> -> memref<10000x128xf32, #tpu.memory_space<hbm>>
      tpu.enqueue_indirect_dma source(%dma_start3A_85 : memref<10000x128xf32, #tpu.memory_space<hbm>>) target(%arg9 : memref<80x128xf32, #tpu.memory_space<vmem>>) offsets(%arg7 : memref<80xi32, #tpu.memory_space<vmem>>) semaphore(%arg10 : memref<!tpu.dma_semaphore, #tpu.memory_space<semaphore_mem>>)
      "tpu.region"() ({
        %run_scoped3A = tpu.sem_alloc : memref<!tpu.dma_semaphore, #tpu.memory_space<semaphore_mem>>
        %dma_start3A_95 = tpu.memref_slice %arg3[%add3A_82] : memref<320000xi32, #tpu.memory_space<hbm>> -> memref<80xi32, #tpu.memory_space<hbm>>
        %dma_start3A_96 = tpu.memref_slice %arg3[%add3A_82] : memref<320000xi32, #tpu.memory_space<hbm>> -> memref<80xi32, #tpu.memory_space<hbm>>
        tpu.enqueue_dma source(%dma_start3A_96 : memref<80xi32, #tpu.memory_space<hbm>>) target(%arg11 : memref<80xi32, #tpu.memory_space<vmem>>) target_semaphore(%run_scoped3A : memref<!tpu.dma_semaphore, #tpu.memory_space<semaphore_mem>>)
        %dma_wait3A_97 = tpu.memref_slice %arg3[%add3A_82] : memref<320000xi32, #tpu.memory_space<hbm>> -> memref<80xi32, #tpu.memory_space<hbm>>
        %dma_wait3A_98 = tpu.memref_slice %arg3[%add3A_82] : memref<320000xi32, #tpu.memory_space<hbm>> -> memref<80xi32, #tpu.memory_space<hbm>>
        tpu.wait_dma2 semaphore(%run_scoped3A : memref<!tpu.dma_semaphore, #tpu.memory_space<semaphore_mem>>) src(%dma_wait3A_98 : memref<80xi32, #tpu.memory_space<hbm>>) dst(%arg11 : memref<80xi32, #tpu.memory_space<vmem>>)
        tpu.yield
      }) : () -> ()
      "tpu.region"() ({
        %run_scoped3A = tpu.sem_alloc : memref<!tpu.dma_semaphore, #tpu.memory_space<semaphore_mem>>
        %dma_start3A_95 = tpu.memref_slice %arg4[%add3A_82] : memref<320000xi32, #tpu.memory_space<hbm>> -> memref<80xi32, #tpu.memory_space<hbm>>
        %dma_start3A_96 = tpu.memref_slice %arg4[%add3A_82] : memref<320000xi32, #tpu.memory_space<hbm>> -> memref<80xi32, #tpu.memory_space<hbm>>
        tpu.enqueue_dma source(%dma_start3A_96 : memref<80xi32, #tpu.memory_space<hbm>>) target(%arg12 : memref<80xi32, #tpu.memory_space<vmem>>) target_semaphore(%run_scoped3A : memref<!tpu.dma_semaphore, #tpu.memory_space<semaphore_mem>>)
        %dma_wait3A_97 = tpu.memref_slice %arg4[%add3A_82] : memref<320000xi32, #tpu.memory_space<hbm>> -> memref<80xi32, #tpu.memory_space<hbm>>
        %dma_wait3A_98 = tpu.memref_slice %arg4[%add3A_82] : memref<320000xi32, #tpu.memory_space<hbm>> -> memref<80xi32, #tpu.memory_space<hbm>>
        tpu.wait_dma2 semaphore(%run_scoped3A : memref<!tpu.dma_semaphore, #tpu.memory_space<semaphore_mem>>) src(%dma_wait3A_98 : memref<80xi32, #tpu.memory_space<hbm>>) dst(%arg12 : memref<80xi32, #tpu.memory_space<vmem>>)
        tpu.yield
      }) : () -> ()
      %dma_wait3A_86 = arith.constant 0 : i32
      %dma_wait3A_87 = arith.constant 0 : i32
      %dma_wait3A_88 = tpu.memref_slice %arg2[%dma_wait3A_86, %dma_wait3A_87] : memref<10000x128xf32, #tpu.memory_space<hbm>> -> memref<10000x128xf32, #tpu.memory_space<hbm>>
      tpu.wait_indirect_dma semaphore(%arg10 : memref<!tpu.dma_semaphore, #tpu.memory_space<semaphore_mem>>) src(%dma_wait3A_88 : memref<10000x128xf32, #tpu.memory_space<hbm>>) dst(%arg9 : memref<80x128xf32, #tpu.memory_space<vmem>>)
      %dma_start3A_89 = arith.constant 0 : i32
      %dma_start3A_90 = arith.constant 0 : i32
      %dma_start3A_91 = tpu.memref_slice %arg2[%dma_start3A_89, %dma_start3A_90] : memref<10000x128xf32, #tpu.memory_space<hbm>> -> memref<10000x128xf32, #tpu.memory_space<hbm>>
      tpu.enqueue_indirect_dma source(%dma_start3A_91 : memref<10000x128xf32, #tpu.memory_space<hbm>>) target(%arg13 : memref<80x128xf32, #tpu.memory_space<vmem>>) offsets(%arg11 : memref<80xi32, #tpu.memory_space<vmem>>) semaphore(%arg10 : memref<!tpu.dma_semaphore, #tpu.memory_space<semaphore_mem>>)
      "tpu.region"() ({
        %run_scoped3A = tpu.sem_alloc : memref<!tpu.dma_semaphore, #tpu.memory_space<semaphore_mem>>
        %dma_start3A_95 = arith.constant 0 : i32
        %dma_start3A_96 = arith.constant 0 : i32
        %dma_start3A_97 = tpu.memref_slice %arg6[%dma_start3A_95, %dma_start3A_96] : memref<10240x128xf32, #tpu.memory_space<vmem_shared>> -> memref<10240x128xf32, #tpu.memory_space<vmem_shared>>
        tpu.enqueue_indirect_dma source(%arg9 : memref<80x128xf32, #tpu.memory_space<vmem>>) target(%dma_start3A_97 : memref<10240x128xf32, #tpu.memory_space<vmem_shared>>) offsets(%arg8 : memref<80xi32, #tpu.memory_space<vmem>>) semaphore(%run_scoped3A : memref<!tpu.dma_semaphore, #tpu.memory_space<semaphore_mem>>) {add = true}
        %dma_wait3A_98 = arith.constant 0 : i32
        %dma_wait3A_99 = arith.constant 0 : i32
        %dma_wait3A_100 = tpu.memref_slice %arg6[%dma_wait3A_98, %dma_wait3A_99] : memref<10240x128xf32, #tpu.memory_space<vmem_shared>> -> memref<10240x128xf32, #tpu.memory_space<vmem_shared>>
        tpu.wait_indirect_dma semaphore(%run_scoped3A : memref<!tpu.dma_semaphore, #tpu.memory_space<semaphore_mem>>) src(%arg9 : memref<80x128xf32, #tpu.memory_space<vmem>>) dst(%dma_wait3A_100 : memref<10240x128xf32, #tpu.memory_space<vmem_shared>>)
        tpu.yield
      }) : () -> ()
      %dma_wait3A_92 = arith.constant 0 : i32
      %dma_wait3A_93 = arith.constant 0 : i32
      %dma_wait3A_94 = tpu.memref_slice %arg2[%dma_wait3A_92, %dma_wait3A_93] : memref<10000x128xf32, #tpu.memory_space<hbm>> -> memref<10000x128xf32, #tpu.memory_space<hbm>>
      tpu.wait_indirect_dma semaphore(%arg10 : memref<!tpu.dma_semaphore, #tpu.memory_space<semaphore_mem>>) src(%dma_wait3A_94 : memref<10000x128xf32, #tpu.memory_space<hbm>>) dst(%arg13 : memref<80x128xf32, #tpu.memory_space<vmem>>)
      "tpu.region"() ({
        %run_scoped3A = tpu.sem_alloc : memref<!tpu.dma_semaphore, #tpu.memory_space<semaphore_mem>>
        %dma_start3A_95 = arith.constant 0 : i32
        %dma_start3A_96 = arith.constant 0 : i32
        %dma_start3A_97 = tpu.memref_slice %arg6[%dma_start3A_95, %dma_start3A_96] : memref<10240x128xf32, #tpu.memory_space<vmem_shared>> -> memref<10240x128xf32, #tpu.memory_space<vmem_shared>>
        tpu.enqueue_indirect_dma source(%arg13 : memref<80x128xf32, #tpu.memory_space<vmem>>) target(%dma_start3A_97 : memref<10240x128xf32, #tpu.memory_space<vmem_shared>>) offsets(%arg12 : memref<80xi32, #tpu.memory_space<vmem>>) semaphore(%run_scoped3A : memref<!tpu.dma_semaphore, #tpu.memory_space<semaphore_mem>>) {add = true}
        %dma_wait3A_98 = arith.constant 0 : i32
        %dma_wait3A_99 = arith.constant 0 : i32
        %dma_wait3A_100 = tpu.memref_slice %arg6[%dma_wait3A_98, %dma_wait3A_99] : memref<10240x128xf32, #tpu.memory_space<vmem_shared>> -> memref<10240x128xf32, #tpu.memory_space<vmem_shared>>
        tpu.wait_indirect_dma semaphore(%run_scoped3A : memref<!tpu.dma_semaphore, #tpu.memory_space<semaphore_mem>>) src(%arg13 : memref<80x128xf32, #tpu.memory_space<vmem>>) dst(%dma_wait3A_100 : memref<10240x128xf32, #tpu.memory_space<vmem_shared>>)
        tpu.yield
      }) : () -> ()
    }
    %scan3A_32 = arith.constant 62 : i32
    %add3A_33 = arith.constant 9920 : i32
    %add3A_34 = arith.addi %mul3A_26, %add3A_33 : i32
    "tpu.region"() ({
      %run_scoped3A = tpu.sem_alloc : memref<!tpu.dma_semaphore, #tpu.memory_space<semaphore_mem>>
      %dma_start3A_75 = tpu.memref_slice %arg3[%add3A_34] : memref<320000xi32, #tpu.memory_space<hbm>> -> memref<80xi32, #tpu.memory_space<hbm>>
      %dma_start3A_76 = tpu.memref_slice %arg3[%add3A_34] : memref<320000xi32, #tpu.memory_space<hbm>> -> memref<80xi32, #tpu.memory_space<hbm>>
      tpu.enqueue_dma source(%dma_start3A_76 : memref<80xi32, #tpu.memory_space<hbm>>) target(%arg7 : memref<80xi32, #tpu.memory_space<vmem>>) target_semaphore(%run_scoped3A : memref<!tpu.dma_semaphore, #tpu.memory_space<semaphore_mem>>)
      %dma_wait3A_77 = tpu.memref_slice %arg3[%add3A_34] : memref<320000xi32, #tpu.memory_space<hbm>> -> memref<80xi32, #tpu.memory_space<hbm>>
      %dma_wait3A_78 = tpu.memref_slice %arg3[%add3A_34] : memref<320000xi32, #tpu.memory_space<hbm>> -> memref<80xi32, #tpu.memory_space<hbm>>
      tpu.wait_dma2 semaphore(%run_scoped3A : memref<!tpu.dma_semaphore, #tpu.memory_space<semaphore_mem>>) src(%dma_wait3A_78 : memref<80xi32, #tpu.memory_space<hbm>>) dst(%arg7 : memref<80xi32, #tpu.memory_space<vmem>>)
      tpu.yield
    }) : () -> ()
    "tpu.region"() ({
      %run_scoped3A = tpu.sem_alloc : memref<!tpu.dma_semaphore, #tpu.memory_space<semaphore_mem>>
      %dma_start3A_75 = tpu.memref_slice %arg4[%add3A_34] : memref<320000xi32, #tpu.memory_space<hbm>> -> memref<80xi32, #tpu.memory_space<hbm>>
      %dma_start3A_76 = tpu.memref_slice %arg4[%add3A_34] : memref<320000xi32, #tpu.memory_space<hbm>> -> memref<80xi32, #tpu.memory_space<hbm>>
      tpu.enqueue_dma source(%dma_start3A_76 : memref<80xi32, #tpu.memory_space<hbm>>) target(%arg8 : memref<80xi32, #tpu.memory_space<vmem>>) target_semaphore(%run_scoped3A : memref<!tpu.dma_semaphore, #tpu.memory_space<semaphore_mem>>)
      %dma_wait3A_77 = tpu.memref_slice %arg4[%add3A_34] : memref<320000xi32, #tpu.memory_space<hbm>> -> memref<80xi32, #tpu.memory_space<hbm>>
      %dma_wait3A_78 = tpu.memref_slice %arg4[%add3A_34] : memref<320000xi32, #tpu.memory_space<hbm>> -> memref<80xi32, #tpu.memory_space<hbm>>
      tpu.wait_dma2 semaphore(%run_scoped3A : memref<!tpu.dma_semaphore, #tpu.memory_space<semaphore_mem>>) src(%dma_wait3A_78 : memref<80xi32, #tpu.memory_space<hbm>>) dst(%arg8 : memref<80xi32, #tpu.memory_space<vmem>>)
      tpu.yield
    }) : () -> ()
    %dma_start3A = arith.constant 0 : i32
    %dma_start3A_35 = arith.constant 0 : i32
    %dma_start3A_36 = tpu.memref_slice %arg2[%dma_start3A, %dma_start3A_35] : memref<10000x128xf32, #tpu.memory_space<hbm>> -> memref<10000x128xf32, #tpu.memory_space<hbm>>
    tpu.enqueue_indirect_dma source(%dma_start3A_36 : memref<10000x128xf32, #tpu.memory_space<hbm>>) target(%arg9 : memref<80x128xf32, #tpu.memory_space<vmem>>) offsets(%arg7 : memref<80xi32, #tpu.memory_space<vmem>>) semaphore(%arg10 : memref<!tpu.dma_semaphore, #tpu.memory_space<semaphore_mem>>)
    %dma_wait3A = arith.constant 0 : i32
    %dma_wait3A_37 = arith.constant 0 : i32
    %dma_wait3A_38 = tpu.memref_slice %arg2[%dma_wait3A, %dma_wait3A_37] : memref<10000x128xf32, #tpu.memory_space<hbm>> -> memref<10000x128xf32, #tpu.memory_space<hbm>>
    tpu.wait_indirect_dma semaphore(%arg10 : memref<!tpu.dma_semaphore, #tpu.memory_space<semaphore_mem>>) src(%dma_wait3A_38 : memref<10000x128xf32, #tpu.memory_space<hbm>>) dst(%arg9 : memref<80x128xf32, #tpu.memory_space<vmem>>)
    "tpu.region"() ({
      %run_scoped3A = tpu.sem_alloc : memref<!tpu.dma_semaphore, #tpu.memory_space<semaphore_mem>>
      %dma_start3A_75 = arith.constant 0 : i32
      %dma_start3A_76 = arith.constant 0 : i32
      %dma_start3A_77 = tpu.memref_slice %arg6[%dma_start3A_75, %dma_start3A_76] : memref<10240x128xf32, #tpu.memory_space<vmem_shared>> -> memref<10240x128xf32, #tpu.memory_space<vmem_shared>>
      tpu.enqueue_indirect_dma source(%arg9 : memref<80x128xf32, #tpu.memory_space<vmem>>) target(%dma_start3A_77 : memref<10240x128xf32, #tpu.memory_space<vmem_shared>>) offsets(%arg8 : memref<80xi32, #tpu.memory_space<vmem>>) semaphore(%run_scoped3A : memref<!tpu.dma_semaphore, #tpu.memory_space<semaphore_mem>>) {add = true}
      %dma_wait3A_78 = arith.constant 0 : i32
      %dma_wait3A_79 = arith.constant 0 : i32
      %dma_wait3A_80 = tpu.memref_slice %arg6[%dma_wait3A_78, %dma_wait3A_79] : memref<10240x128xf32, #tpu.memory_space<vmem_shared>> -> memref<10240x128xf32, #tpu.memory_space<vmem_shared>>
      tpu.wait_indirect_dma semaphore(%run_scoped3A : memref<!tpu.dma_semaphore, #tpu.memory_space<semaphore_mem>>) src(%arg9 : memref<80x128xf32, #tpu.memory_space<vmem>>) dst(%dma_wait3A_80 : memref<10240x128xf32, #tpu.memory_space<vmem_shared>>)
      tpu.yield
    }) : () -> ()
    %barrier3A_39 = arith.constant 0 : index
    tpu.barrier barrier_id(%barrier3A_39)
    %mul3A_40 = arith.constant 10240 : i32
    %mul3A_41 = arith.muli %arg0, %mul3A_40 : i32
    %add3A_42 = arith.addi %mul3A_41, %mul3A_2 : i32
    %add3A_43 = arith.constant 0 : i32
    %add3A_44 = arith.addi %mul3A_2, %add3A_43 : i32
    "tpu.region"() ({
      %run_scoped3A = tpu.sem_alloc : memref<!tpu.dma_semaphore, #tpu.memory_space<semaphore_mem>>
      %dma_start3A_75 = arith.constant 0 : i32
      %dma_start3A_76 = tpu.memref_slice %arg6[%add3A_44, %dma_start3A_75] : memref<10240x128xf32, #tpu.memory_space<vmem_shared>> -> memref<80x128xf32, #tpu.memory_space<vmem_shared>>
      %dma_start3A_77 = arith.constant 0 : i32
      %dma_start3A_78 = tpu.memref_slice %arg6[%add3A_44, %dma_start3A_77] : memref<10240x128xf32, #tpu.memory_space<vmem_shared>> -> memref<80x128xf32, #tpu.memory_space<vmem_shared>>
      tpu.enqueue_dma source(%dma_start3A_78 : memref<80x128xf32, #tpu.memory_space<vmem_shared>>) target(%arg9 : memref<80x128xf32, #tpu.memory_space<vmem>>) target_semaphore(%run_scoped3A : memref<!tpu.dma_semaphore, #tpu.memory_space<semaphore_mem>>)
      %dma_wait3A_79 = arith.constant 0 : i32
      %dma_wait3A_80 = tpu.memref_slice %arg6[%add3A_44, %dma_wait3A_79] : memref<10240x128xf32, #tpu.memory_space<vmem_shared>> -> memref<80x128xf32, #tpu.memory_space<vmem_shared>>
      %dma_wait3A_81 = arith.constant 0 : i32
      %dma_wait3A_82 = tpu.memref_slice %arg6[%add3A_44, %dma_wait3A_81] : memref<10240x128xf32, #tpu.memory_space<vmem_shared>> -> memref<80x128xf32, #tpu.memory_space<vmem_shared>>
      tpu.wait_dma2 semaphore(%run_scoped3A : memref<!tpu.dma_semaphore, #tpu.memory_space<semaphore_mem>>) src(%dma_wait3A_82 : memref<80x128xf32, #tpu.memory_space<vmem_shared>>) dst(%arg9 : memref<80x128xf32, #tpu.memory_space<vmem>>)
      tpu.yield
    }) : () -> ()
    %add3A_45 = arith.constant 0 : i32
    %add3A_46 = arith.addi %add3A_42, %add3A_45 : i32
    "tpu.region"() ({
      %run_scoped3A = tpu.sem_alloc : memref<!tpu.dma_semaphore, #tpu.memory_space<semaphore_mem>>
      %dma_start3A_75 = arith.constant 0 : i32
      %dma_start3A_76 = tpu.memref_slice %arg5[%add3A_46, %dma_start3A_75] : memref<20480x128xf32, #tpu.memory_space<hbm>> -> memref<80x128xf32, #tpu.memory_space<hbm>>
      %dma_start3A_77 = arith.constant 0 : i32
      %dma_start3A_78 = tpu.memref_slice %arg5[%add3A_46, %dma_start3A_77] : memref<20480x128xf32, #tpu.memory_space<hbm>> -> memref<80x128xf32, #tpu.memory_space<hbm>>
      tpu.enqueue_dma source(%arg9 : memref<80x128xf32, #tpu.memory_space<vmem>>) target(%dma_start3A_78 : memref<80x128xf32, #tpu.memory_space<hbm>>) target_semaphore(%run_scoped3A : memref<!tpu.dma_semaphore, #tpu.memory_space<semaphore_mem>>)
      %dma_wait3A_79 = arith.constant 0 : i32
      %dma_wait3A_80 = tpu.memref_slice %arg5[%add3A_46, %dma_wait3A_79] : memref<20480x128xf32, #tpu.memory_space<hbm>> -> memref<80x128xf32, #tpu.memory_space<hbm>>
      %dma_wait3A_81 = arith.constant 0 : i32
      %dma_wait3A_82 = tpu.memref_slice %arg5[%add3A_46, %dma_wait3A_81] : memref<20480x128xf32, #tpu.memory_space<hbm>> -> memref<80x128xf32, #tpu.memory_space<hbm>>
      tpu.wait_dma2 semaphore(%run_scoped3A : memref<!tpu.dma_semaphore, #tpu.memory_space<semaphore_mem>>) src(%arg9 : memref<80x128xf32, #tpu.memory_space<vmem>>) dst(%dma_wait3A_82 : memref<80x128xf32, #tpu.memory_space<hbm>>)
      tpu.yield
    }) : () -> ()
    %add3A_47 = arith.constant 80 : i32
    %add3A_48 = arith.addi %mul3A_2, %add3A_47 : i32
    "tpu.region"() ({
      %run_scoped3A = tpu.sem_alloc : memref<!tpu.dma_semaphore, #tpu.memory_space<semaphore_mem>>
      %dma_start3A_75 = arith.constant 0 : i32
      %dma_start3A_76 = tpu.memref_slice %arg6[%add3A_48, %dma_start3A_75] : memref<10240x128xf32, #tpu.memory_space<vmem_shared>> -> memref<80x128xf32, #tpu.memory_space<vmem_shared>>
      %dma_start3A_77 = arith.constant 0 : i32
      %dma_start3A_78 = tpu.memref_slice %arg6[%add3A_48, %dma_start3A_77] : memref<10240x128xf32, #tpu.memory_space<vmem_shared>> -> memref<80x128xf32, #tpu.memory_space<vmem_shared>>
      tpu.enqueue_dma source(%dma_start3A_78 : memref<80x128xf32, #tpu.memory_space<vmem_shared>>) target(%arg9 : memref<80x128xf32, #tpu.memory_space<vmem>>) target_semaphore(%run_scoped3A : memref<!tpu.dma_semaphore, #tpu.memory_space<semaphore_mem>>)
      %dma_wait3A_79 = arith.constant 0 : i32
      %dma_wait3A_80 = tpu.memref_slice %arg6[%add3A_48, %dma_wait3A_79] : memref<10240x128xf32, #tpu.memory_space<vmem_shared>> -> memref<80x128xf32, #tpu.memory_space<vmem_shared>>
      %dma_wait3A_81 = arith.constant 0 : i32
      %dma_wait3A_82 = tpu.memref_slice %arg6[%add3A_48, %dma_wait3A_81] : memref<10240x128xf32, #tpu.memory_space<vmem_shared>> -> memref<80x128xf32, #tpu.memory_space<vmem_shared>>
      tpu.wait_dma2 semaphore(%run_scoped3A : memref<!tpu.dma_semaphore, #tpu.memory_space<semaphore_mem>>) src(%dma_wait3A_82 : memref<80x128xf32, #tpu.memory_space<vmem_shared>>) dst(%arg9 : memref<80x128xf32, #tpu.memory_space<vmem>>)
      tpu.yield
    }) : () -> ()
    %add3A_49 = arith.constant 80 : i32
    %add3A_50 = arith.addi %add3A_42, %add3A_49 : i32
    "tpu.region"() ({
      %run_scoped3A = tpu.sem_alloc : memref<!tpu.dma_semaphore, #tpu.memory_space<semaphore_mem>>
      %dma_start3A_75 = arith.constant 0 : i32
      %dma_start3A_76 = tpu.memref_slice %arg5[%add3A_50, %dma_start3A_75] : memref<20480x128xf32, #tpu.memory_space<hbm>> -> memref<80x128xf32, #tpu.memory_space<hbm>>
      %dma_start3A_77 = arith.constant 0 : i32
      %dma_start3A_78 = tpu.memref_slice %arg5[%add3A_50, %dma_start3A_77] : memref<20480x128xf32, #tpu.memory_space<hbm>> -> memref<80x128xf32, #tpu.memory_space<hbm>>
      tpu.enqueue_dma source(%arg9 : memref<80x128xf32, #tpu.memory_space<vmem>>) target(%dma_start3A_78 : memref<80x128xf32, #tpu.memory_space<hbm>>) target_semaphore(%run_scoped3A : memref<!tpu.dma_semaphore, #tpu.memory_space<semaphore_mem>>)
      %dma_wait3A_79 = arith.constant 0 : i32
      %dma_wait3A_80 = tpu.memref_slice %arg5[%add3A_50, %dma_wait3A_79] : memref<20480x128xf32, #tpu.memory_space<hbm>> -> memref<80x128xf32, #tpu.memory_space<hbm>>
      %dma_wait3A_81 = arith.constant 0 : i32
      %dma_wait3A_82 = tpu.memref_slice %arg5[%add3A_50, %dma_wait3A_81] : memref<20480x128xf32, #tpu.memory_space<hbm>> -> memref<80x128xf32, #tpu.memory_space<hbm>>
      tpu.wait_dma2 semaphore(%run_scoped3A : memref<!tpu.dma_semaphore, #tpu.memory_space<semaphore_mem>>) src(%arg9 : memref<80x128xf32, #tpu.memory_space<vmem>>) dst(%dma_wait3A_82 : memref<80x128xf32, #tpu.memory_space<hbm>>)
      tpu.yield
    }) : () -> ()
    %add3A_51 = arith.constant 160 : i32
    %add3A_52 = arith.addi %mul3A_2, %add3A_51 : i32
    "tpu.region"() ({
      %run_scoped3A = tpu.sem_alloc : memref<!tpu.dma_semaphore, #tpu.memory_space<semaphore_mem>>
      %dma_start3A_75 = arith.constant 0 : i32
      %dma_start3A_76 = tpu.memref_slice %arg6[%add3A_52, %dma_start3A_75] : memref<10240x128xf32, #tpu.memory_space<vmem_shared>> -> memref<80x128xf32, #tpu.memory_space<vmem_shared>>
      %dma_start3A_77 = arith.constant 0 : i32
      %dma_start3A_78 = tpu.memref_slice %arg6[%add3A_52, %dma_start3A_77] : memref<10240x128xf32, #tpu.memory_space<vmem_shared>> -> memref<80x128xf32, #tpu.memory_space<vmem_shared>>
      tpu.enqueue_dma source(%dma_start3A_78 : memref<80x128xf32, #tpu.memory_space<vmem_shared>>) target(%arg9 : memref<80x128xf32, #tpu.memory_space<vmem>>) target_semaphore(%run_scoped3A : memref<!tpu.dma_semaphore, #tpu.memory_space<semaphore_mem>>)
      %dma_wait3A_79 = arith.constant 0 : i32
      %dma_wait3A_80 = tpu.memref_slice %arg6[%add3A_52, %dma_wait3A_79] : memref<10240x128xf32, #tpu.memory_space<vmem_shared>> -> memref<80x128xf32, #tpu.memory_space<vmem_shared>>
      %dma_wait3A_81 = arith.constant 0 : i32
      %dma_wait3A_82 = tpu.memref_slice %arg6[%add3A_52, %dma_wait3A_81] : memref<10240x128xf32, #tpu.memory_space<vmem_shared>> -> memref<80x128xf32, #tpu.memory_space<vmem_shared>>
      tpu.wait_dma2 semaphore(%run_scoped3A : memref<!tpu.dma_semaphore, #tpu.memory_space<semaphore_mem>>) src(%dma_wait3A_82 : memref<80x128xf32, #tpu.memory_space<vmem_shared>>) dst(%arg9 : memref<80x128xf32, #tpu.memory_space<vmem>>)
      tpu.yield
    }) : () -> ()
    %add3A_53 = arith.constant 160 : i32
    %add3A_54 = arith.addi %add3A_42, %add3A_53 : i32
    "tpu.region"() ({
      %run_scoped3A = tpu.sem_alloc : memref<!tpu.dma_semaphore, #tpu.memory_space<semaphore_mem>>
      %dma_start3A_75 = arith.constant 0 : i32
      %dma_start3A_76 = tpu.memref_slice %arg5[%add3A_54, %dma_start3A_75] : memref<20480x128xf32, #tpu.memory_space<hbm>> -> memref<80x128xf32, #tpu.memory_space<hbm>>
      %dma_start3A_77 = arith.constant 0 : i32
      %dma_start3A_78 = tpu.memref_slice %arg5[%add3A_54, %dma_start3A_77] : memref<20480x128xf32, #tpu.memory_space<hbm>> -> memref<80x128xf32, #tpu.memory_space<hbm>>
      tpu.enqueue_dma source(%arg9 : memref<80x128xf32, #tpu.memory_space<vmem>>) target(%dma_start3A_78 : memref<80x128xf32, #tpu.memory_space<hbm>>) target_semaphore(%run_scoped3A : memref<!tpu.dma_semaphore, #tpu.memory_space<semaphore_mem>>)
      %dma_wait3A_79 = arith.constant 0 : i32
      %dma_wait3A_80 = tpu.memref_slice %arg5[%add3A_54, %dma_wait3A_79] : memref<20480x128xf32, #tpu.memory_space<hbm>> -> memref<80x128xf32, #tpu.memory_space<hbm>>
      %dma_wait3A_81 = arith.constant 0 : i32
      %dma_wait3A_82 = tpu.memref_slice %arg5[%add3A_54, %dma_wait3A_81] : memref<20480x128xf32, #tpu.memory_space<hbm>> -> memref<80x128xf32, #tpu.memory_space<hbm>>
      tpu.wait_dma2 semaphore(%run_scoped3A : memref<!tpu.dma_semaphore, #tpu.memory_space<semaphore_mem>>) src(%arg9 : memref<80x128xf32, #tpu.memory_space<vmem>>) dst(%dma_wait3A_82 : memref<80x128xf32, #tpu.memory_space<hbm>>)
      tpu.yield
    }) : () -> ()
    %add3A_55 = arith.constant 240 : i32
    %add3A_56 = arith.addi %mul3A_2, %add3A_55 : i32
    "tpu.region"() ({
      %run_scoped3A = tpu.sem_alloc : memref<!tpu.dma_semaphore, #tpu.memory_space<semaphore_mem>>
      %dma_start3A_75 = arith.constant 0 : i32
      %dma_start3A_76 = tpu.memref_slice %arg6[%add3A_56, %dma_start3A_75] : memref<10240x128xf32, #tpu.memory_space<vmem_shared>> -> memref<80x128xf32, #tpu.memory_space<vmem_shared>>
      %dma_start3A_77 = arith.constant 0 : i32
      %dma_start3A_78 = tpu.memref_slice %arg6[%add3A_56, %dma_start3A_77] : memref<10240x128xf32, #tpu.memory_space<vmem_shared>> -> memref<80x128xf32, #tpu.memory_space<vmem_shared>>
      tpu.enqueue_dma source(%dma_start3A_78 : memref<80x128xf32, #tpu.memory_space<vmem_shared>>) target(%arg9 : memref<80x128xf32, #tpu.memory_space<vmem>>) target_semaphore(%run_scoped3A : memref<!tpu.dma_semaphore, #tpu.memory_space<semaphore_mem>>)
      %dma_wait3A_79 = arith.constant 0 : i32
      %dma_wait3A_80 = tpu.memref_slice %arg6[%add3A_56, %dma_wait3A_79] : memref<10240x128xf32, #tpu.memory_space<vmem_shared>> -> memref<80x128xf32, #tpu.memory_space<vmem_shared>>
      %dma_wait3A_81 = arith.constant 0 : i32
      %dma_wait3A_82 = tpu.memref_slice %arg6[%add3A_56, %dma_wait3A_81] : memref<10240x128xf32, #tpu.memory_space<vmem_shared>> -> memref<80x128xf32, #tpu.memory_space<vmem_shared>>
      tpu.wait_dma2 semaphore(%run_scoped3A : memref<!tpu.dma_semaphore, #tpu.memory_space<semaphore_mem>>) src(%dma_wait3A_82 : memref<80x128xf32, #tpu.memory_space<vmem_shared>>) dst(%arg9 : memref<80x128xf32, #tpu.memory_space<vmem>>)
      tpu.yield
    }) : () -> ()
    %add3A_57 = arith.constant 240 : i32
    %add3A_58 = arith.addi %add3A_42, %add3A_57 : i32
    "tpu.region"() ({
      %run_scoped3A = tpu.sem_alloc : memref<!tpu.dma_semaphore, #tpu.memory_space<semaphore_mem>>
      %dma_start3A_75 = arith.constant 0 : i32
      %dma_start3A_76 = tpu.memref_slice %arg5[%add3A_58, %dma_start3A_75] : memref<20480x128xf32, #tpu.memory_space<hbm>> -> memref<80x128xf32, #tpu.memory_space<hbm>>
      %dma_start3A_77 = arith.constant 0 : i32
      %dma_start3A_78 = tpu.memref_slice %arg5[%add3A_58, %dma_start3A_77] : memref<20480x128xf32, #tpu.memory_space<hbm>> -> memref<80x128xf32, #tpu.memory_space<hbm>>
      tpu.enqueue_dma source(%arg9 : memref<80x128xf32, #tpu.memory_space<vmem>>) target(%dma_start3A_78 : memref<80x128xf32, #tpu.memory_space<hbm>>) target_semaphore(%run_scoped3A : memref<!tpu.dma_semaphore, #tpu.memory_space<semaphore_mem>>)
      %dma_wait3A_79 = arith.constant 0 : i32
      %dma_wait3A_80 = tpu.memref_slice %arg5[%add3A_58, %dma_wait3A_79] : memref<20480x128xf32, #tpu.memory_space<hbm>> -> memref<80x128xf32, #tpu.memory_space<hbm>>
      %dma_wait3A_81 = arith.constant 0 : i32
      %dma_wait3A_82 = tpu.memref_slice %arg5[%add3A_58, %dma_wait3A_81] : memref<20480x128xf32, #tpu.memory_space<hbm>> -> memref<80x128xf32, #tpu.memory_space<hbm>>
      tpu.wait_dma2 semaphore(%run_scoped3A : memref<!tpu.dma_semaphore, #tpu.memory_space<semaphore_mem>>) src(%arg9 : memref<80x128xf32, #tpu.memory_space<vmem>>) dst(%dma_wait3A_82 : memref<80x128xf32, #tpu.memory_space<hbm>>)
      tpu.yield
    }) : () -> ()
    %add3A_59 = arith.constant 320 : i32
    %add3A_60 = arith.addi %mul3A_2, %add3A_59 : i32
    "tpu.region"() ({
      %run_scoped3A = tpu.sem_alloc : memref<!tpu.dma_semaphore, #tpu.memory_space<semaphore_mem>>
      %dma_start3A_75 = arith.constant 0 : i32
      %dma_start3A_76 = tpu.memref_slice %arg6[%add3A_60, %dma_start3A_75] : memref<10240x128xf32, #tpu.memory_space<vmem_shared>> -> memref<80x128xf32, #tpu.memory_space<vmem_shared>>
      %dma_start3A_77 = arith.constant 0 : i32
      %dma_start3A_78 = tpu.memref_slice %arg6[%add3A_60, %dma_start3A_77] : memref<10240x128xf32, #tpu.memory_space<vmem_shared>> -> memref<80x128xf32, #tpu.memory_space<vmem_shared>>
      tpu.enqueue_dma source(%dma_start3A_78 : memref<80x128xf32, #tpu.memory_space<vmem_shared>>) target(%arg9 : memref<80x128xf32, #tpu.memory_space<vmem>>) target_semaphore(%run_scoped3A : memref<!tpu.dma_semaphore, #tpu.memory_space<semaphore_mem>>)
      %dma_wait3A_79 = arith.constant 0 : i32
      %dma_wait3A_80 = tpu.memref_slice %arg6[%add3A_60, %dma_wait3A_79] : memref<10240x128xf32, #tpu.memory_space<vmem_shared>> -> memref<80x128xf32, #tpu.memory_space<vmem_shared>>
      %dma_wait3A_81 = arith.constant 0 : i32
      %dma_wait3A_82 = tpu.memref_slice %arg6[%add3A_60, %dma_wait3A_81] : memref<10240x128xf32, #tpu.memory_space<vmem_shared>> -> memref<80x128xf32, #tpu.memory_space<vmem_shared>>
      tpu.wait_dma2 semaphore(%run_scoped3A : memref<!tpu.dma_semaphore, #tpu.memory_space<semaphore_mem>>) src(%dma_wait3A_82 : memref<80x128xf32, #tpu.memory_space<vmem_shared>>) dst(%arg9 : memref<80x128xf32, #tpu.memory_space<vmem>>)
      tpu.yield
    }) : () -> ()
    %add3A_61 = arith.constant 320 : i32
    %add3A_62 = arith.addi %add3A_42, %add3A_61 : i32
    "tpu.region"() ({
      %run_scoped3A = tpu.sem_alloc : memref<!tpu.dma_semaphore, #tpu.memory_space<semaphore_mem>>
      %dma_start3A_75 = arith.constant 0 : i32
      %dma_start3A_76 = tpu.memref_slice %arg5[%add3A_62, %dma_start3A_75] : memref<20480x128xf32, #tpu.memory_space<hbm>> -> memref<80x128xf32, #tpu.memory_space<hbm>>
      %dma_start3A_77 = arith.constant 0 : i32
      %dma_start3A_78 = tpu.memref_slice %arg5[%add3A_62, %dma_start3A_77] : memref<20480x128xf32, #tpu.memory_space<hbm>> -> memref<80x128xf32, #tpu.memory_space<hbm>>
      tpu.enqueue_dma source(%arg9 : memref<80x128xf32, #tpu.memory_space<vmem>>) target(%dma_start3A_78 : memref<80x128xf32, #tpu.memory_space<hbm>>) target_semaphore(%run_scoped3A : memref<!tpu.dma_semaphore, #tpu.memory_space<semaphore_mem>>)
      %dma_wait3A_79 = arith.constant 0 : i32
      %dma_wait3A_80 = tpu.memref_slice %arg5[%add3A_62, %dma_wait3A_79] : memref<20480x128xf32, #tpu.memory_space<hbm>> -> memref<80x128xf32, #tpu.memory_space<hbm>>
      %dma_wait3A_81 = arith.constant 0 : i32
      %dma_wait3A_82 = tpu.memref_slice %arg5[%add3A_62, %dma_wait3A_81] : memref<20480x128xf32, #tpu.memory_space<hbm>> -> memref<80x128xf32, #tpu.memory_space<hbm>>
      tpu.wait_dma2 semaphore(%run_scoped3A : memref<!tpu.dma_semaphore, #tpu.memory_space<semaphore_mem>>) src(%arg9 : memref<80x128xf32, #tpu.memory_space<vmem>>) dst(%dma_wait3A_82 : memref<80x128xf32, #tpu.memory_space<hbm>>)
      tpu.yield
    }) : () -> ()
    %add3A_63 = arith.constant 400 : i32
    %add3A_64 = arith.addi %mul3A_2, %add3A_63 : i32
    "tpu.region"() ({
      %run_scoped3A = tpu.sem_alloc : memref<!tpu.dma_semaphore, #tpu.memory_space<semaphore_mem>>
      %dma_start3A_75 = arith.constant 0 : i32
      %dma_start3A_76 = tpu.memref_slice %arg6[%add3A_64, %dma_start3A_75] : memref<10240x128xf32, #tpu.memory_space<vmem_shared>> -> memref<80x128xf32, #tpu.memory_space<vmem_shared>>
      %dma_start3A_77 = arith.constant 0 : i32
      %dma_start3A_78 = tpu.memref_slice %arg6[%add3A_64, %dma_start3A_77] : memref<10240x128xf32, #tpu.memory_space<vmem_shared>> -> memref<80x128xf32, #tpu.memory_space<vmem_shared>>
      tpu.enqueue_dma source(%dma_start3A_78 : memref<80x128xf32, #tpu.memory_space<vmem_shared>>) target(%arg9 : memref<80x128xf32, #tpu.memory_space<vmem>>) target_semaphore(%run_scoped3A : memref<!tpu.dma_semaphore, #tpu.memory_space<semaphore_mem>>)
      %dma_wait3A_79 = arith.constant 0 : i32
      %dma_wait3A_80 = tpu.memref_slice %arg6[%add3A_64, %dma_wait3A_79] : memref<10240x128xf32, #tpu.memory_space<vmem_shared>> -> memref<80x128xf32, #tpu.memory_space<vmem_shared>>
      %dma_wait3A_81 = arith.constant 0 : i32
      %dma_wait3A_82 = tpu.memref_slice %arg6[%add3A_64, %dma_wait3A_81] : memref<10240x128xf32, #tpu.memory_space<vmem_shared>> -> memref<80x128xf32, #tpu.memory_space<vmem_shared>>
      tpu.wait_dma2 semaphore(%run_scoped3A : memref<!tpu.dma_semaphore, #tpu.memory_space<semaphore_mem>>) src(%dma_wait3A_82 : memref<80x128xf32, #tpu.memory_space<vmem_shared>>) dst(%arg9 : memref<80x128xf32, #tpu.memory_space<vmem>>)
      tpu.yield
    }) : () -> ()
    %add3A_65 = arith.constant 400 : i32
    %add3A_66 = arith.addi %add3A_42, %add3A_65 : i32
    "tpu.region"() ({
      %run_scoped3A = tpu.sem_alloc : memref<!tpu.dma_semaphore, #tpu.memory_space<semaphore_mem>>
      %dma_start3A_75 = arith.constant 0 : i32
      %dma_start3A_76 = tpu.memref_slice %arg5[%add3A_66, %dma_start3A_75] : memref<20480x128xf32, #tpu.memory_space<hbm>> -> memref<80x128xf32, #tpu.memory_space<hbm>>
      %dma_start3A_77 = arith.constant 0 : i32
      %dma_start3A_78 = tpu.memref_slice %arg5[%add3A_66, %dma_start3A_77] : memref<20480x128xf32, #tpu.memory_space<hbm>> -> memref<80x128xf32, #tpu.memory_space<hbm>>
      tpu.enqueue_dma source(%arg9 : memref<80x128xf32, #tpu.memory_space<vmem>>) target(%dma_start3A_78 : memref<80x128xf32, #tpu.memory_space<hbm>>) target_semaphore(%run_scoped3A : memref<!tpu.dma_semaphore, #tpu.memory_space<semaphore_mem>>)
      %dma_wait3A_79 = arith.constant 0 : i32
      %dma_wait3A_80 = tpu.memref_slice %arg5[%add3A_66, %dma_wait3A_79] : memref<20480x128xf32, #tpu.memory_space<hbm>> -> memref<80x128xf32, #tpu.memory_space<hbm>>
      %dma_wait3A_81 = arith.constant 0 : i32
      %dma_wait3A_82 = tpu.memref_slice %arg5[%add3A_66, %dma_wait3A_81] : memref<20480x128xf32, #tpu.memory_space<hbm>> -> memref<80x128xf32, #tpu.memory_space<hbm>>
      tpu.wait_dma2 semaphore(%run_scoped3A : memref<!tpu.dma_semaphore, #tpu.memory_space<semaphore_mem>>) src(%arg9 : memref<80x128xf32, #tpu.memory_space<vmem>>) dst(%dma_wait3A_82 : memref<80x128xf32, #tpu.memory_space<hbm>>)
      tpu.yield
    }) : () -> ()
    %add3A_67 = arith.constant 480 : i32
    %add3A_68 = arith.addi %mul3A_2, %add3A_67 : i32
    "tpu.region"() ({
      %run_scoped3A = tpu.sem_alloc : memref<!tpu.dma_semaphore, #tpu.memory_space<semaphore_mem>>
      %dma_start3A_75 = arith.constant 0 : i32
      %dma_start3A_76 = tpu.memref_slice %arg6[%add3A_68, %dma_start3A_75] : memref<10240x128xf32, #tpu.memory_space<vmem_shared>> -> memref<80x128xf32, #tpu.memory_space<vmem_shared>>
      %dma_start3A_77 = arith.constant 0 : i32
      %dma_start3A_78 = tpu.memref_slice %arg6[%add3A_68, %dma_start3A_77] : memref<10240x128xf32, #tpu.memory_space<vmem_shared>> -> memref<80x128xf32, #tpu.memory_space<vmem_shared>>
      tpu.enqueue_dma source(%dma_start3A_78 : memref<80x128xf32, #tpu.memory_space<vmem_shared>>) target(%arg9 : memref<80x128xf32, #tpu.memory_space<vmem>>) target_semaphore(%run_scoped3A : memref<!tpu.dma_semaphore, #tpu.memory_space<semaphore_mem>>)
      %dma_wait3A_79 = arith.constant 0 : i32
      %dma_wait3A_80 = tpu.memref_slice %arg6[%add3A_68, %dma_wait3A_79] : memref<10240x128xf32, #tpu.memory_space<vmem_shared>> -> memref<80x128xf32, #tpu.memory_space<vmem_shared>>
      %dma_wait3A_81 = arith.constant 0 : i32
      %dma_wait3A_82 = tpu.memref_slice %arg6[%add3A_68, %dma_wait3A_81] : memref<10240x128xf32, #tpu.memory_space<vmem_shared>> -> memref<80x128xf32, #tpu.memory_space<vmem_shared>>
      tpu.wait_dma2 semaphore(%run_scoped3A : memref<!tpu.dma_semaphore, #tpu.memory_space<semaphore_mem>>) src(%dma_wait3A_82 : memref<80x128xf32, #tpu.memory_space<vmem_shared>>) dst(%arg9 : memref<80x128xf32, #tpu.memory_space<vmem>>)
      tpu.yield
    }) : () -> ()
    %add3A_69 = arith.constant 480 : i32
    %add3A_70 = arith.addi %add3A_42, %add3A_69 : i32
    "tpu.region"() ({
      %run_scoped3A = tpu.sem_alloc : memref<!tpu.dma_semaphore, #tpu.memory_space<semaphore_mem>>
      %dma_start3A_75 = arith.constant 0 : i32
      %dma_start3A_76 = tpu.memref_slice %arg5[%add3A_70, %dma_start3A_75] : memref<20480x128xf32, #tpu.memory_space<hbm>> -> memref<80x128xf32, #tpu.memory_space<hbm>>
      %dma_start3A_77 = arith.constant 0 : i32
      %dma_start3A_78 = tpu.memref_slice %arg5[%add3A_70, %dma_start3A_77] : memref<20480x128xf32, #tpu.memory_space<hbm>> -> memref<80x128xf32, #tpu.memory_space<hbm>>
      tpu.enqueue_dma source(%arg9 : memref<80x128xf32, #tpu.memory_space<vmem>>) target(%dma_start3A_78 : memref<80x128xf32, #tpu.memory_space<hbm>>) target_semaphore(%run_scoped3A : memref<!tpu.dma_semaphore, #tpu.memory_space<semaphore_mem>>)
      %dma_wait3A_79 = arith.constant 0 : i32
      %dma_wait3A_80 = tpu.memref_slice %arg5[%add3A_70, %dma_wait3A_79] : memref<20480x128xf32, #tpu.memory_space<hbm>> -> memref<80x128xf32, #tpu.memory_space<hbm>>
      %dma_wait3A_81 = arith.constant 0 : i32
      %dma_wait3A_82 = tpu.memref_slice %arg5[%add3A_70, %dma_wait3A_81] : memref<20480x128xf32, #tpu.memory_space<hbm>> -> memref<80x128xf32, #tpu.memory_space<hbm>>
      tpu.wait_dma2 semaphore(%run_scoped3A : memref<!tpu.dma_semaphore, #tpu.memory_space<semaphore_mem>>) src(%arg9 : memref<80x128xf32, #tpu.memory_space<vmem>>) dst(%dma_wait3A_82 : memref<80x128xf32, #tpu.memory_space<hbm>>)
      tpu.yield
    }) : () -> ()
    %add3A_71 = arith.constant 560 : i32
    %add3A_72 = arith.addi %mul3A_2, %add3A_71 : i32
    "tpu.region"() ({
      %run_scoped3A = tpu.sem_alloc : memref<!tpu.dma_semaphore, #tpu.memory_space<semaphore_mem>>
      %dma_start3A_75 = arith.constant 0 : i32
      %dma_start3A_76 = tpu.memref_slice %arg6[%add3A_72, %dma_start3A_75] : memref<10240x128xf32, #tpu.memory_space<vmem_shared>> -> memref<80x128xf32, #tpu.memory_space<vmem_shared>>
      %dma_start3A_77 = arith.constant 0 : i32
      %dma_start3A_78 = tpu.memref_slice %arg6[%add3A_72, %dma_start3A_77] : memref<10240x128xf32, #tpu.memory_space<vmem_shared>> -> memref<80x128xf32, #tpu.memory_space<vmem_shared>>
      tpu.enqueue_dma source(%dma_start3A_78 : memref<80x128xf32, #tpu.memory_space<vmem_shared>>) target(%arg9 : memref<80x128xf32, #tpu.memory_space<vmem>>) target_semaphore(%run_scoped3A : memref<!tpu.dma_semaphore, #tpu.memory_space<semaphore_mem>>)
      %dma_wait3A_79 = arith.constant 0 : i32
      %dma_wait3A_80 = tpu.memref_slice %arg6[%add3A_72, %dma_wait3A_79] : memref<10240x128xf32, #tpu.memory_space<vmem_shared>> -> memref<80x128xf32, #tpu.memory_space<vmem_shared>>
      %dma_wait3A_81 = arith.constant 0 : i32
      %dma_wait3A_82 = tpu.memref_slice %arg6[%add3A_72, %dma_wait3A_81] : memref<10240x128xf32, #tpu.memory_space<vmem_shared>> -> memref<80x128xf32, #tpu.memory_space<vmem_shared>>
      tpu.wait_dma2 semaphore(%run_scoped3A : memref<!tpu.dma_semaphore, #tpu.memory_space<semaphore_mem>>) src(%dma_wait3A_82 : memref<80x128xf32, #tpu.memory_space<vmem_shared>>) dst(%arg9 : memref<80x128xf32, #tpu.memory_space<vmem>>)
      tpu.yield
    }) : () -> ()
    %add3A_73 = arith.constant 560 : i32
    %add3A_74 = arith.addi %add3A_42, %add3A_73 : i32
    "tpu.region"() ({
      %run_scoped3A = tpu.sem_alloc : memref<!tpu.dma_semaphore, #tpu.memory_space<semaphore_mem>>
      %dma_start3A_75 = arith.constant 0 : i32
      %dma_start3A_76 = tpu.memref_slice %arg5[%add3A_74, %dma_start3A_75] : memref<20480x128xf32, #tpu.memory_space<hbm>> -> memref<80x128xf32, #tpu.memory_space<hbm>>
      %dma_start3A_77 = arith.constant 0 : i32
      %dma_start3A_78 = tpu.memref_slice %arg5[%add3A_74, %dma_start3A_77] : memref<20480x128xf32, #tpu.memory_space<hbm>> -> memref<80x128xf32, #tpu.memory_space<hbm>>
      tpu.enqueue_dma source(%arg9 : memref<80x128xf32, #tpu.memory_space<vmem>>) target(%dma_start3A_78 : memref<80x128xf32, #tpu.memory_space<hbm>>) target_semaphore(%run_scoped3A : memref<!tpu.dma_semaphore, #tpu.memory_space<semaphore_mem>>)
      %dma_wait3A_79 = arith.constant 0 : i32
      %dma_wait3A_80 = tpu.memref_slice %arg5[%add3A_74, %dma_wait3A_79] : memref<20480x128xf32, #tpu.memory_space<hbm>> -> memref<80x128xf32, #tpu.memory_space<hbm>>
      %dma_wait3A_81 = arith.constant 0 : i32
      %dma_wait3A_82 = tpu.memref_slice %arg5[%add3A_74, %dma_wait3A_81] : memref<20480x128xf32, #tpu.memory_space<hbm>> -> memref<80x128xf32, #tpu.memory_space<hbm>>
      tpu.wait_dma2 semaphore(%run_scoped3A : memref<!tpu.dma_semaphore, #tpu.memory_space<semaphore_mem>>) src(%arg9 : memref<80x128xf32, #tpu.memory_space<vmem>>) dst(%dma_wait3A_82 : memref<80x128xf32, #tpu.memory_space<hbm>>)
      tpu.yield
    }) : () -> ()
    return
  }
}

#map = affine_map<(d0, d1) -> (0, 0)>
#map1 = affine_map<(d0, d1) -> (0)>
module attributes {stable_mosaic.version = 14 : i64} {
  func.func @agg(%arg0: i32, %arg1: i32, %arg2: memref<10000x128xf32, #tpu.memory_space<hbm>>, %arg3: memref<320000xi32, #tpu.memory_space<hbm>>, %arg4: memref<320000xi32, #tpu.memory_space<hbm>>, %arg5: memref<20480x128xf32, #tpu.memory_space<hbm>>, %arg6: memref<10240x128xf32, #tpu.memory_space<vmem_shared>>, %arg7: memref<80xi32, #tpu.memory_space<vmem>>, %arg8: memref<80xi32, #tpu.memory_space<vmem>>, %arg9: memref<80x128xf32, #tpu.memory_space<vmem>>, %arg10: memref<!tpu.dma_semaphore, #tpu.memory_space<semaphore_mem>>, %arg11: memref<80xi32, #tpu.memory_space<vmem>>, %arg12: memref<80xi32, #tpu.memory_space<vmem>>, %arg13: memref<80x128xf32, #tpu.memory_space<vmem>>) attributes {dimension_semantics = [#tpu.dimension_semantics<core_parallel>, #tpu.dimension_semantics<subcore_parallel>], iteration_bounds = array<i64: 2, 16>, scalar_prefetch = 0 : i64, scratch_operands = 8 : i64, tpu.core_type = #tpu.core_type<sc_vector_subcore>, window_params = [{transform_indices = #map}, {transform_indices = #map1}, {transform_indices = #map1}, {transform_indices = #map}]} {
    %mul3A = arith.constant 2 : i32
    %mul3A_0 = arith.muli %arg1, %mul3A : i32
    %add3A = arith.addi %mul3A_0, %arg0 : i32
    %mul3A_1 = arith.constant 640 : i32
    %mul3A_2 = arith.muli %arg1, %mul3A_1 : i32
    %broadcast_in_dim3A = arith.constant 0.000000e+00 : f32
    %broadcast_in_dim3A_3 = vector.broadcast %broadcast_in_dim3A : f32 to vector<16xf32>
    %scan3A = arith.constant 0 : i32
    %scan3A_4 = arith.constant 0 : i32
    %scan3A_5 = arith.constant 80 : i32
    %scan3A_6 = arith.addi %scan3A_4, %scan3A_5 : i32
    %scan3A_7 = arith.constant 1 : i32
    scf.for %scan3A_75 = %scan3A_4 to %scan3A_6 step %scan3A_7  : i32 {
      %swap3A = arith.index_cast %scan3A_75 : i32 to index
      %swap3A_76 = arith.constant 0 : index
      %swap3A_77 = tpu.vector_load %arg9[%swap3A, %swap3A_76] {strides = array<i32>} : memref<80x128xf32, #tpu.memory_space<vmem>>, vector<1x16xf32>,
      %swap3A_78 = vector.shape_cast %swap3A_77 : vector<1x16xf32> to vector<16xf32>
      %swap3A_79 = vector.shape_cast %broadcast_in_dim3A_3 : vector<16xf32> to vector<1x16xf32>
      tpu.vector_store %arg9[%swap3A, %swap3A_76], %swap3A_79 {strides = array<i32>} : memref<80x128xf32, #tpu.memory_space<vmem>>, vector<1x16xf32>,
      %swap3A_80 = arith.index_cast %scan3A_75 : i32 to index
      %swap3A_81 = arith.constant 16 : index
      %swap3A_82 = tpu.vector_load %arg9[%swap3A_80, %swap3A_81] {strides = array<i32>} : memref<80x128xf32, #tpu.memory_space<vmem>>, vector<1x16xf32>,
      %swap3A_83 = vector.shape_cast %swap3A_82 : vector<1x16xf32> to vector<16xf32>
      %swap3A_84 = vector.shape_cast %broadcast_in_dim3A_3 : vector<16xf32> to vector<1x16xf32>
      tpu.vector_store %arg9[%swap3A_80, %swap3A_81], %swap3A_84 {strides = array<i32>} : memref<80x128xf32, #tpu.memory_space<vmem>>, vector<1x16xf32>,
      %swap3A_85 = arith.index_cast %scan3A_75 : i32 to index
      %swap3A_86 = arith.constant 32 : index
      %swap3A_87 = tpu.vector_load %arg9[%swap3A_85, %swap3A_86] {strides = array<i32>} : memref<80x128xf32, #tpu.memory_space<vmem>>, vector<1x16xf32>,
      %swap3A_88 = vector.shape_cast %swap3A_87 : vector<1x16xf32> to vector<16xf32>
      %swap3A_89 = vector.shape_cast %broadcast_in_dim3A_3 : vector<16xf32> to vector<1x16xf32>
      tpu.vector_store %arg9[%swap3A_85, %swap3A_86], %swap3A_89 {strides = array<i32>} : memref<80x128xf32, #tpu.memory_space<vmem>>, vector<1x16xf32>,
      %swap3A_90 = arith.index_cast %scan3A_75 : i32 to index
      %swap3A_91 = arith.constant 48 : index
      %swap3A_92 = tpu.vector_load %arg9[%swap3A_90, %swap3A_91] {strides = array<i32>} : memref<80x128xf32, #tpu.memory_space<vmem>>, vector<1x16xf32>,
      %swap3A_93 = vector.shape_cast %swap3A_92 : vector<1x16xf32> to vector<16xf32>
      %swap3A_94 = vector.shape_cast %broadcast_in_dim3A_3 : vector<16xf32> to vector<1x16xf32>
      tpu.vector_store %arg9[%swap3A_90, %swap3A_91], %swap3A_94 {strides = array<i32>} : memref<80x128xf32, #tpu.memory_space<vmem>>, vector<1x16xf32>,
      %swap3A_95 = arith.index_cast %scan3A_75 : i32 to index
      %swap3A_96 = arith.constant 64 : index
      %swap3A_97 = tpu.vector_load %arg9[%swap3A_95, %swap3A_96] {strides = array<i32>} : memref<80x128xf32, #tpu.memory_space<vmem>>, vector<1x16xf32>,
      %swap3A_98 = vector.shape_cast %swap3A_97 : vector<1x16xf32> to vector<16xf32>
      %swap3A_99 = vector.shape_cast %broadcast_in_dim3A_3 : vector<16xf32> to vector<1x16xf32>
      tpu.vector_store %arg9[%swap3A_95, %swap3A_96], %swap3A_99 {strides = array<i32>} : memref<80x128xf32, #tpu.memory_space<vmem>>, vector<1x16xf32>,
      %swap3A_100 = arith.index_cast %scan3A_75 : i32 to index
      %swap3A_101 = arith.constant 80 : index
      %swap3A_102 = tpu.vector_load %arg9[%swap3A_100, %swap3A_101] {strides = array<i32>} : memref<80x128xf32, #tpu.memory_space<vmem>>, vector<1x16xf32>,
      %swap3A_103 = vector.shape_cast %swap3A_102 : vector<1x16xf32> to vector<16xf32>
      %swap3A_104 = vector.shape_cast %broadcast_in_dim3A_3 : vector<16xf32> to vector<1x16xf32>
      tpu.vector_store %arg9[%swap3A_100, %swap3A_101], %swap3A_104 {strides = array<i32>} : memref<80x128xf32, #tpu.memory_space<vmem>>, vector<1x16xf32>,
      %swap3A_105 = arith.index_cast %scan3A_75 : i32 to index
      %swap3A_106 = arith.constant 96 : index
      %swap3A_107 = tpu.vector_load %arg9[%swap3A_105, %swap3A_106] {strides = array<i32>} : memref<80x128xf32, #tpu.memory_space<vmem>>, vector<1x16xf32>,
      %swap3A_108 = vector.shape_cast %swap3A_107 : vector<1x16xf32> to vector<16xf32>
      %swap3A_109 = vector.shape_cast %broadcast_in_dim3A_3 : vector<16xf32> to vector<1x16xf32>
      tpu.vector_store %arg9[%swap3A_105, %swap3A_106], %swap3A_109 {strides = array<i32>} : memref<80x128xf32, #tpu.memory_space<vmem>>, vector<1x16xf32>,
      %swap3A_110 = arith.index_cast %scan3A_75 : i32 to index
      %swap3A_111 = arith.constant 112 : index
      %swap3A_112 = tpu.vector_load %arg9[%swap3A_110, %swap3A_111] {strides = array<i32>} : memref<80x128xf32, #tpu.memory_space<vmem>>, vector<1x16xf32>,
      %swap3A_113 = vector.shape_cast %swap3A_112 : vector<1x16xf32> to vector<16xf32>
      %swap3A_114 = vector.shape_cast %broadcast_in_dim3A_3 : vector<16xf32> to vector<1x16xf32>
      tpu.vector_store %arg9[%swap3A_110, %swap3A_111], %swap3A_114 {strides = array<i32>} : memref<80x128xf32, #tpu.memory_space<vmem>>, vector<1x16xf32>,
    }
    %scan3A_8 = arith.constant 80 : i32
    %add3A_9 = arith.constant 0 : i32
    %add3A_10 = arith.addi %mul3A_2, %add3A_9 : i32
    "tpu.region"() ({
      %run_scoped3A = tpu.sem_alloc : memref<!tpu.dma_semaphore, #tpu.memory_space<semaphore_mem>>
      %dma_start3A_75 = arith.constant 0 : i32
      %dma_start3A_76 = tpu.memref_slice %arg6[%add3A_10, %dma_start3A_75] : memref<10240x128xf32, #tpu.memory_space<vmem_shared>> -> memref<80x128xf32, #tpu.memory_space<vmem_shared>>
      %dma_start3A_77 = arith.constant 0 : i32
      %dma_start3A_78 = tpu.memref_slice %arg6[%add3A_10, %dma_start3A_77] : memref<10240x128xf32, #tpu.memory_space<vmem_shared>> -> memref<80x128xf32, #tpu.memory_space<vmem_shared>>
      tpu.enqueue_dma source(%arg9 : memref<80x128xf32, #tpu.memory_space<vmem>>) target(%dma_start3A_78 : memref<80x128xf32, #tpu.memory_space<vmem_shared>>) target_semaphore(%run_scoped3A : memref<!tpu.dma_semaphore, #tpu.memory_space<semaphore_mem>>)
      %dma_wait3A_79 = arith.constant 0 : i32
      %dma_wait3A_80 = tpu.memref_slice %arg6[%add3A_10, %dma_wait3A_79] : memref<10240x128xf32, #tpu.memory_space<vmem_shared>> -> memref<80x128xf32, #tpu.memory_space<vmem_shared>>
      %dma_wait3A_81 = arith.constant 0 : i32
      %dma_wait3A_82 = tpu.memref_slice %arg6[%add3A_10, %dma_wait3A_81] : memref<10240x128xf32, #tpu.memory_space<vmem_shared>> -> memref<80x128xf32, #tpu.memory_space<vmem_shared>>
      tpu.wait_dma2 semaphore(%run_scoped3A : memref<!tpu.dma_semaphore, #tpu.memory_space<semaphore_mem>>) src(%arg9 : memref<80x128xf32, #tpu.memory_space<vmem>>) dst(%dma_wait3A_82 : memref<80x128xf32, #tpu.memory_space<vmem_shared>>)
      tpu.yield
    }) : () -> ()
    %add3A_11 = arith.constant 80 : i32
    %add3A_12 = arith.addi %mul3A_2, %add3A_11 : i32
    "tpu.region"() ({
      %run_scoped3A = tpu.sem_alloc : memref<!tpu.dma_semaphore, #tpu.memory_space<semaphore_mem>>
      %dma_start3A_75 = arith.constant 0 : i32
      %dma_start3A_76 = tpu.memref_slice %arg6[%add3A_12, %dma_start3A_75] : memref<10240x128xf32, #tpu.memory_space<vmem_shared>> -> memref<80x128xf32, #tpu.memory_space<vmem_shared>>
      %dma_start3A_77 = arith.constant 0 : i32
      %dma_start3A_78 = tpu.memref_slice %arg6[%add3A_12, %dma_start3A_77] : memref<10240x128xf32, #tpu.memory_space<vmem_shared>> -> memref<80x128xf32, #tpu.memory_space<vmem_shared>>
      tpu.enqueue_dma source(%arg9 : memref<80x128xf32, #tpu.memory_space<vmem>>) target(%dma_start3A_78 : memref<80x128xf32, #tpu.memory_space<vmem_shared>>) target_semaphore(%run_scoped3A : memref<!tpu.dma_semaphore, #tpu.memory_space<semaphore_mem>>)
      %dma_wait3A_79 = arith.constant 0 : i32
      %dma_wait3A_80 = tpu.memref_slice %arg6[%add3A_12, %dma_wait3A_79] : memref<10240x128xf32, #tpu.memory_space<vmem_shared>> -> memref<80x128xf32, #tpu.memory_space<vmem_shared>>
      %dma_wait3A_81 = arith.constant 0 : i32
      %dma_wait3A_82 = tpu.memref_slice %arg6[%add3A_12, %dma_wait3A_81] : memref<10240x128xf32, #tpu.memory_space<vmem_shared>> -> memref<80x128xf32, #tpu.memory_space<vmem_shared>>
      tpu.wait_dma2 semaphore(%run_scoped3A : memref<!tpu.dma_semaphore, #tpu.memory_space<semaphore_mem>>) src(%arg9 : memref<80x128xf32, #tpu.memory_space<vmem>>) dst(%dma_wait3A_82 : memref<80x128xf32, #tpu.memory_space<vmem_shared>>)
      tpu.yield
    }) : () -> ()
    %add3A_13 = arith.constant 160 : i32
    %add3A_14 = arith.addi %mul3A_2, %add3A_13 : i32
    "tpu.region"() ({
      %run_scoped3A = tpu.sem_alloc : memref<!tpu.dma_semaphore, #tpu.memory_space<semaphore_mem>>
      %dma_start3A_75 = arith.constant 0 : i32
      %dma_start3A_76 = tpu.memref_slice %arg6[%add3A_14, %dma_start3A_75] : memref<10240x128xf32, #tpu.memory_space<vmem_shared>> -> memref<80x128xf32, #tpu.memory_space<vmem_shared>>
      %dma_start3A_77 = arith.constant 0 : i32
      %dma_start3A_78 = tpu.memref_slice %arg6[%add3A_14, %dma_start3A_77] : memref<10240x128xf32, #tpu.memory_space<vmem_shared>> -> memref<80x128xf32, #tpu.memory_space<vmem_shared>>
      tpu.enqueue_dma source(%arg9 : memref<80x128xf32, #tpu.memory_space<vmem>>) target(%dma_start3A_78 : memref<80x128xf32, #tpu.memory_space<vmem_shared>>) target_semaphore(%run_scoped3A : memref<!tpu.dma_semaphore, #tpu.memory_space<semaphore_mem>>)
      %dma_wait3A_79 = arith.constant 0 : i32
      %dma_wait3A_80 = tpu.memref_slice %arg6[%add3A_14, %dma_wait3A_79] : memref<10240x128xf32, #tpu.memory_space<vmem_shared>> -> memref<80x128xf32, #tpu.memory_space<vmem_shared>>
      %dma_wait3A_81 = arith.constant 0 : i32
      %dma_wait3A_82 = tpu.memref_slice %arg6[%add3A_14, %dma_wait3A_81] : memref<10240x128xf32, #tpu.memory_space<vmem_shared>> -> memref<80x128xf32, #tpu.memory_space<vmem_shared>>
      tpu.wait_dma2 semaphore(%run_scoped3A : memref<!tpu.dma_semaphore, #tpu.memory_space<semaphore_mem>>) src(%arg9 : memref<80x128xf32, #tpu.memory_space<vmem>>) dst(%dma_wait3A_82 : memref<80x128xf32, #tpu.memory_space<vmem_shared>>)
      tpu.yield
    }) : () -> ()
    %add3A_15 = arith.constant 240 : i32
    %add3A_16 = arith.addi %mul3A_2, %add3A_15 : i32
    "tpu.region"() ({
      %run_scoped3A = tpu.sem_alloc : memref<!tpu.dma_semaphore, #tpu.memory_space<semaphore_mem>>
      %dma_start3A_75 = arith.constant 0 : i32
      %dma_start3A_76 = tpu.memref_slice %arg6[%add3A_16, %dma_start3A_75] : memref<10240x128xf32, #tpu.memory_space<vmem_shared>> -> memref<80x128xf32, #tpu.memory_space<vmem_shared>>
      %dma_start3A_77 = arith.constant 0 : i32
      %dma_start3A_78 = tpu.memref_slice %arg6[%add3A_16, %dma_start3A_77] : memref<10240x128xf32, #tpu.memory_space<vmem_shared>> -> memref<80x128xf32, #tpu.memory_space<vmem_shared>>
      tpu.enqueue_dma source(%arg9 : memref<80x128xf32, #tpu.memory_space<vmem>>) target(%dma_start3A_78 : memref<80x128xf32, #tpu.memory_space<vmem_shared>>) target_semaphore(%run_scoped3A : memref<!tpu.dma_semaphore, #tpu.memory_space<semaphore_mem>>)
      %dma_wait3A_79 = arith.constant 0 : i32
      %dma_wait3A_80 = tpu.memref_slice %arg6[%add3A_16, %dma_wait3A_79] : memref<10240x128xf32, #tpu.memory_space<vmem_shared>> -> memref<80x128xf32, #tpu.memory_space<vmem_shared>>
      %dma_wait3A_81 = arith.constant 0 : i32
      %dma_wait3A_82 = tpu.memref_slice %arg6[%add3A_16, %dma_wait3A_81] : memref<10240x128xf32, #tpu.memory_space<vmem_shared>> -> memref<80x128xf32, #tpu.memory_space<vmem_shared>>
      tpu.wait_dma2 semaphore(%run_scoped3A : memref<!tpu.dma_semaphore, #tpu.memory_space<semaphore_mem>>) src(%arg9 : memref<80x128xf32, #tpu.memory_space<vmem>>) dst(%dma_wait3A_82 : memref<80x128xf32, #tpu.memory_space<vmem_shared>>)
      tpu.yield
    }) : () -> ()
    %add3A_17 = arith.constant 320 : i32
    %add3A_18 = arith.addi %mul3A_2, %add3A_17 : i32
    "tpu.region"() ({
      %run_scoped3A = tpu.sem_alloc : memref<!tpu.dma_semaphore, #tpu.memory_space<semaphore_mem>>
      %dma_start3A_75 = arith.constant 0 : i32
      %dma_start3A_76 = tpu.memref_slice %arg6[%add3A_18, %dma_start3A_75] : memref<10240x128xf32, #tpu.memory_space<vmem_shared>> -> memref<80x128xf32, #tpu.memory_space<vmem_shared>>
      %dma_start3A_77 = arith.constant 0 : i32
      %dma_start3A_78 = tpu.memref_slice %arg6[%add3A_18, %dma_start3A_77] : memref<10240x128xf32, #tpu.memory_space<vmem_shared>> -> memref<80x128xf32, #tpu.memory_space<vmem_shared>>
      tpu.enqueue_dma source(%arg9 : memref<80x128xf32, #tpu.memory_space<vmem>>) target(%dma_start3A_78 : memref<80x128xf32, #tpu.memory_space<vmem_shared>>) target_semaphore(%run_scoped3A : memref<!tpu.dma_semaphore, #tpu.memory_space<semaphore_mem>>)
      %dma_wait3A_79 = arith.constant 0 : i32
      %dma_wait3A_80 = tpu.memref_slice %arg6[%add3A_18, %dma_wait3A_79] : memref<10240x128xf32, #tpu.memory_space<vmem_shared>> -> memref<80x128xf32, #tpu.memory_space<vmem_shared>>
      %dma_wait3A_81 = arith.constant 0 : i32
      %dma_wait3A_82 = tpu.memref_slice %arg6[%add3A_18, %dma_wait3A_81] : memref<10240x128xf32, #tpu.memory_space<vmem_shared>> -> memref<80x128xf32, #tpu.memory_space<vmem_shared>>
      tpu.wait_dma2 semaphore(%run_scoped3A : memref<!tpu.dma_semaphore, #tpu.memory_space<semaphore_mem>>) src(%arg9 : memref<80x128xf32, #tpu.memory_space<vmem>>) dst(%dma_wait3A_82 : memref<80x128xf32, #tpu.memory_space<vmem_shared>>)
      tpu.yield
    }) : () -> ()
    %add3A_19 = arith.constant 400 : i32
    %add3A_20 = arith.addi %mul3A_2, %add3A_19 : i32
    "tpu.region"() ({
      %run_scoped3A = tpu.sem_alloc : memref<!tpu.dma_semaphore, #tpu.memory_space<semaphore_mem>>
      %dma_start3A_75 = arith.constant 0 : i32
      %dma_start3A_76 = tpu.memref_slice %arg6[%add3A_20, %dma_start3A_75] : memref<10240x128xf32, #tpu.memory_space<vmem_shared>> -> memref<80x128xf32, #tpu.memory_space<vmem_shared>>
      %dma_start3A_77 = arith.constant 0 : i32
      %dma_start3A_78 = tpu.memref_slice %arg6[%add3A_20, %dma_start3A_77] : memref<10240x128xf32, #tpu.memory_space<vmem_shared>> -> memref<80x128xf32, #tpu.memory_space<vmem_shared>>
      tpu.enqueue_dma source(%arg9 : memref<80x128xf32, #tpu.memory_space<vmem>>) target(%dma_start3A_78 : memref<80x128xf32, #tpu.memory_space<vmem_shared>>) target_semaphore(%run_scoped3A : memref<!tpu.dma_semaphore, #tpu.memory_space<semaphore_mem>>)
      %dma_wait3A_79 = arith.constant 0 : i32
      %dma_wait3A_80 = tpu.memref_slice %arg6[%add3A_20, %dma_wait3A_79] : memref<10240x128xf32, #tpu.memory_space<vmem_shared>> -> memref<80x128xf32, #tpu.memory_space<vmem_shared>>
      %dma_wait3A_81 = arith.constant 0 : i32
      %dma_wait3A_82 = tpu.memref_slice %arg6[%add3A_20, %dma_wait3A_81] : memref<10240x128xf32, #tpu.memory_space<vmem_shared>> -> memref<80x128xf32, #tpu.memory_space<vmem_shared>>
      tpu.wait_dma2 semaphore(%run_scoped3A : memref<!tpu.dma_semaphore, #tpu.memory_space<semaphore_mem>>) src(%arg9 : memref<80x128xf32, #tpu.memory_space<vmem>>) dst(%dma_wait3A_82 : memref<80x128xf32, #tpu.memory_space<vmem_shared>>)
      tpu.yield
    }) : () -> ()
    %add3A_21 = arith.constant 480 : i32
    %add3A_22 = arith.addi %mul3A_2, %add3A_21 : i32
    "tpu.region"() ({
      %run_scoped3A = tpu.sem_alloc : memref<!tpu.dma_semaphore, #tpu.memory_space<semaphore_mem>>
      %dma_start3A_75 = arith.constant 0 : i32
      %dma_start3A_76 = tpu.memref_slice %arg6[%add3A_22, %dma_start3A_75] : memref<10240x128xf32, #tpu.memory_space<vmem_shared>> -> memref<80x128xf32, #tpu.memory_space<vmem_shared>>
      %dma_start3A_77 = arith.constant 0 : i32
      %dma_start3A_78 = tpu.memref_slice %arg6[%add3A_22, %dma_start3A_77] : memref<10240x128xf32, #tpu.memory_space<vmem_shared>> -> memref<80x128xf32, #tpu.memory_space<vmem_shared>>
      tpu.enqueue_dma source(%arg9 : memref<80x128xf32, #tpu.memory_space<vmem>>) target(%dma_start3A_78 : memref<80x128xf32, #tpu.memory_space<vmem_shared>>) target_semaphore(%run_scoped3A : memref<!tpu.dma_semaphore, #tpu.memory_space<semaphore_mem>>)
      %dma_wait3A_79 = arith.constant 0 : i32
      %dma_wait3A_80 = tpu.memref_slice %arg6[%add3A_22, %dma_wait3A_79] : memref<10240x128xf32, #tpu.memory_space<vmem_shared>> -> memref<80x128xf32, #tpu.memory_space<vmem_shared>>
      %dma_wait3A_81 = arith.constant 0 : i32
      %dma_wait3A_82 = tpu.memref_slice %arg6[%add3A_22, %dma_wait3A_81] : memref<10240x128xf32, #tpu.memory_space<vmem_shared>> -> memref<80x128xf32, #tpu.memory_space<vmem_shared>>
      tpu.wait_dma2 semaphore(%run_scoped3A : memref<!tpu.dma_semaphore, #tpu.memory_space<semaphore_mem>>) src(%arg9 : memref<80x128xf32, #tpu.memory_space<vmem>>) dst(%dma_wait3A_82 : memref<80x128xf32, #tpu.memory_space<vmem_shared>>)
      tpu.yield
    }) : () -> ()
    %add3A_23 = arith.constant 560 : i32
    %add3A_24 = arith.addi %mul3A_2, %add3A_23 : i32
    "tpu.region"() ({
      %run_scoped3A = tpu.sem_alloc : memref<!tpu.dma_semaphore, #tpu.memory_space<semaphore_mem>>
      %dma_start3A_75 = arith.constant 0 : i32
      %dma_start3A_76 = tpu.memref_slice %arg6[%add3A_24, %dma_start3A_75] : memref<10240x128xf32, #tpu.memory_space<vmem_shared>> -> memref<80x128xf32, #tpu.memory_space<vmem_shared>>
      %dma_start3A_77 = arith.constant 0 : i32
      %dma_start3A_78 = tpu.memref_slice %arg6[%add3A_24, %dma_start3A_77] : memref<10240x128xf32, #tpu.memory_space<vmem_shared>> -> memref<80x128xf32, #tpu.memory_space<vmem_shared>>
      tpu.enqueue_dma source(%arg9 : memref<80x128xf32, #tpu.memory_space<vmem>>) target(%dma_start3A_78 : memref<80x128xf32, #tpu.memory_space<vmem_shared>>) target_semaphore(%run_scoped3A : memref<!tpu.dma_semaphore, #tpu.memory_space<semaphore_mem>>)
      %dma_wait3A_79 = arith.constant 0 : i32
      %dma_wait3A_80 = tpu.memref_slice %arg6[%add3A_24, %dma_wait3A_79] : memref<10240x128xf32, #tpu.memory_space<vmem_shared>> -> memref<80x128xf32, #tpu.memory_space<vmem_shared>>
      %dma_wait3A_81 = arith.constant 0 : i32
      %dma_wait3A_82 = tpu.memref_slice %arg6[%add3A_24, %dma_wait3A_81] : memref<10240x128xf32, #tpu.memory_space<vmem_shared>> -> memref<80x128xf32, #tpu.memory_space<vmem_shared>>
      tpu.wait_dma2 semaphore(%run_scoped3A : memref<!tpu.dma_semaphore, #tpu.memory_space<semaphore_mem>>) src(%arg9 : memref<80x128xf32, #tpu.memory_space<vmem>>) dst(%dma_wait3A_82 : memref<80x128xf32, #tpu.memory_space<vmem_shared>>)
      tpu.yield
    }) : () -> ()
    %barrier3A = arith.constant 0 : index
    tpu.barrier barrier_id(%barrier3A)
    %mul3A_25 = arith.constant 10000 : i32
    %mul3A_26 = arith.muli %add3A, %mul3A_25 : i32
    %scan3A_27 = arith.constant 0 : i32
    %scan3A_28 = arith.constant 0 : i32
    %scan3A_29 = arith.constant 62 : i32
    %scan3A_30 = arith.addi %scan3A_28, %scan3A_29 : i32
    %scan3A_31 = arith.constant 1 : i32
    scf.for %scan3A_75 = %scan3A_28 to %scan3A_30 step %scan3A_31  : i32 {
      %mul3A_76 = arith.constant 2 : i32
      %mul3A_77 = arith.muli %mul3A_76, %scan3A_75 : i32
      %mul3A_78 = arith.constant 80 : i32
      %mul3A_79 = arith.muli %mul3A_77, %mul3A_78 : i32
      %add3A_80 = arith.addi %mul3A_26, %mul3A_79 : i32
      %add3A_81 = arith.constant 80 : i32
      %add3A_82 = arith.addi %add3A_80, %add3A_81 : i32
      "tpu.region"() ({
        %run_scoped3A = tpu.sem_alloc : memref<!tpu.dma_semaphore, #tpu.memory_space<semaphore_mem>>
        %dma_start3A_95 = tpu.memref_slice %arg3[%add3A_80] : memref<320000xi32, #tpu.memory_space<hbm>> -> memref<80xi32, #tpu.memory_space<hbm>>
        %dma_start3A_96 = tpu.memref_slice %arg3[%add3A_80] : memref<320000xi32, #tpu.memory_space<hbm>> -> memref<80xi32, #tpu.memory_space<hbm>>
        tpu.enqueue_dma source(%dma_start3A_96 : memref<80xi32, #tpu.memory_space<hbm>>) target(%arg7 : memref<80xi32, #tpu.memory_space<vmem>>) target_semaphore(%run_scoped3A : memref<!tpu.dma_semaphore, #tpu.memory_space<semaphore_mem>>)
        %dma_wait3A_97 = tpu.memref_slice %arg3[%add3A_80] : memref<320000xi32, #tpu.memory_space<hbm>> -> memref<80xi32, #tpu.memory_space<hbm>>
        %dma_wait3A_98 = tpu.memref_slice %arg3[%add3A_80] : memref<320000xi32, #tpu.memory_space<hbm>> -> memref<80xi32, #tpu.memory_space<hbm>>
        tpu.wait_dma2 semaphore(%run_scoped3A : memref<!tpu.dma_semaphore, #tpu.memory_space<semaphore_mem>>) src(%dma_wait3A_98 : memref<80xi32, #tpu.memory_space<hbm>>) dst(%arg7 : memref<80xi32, #tpu.memory_space<vmem>>)
        tpu.yield
      }) : () -> ()
      "tpu.region"() ({
        %run_scoped3A = tpu.sem_alloc : memref<!tpu.dma_semaphore, #tpu.memory_space<semaphore_mem>>
        %dma_start3A_95 = tpu.memref_slice %arg4[%add3A_80] : memref<320000xi32, #tpu.memory_space<hbm>> -> memref<80xi32, #tpu.memory_space<hbm>>
        %dma_start3A_96 = tpu.memref_slice %arg4[%add3A_80] : memref<320000xi32, #tpu.memory_space<hbm>> -> memref<80xi32, #tpu.memory_space<hbm>>
        tpu.enqueue_dma source(%dma_start3A_96 : memref<80xi32, #tpu.memory_space<hbm>>) target(%arg8 : memref<80xi32, #tpu.memory_space<vmem>>) target_semaphore(%run_scoped3A : memref<!tpu.dma_semaphore, #tpu.memory_space<semaphore_mem>>)
        %dma_wait3A_97 = tpu.memref_slice %arg4[%add3A_80] : memref<320000xi32, #tpu.memory_space<hbm>> -> memref<80xi32, #tpu.memory_space<hbm>>
        %dma_wait3A_98 = tpu.memref_slice %arg4[%add3A_80] : memref<320000xi32, #tpu.memory_space<hbm>> -> memref<80xi32, #tpu.memory_space<hbm>>
        tpu.wait_dma2 semaphore(%run_scoped3A : memref<!tpu.dma_semaphore, #tpu.memory_space<semaphore_mem>>) src(%dma_wait3A_98 : memref<80xi32, #tpu.memory_space<hbm>>) dst(%arg8 : memref<80xi32, #tpu.memory_space<vmem>>)
        tpu.yield
      }) : () -> ()
      %dma_start3A_83 = arith.constant 0 : i32
      %dma_start3A_84 = arith.constant 0 : i32
      %dma_start3A_85 = tpu.memref_slice %arg2[%dma_start3A_83, %dma_start3A_84] : memref<10000x128xf32, #tpu.memory_space<hbm>> -> memref<10000x128xf32, #tpu.memory_space<hbm>>
      tpu.enqueue_indirect_dma source(%dma_start3A_85 : memref<10000x128xf32, #tpu.memory_space<hbm>>) target(%arg9 : memref<80x128xf32, #tpu.memory_space<vmem>>) offsets(%arg7 : memref<80xi32, #tpu.memory_space<vmem>>) semaphore(%arg10 : memref<!tpu.dma_semaphore, #tpu.memory_space<semaphore_mem>>)
      "tpu.region"() ({
        %run_scoped3A = tpu.sem_alloc : memref<!tpu.dma_semaphore, #tpu.memory_space<semaphore_mem>>
        %dma_start3A_95 = tpu.memref_slice %arg3[%add3A_82] : memref<320000xi32, #tpu.memory_space<hbm>> -> memref<80xi32, #tpu.memory_space<hbm>>
        %dma_start3A_96 = tpu.memref_slice %arg3[%add3A_82] : memref<320000xi32, #tpu.memory_space<hbm>> -> memref<80xi32, #tpu.memory_space<hbm>>
        tpu.enqueue_dma source(%dma_start3A_96 : memref<80xi32, #tpu.memory_space<hbm>>) target(%arg11 : memref<80xi32, #tpu.memory_space<vmem>>) target_semaphore(%run_scoped3A : memref<!tpu.dma_semaphore, #tpu.memory_space<semaphore_mem>>)
        %dma_wait3A_97 = tpu.memref_slice %arg3[%add3A_82] : memref<320000xi32, #tpu.memory_space<hbm>> -> memref<80xi32, #tpu.memory_space<hbm>>
        %dma_wait3A_98 = tpu.memref_slice %arg3[%add3A_82] : memref<320000xi32, #tpu.memory_space<hbm>> -> memref<80xi32, #tpu.memory_space<hbm>>
        tpu.wait_dma2 semaphore(%run_scoped3A : memref<!tpu.dma_semaphore, #tpu.memory_space<semaphore_mem>>) src(%dma_wait3A_98 : memref<80xi32, #tpu.memory_space<hbm>>) dst(%arg11 : memref<80xi32, #tpu.memory_space<vmem>>)
        tpu.yield
      }) : () -> ()
      "tpu.region"() ({
        %run_scoped3A = tpu.sem_alloc : memref<!tpu.dma_semaphore, #tpu.memory_space<semaphore_mem>>
        %dma_start3A_95 = tpu.memref_slice %arg4[%add3A_82] : memref<320000xi32, #tpu.memory_space<hbm>> -> memref<80xi32, #tpu.memory_space<hbm>>
        %dma_start3A_96 = tpu.memref_slice %arg4[%add3A_82] : memref<320000xi32, #tpu.memory_space<hbm>> -> memref<80xi32, #tpu.memory_space<hbm>>
        tpu.enqueue_dma source(%dma_start3A_96 : memref<80xi32, #tpu.memory_space<hbm>>) target(%arg12 : memref<80xi32, #tpu.memory_space<vmem>>) target_semaphore(%run_scoped3A : memref<!tpu.dma_semaphore, #tpu.memory_space<semaphore_mem>>)
        %dma_wait3A_97 = tpu.memref_slice %arg4[%add3A_82] : memref<320000xi32, #tpu.memory_space<hbm>> -> memref<80xi32, #tpu.memory_space<hbm>>
        %dma_wait3A_98 = tpu.memref_slice %arg4[%add3A_82] : memref<320000xi32, #tpu.memory_space<hbm>> -> memref<80xi32, #tpu.memory_space<hbm>>
        tpu.wait_dma2 semaphore(%run_scoped3A : memref<!tpu.dma_semaphore, #tpu.memory_space<semaphore_mem>>) src(%dma_wait3A_98 : memref<80xi32, #tpu.memory_space<hbm>>) dst(%arg12 : memref<80xi32, #tpu.memory_space<vmem>>)
        tpu.yield
      }) : () -> ()
      %dma_wait3A_86 = arith.constant 0 : i32
      %dma_wait3A_87 = arith.constant 0 : i32
      %dma_wait3A_88 = tpu.memref_slice %arg2[%dma_wait3A_86, %dma_wait3A_87] : memref<10000x128xf32, #tpu.memory_space<hbm>> -> memref<10000x128xf32, #tpu.memory_space<hbm>>
      tpu.wait_indirect_dma semaphore(%arg10 : memref<!tpu.dma_semaphore, #tpu.memory_space<semaphore_mem>>) src(%dma_wait3A_88 : memref<10000x128xf32, #tpu.memory_space<hbm>>) dst(%arg9 : memref<80x128xf32, #tpu.memory_space<vmem>>)
      %dma_start3A_89 = arith.constant 0 : i32
      %dma_start3A_90 = arith.constant 0 : i32
      %dma_start3A_91 = tpu.memref_slice %arg2[%dma_start3A_89, %dma_start3A_90] : memref<10000x128xf32, #tpu.memory_space<hbm>> -> memref<10000x128xf32, #tpu.memory_space<hbm>>
      tpu.enqueue_indirect_dma source(%dma_start3A_91 : memref<10000x128xf32, #tpu.memory_space<hbm>>) target(%arg13 : memref<80x128xf32, #tpu.memory_space<vmem>>) offsets(%arg11 : memref<80xi32, #tpu.memory_space<vmem>>) semaphore(%arg10 : memref<!tpu.dma_semaphore, #tpu.memory_space<semaphore_mem>>)
      "tpu.region"() ({
        %run_scoped3A = tpu.sem_alloc : memref<!tpu.dma_semaphore, #tpu.memory_space<semaphore_mem>>
        %dma_start3A_95 = arith.constant 0 : i32
        %dma_start3A_96 = arith.constant 0 : i32
        %dma_start3A_97 = tpu.memref_slice %arg6[%dma_start3A_95, %dma_start3A_96] : memref<10240x128xf32, #tpu.memory_space<vmem_shared>> -> memref<10240x128xf32, #tpu.memory_space<vmem_shared>>
        tpu.enqueue_indirect_dma source(%arg9 : memref<80x128xf32, #tpu.memory_space<vmem>>) target(%dma_start3A_97 : memref<10240x128xf32, #tpu.memory_space<vmem_shared>>) offsets(%arg8 : memref<80xi32, #tpu.memory_space<vmem>>) semaphore(%run_scoped3A : memref<!tpu.dma_semaphore, #tpu.memory_space<semaphore_mem>>) {add = true}
        %dma_wait3A_98 = arith.constant 0 : i32
        %dma_wait3A_99 = arith.constant 0 : i32
        %dma_wait3A_100 = tpu.memref_slice %arg6[%dma_wait3A_98, %dma_wait3A_99] : memref<10240x128xf32, #tpu.memory_space<vmem_shared>> -> memref<10240x128xf32, #tpu.memory_space<vmem_shared>>
        tpu.wait_indirect_dma semaphore(%run_scoped3A : memref<!tpu.dma_semaphore, #tpu.memory_space<semaphore_mem>>) src(%arg9 : memref<80x128xf32, #tpu.memory_space<vmem>>) dst(%dma_wait3A_100 : memref<10240x128xf32, #tpu.memory_space<vmem_shared>>)
        tpu.yield
      }) : () -> ()
      %dma_wait3A_92 = arith.constant 0 : i32
      %dma_wait3A_93 = arith.constant 0 : i32
      %dma_wait3A_94 = tpu.memref_slice %arg2[%dma_wait3A_92, %dma_wait3A_93] : memref<10000x128xf32, #tpu.memory_space<hbm>> -> memref<10000x128xf32, #tpu.memory_space<hbm>>
      tpu.wait_indirect_dma semaphore(%arg10 : memref<!tpu.dma_semaphore, #tpu.memory_space<semaphore_mem>>) src(%dma_wait3A_94 : memref<10000x128xf32, #tpu.memory_space<hbm>>) dst(%arg13 : memref<80x128xf32, #tpu.memory_space<vmem>>)
      "tpu.region"() ({
        %run_scoped3A = tpu.sem_alloc : memref<!tpu.dma_semaphore, #tpu.memory_space<semaphore_mem>>
        %dma_start3A_95 = arith.constant 0 : i32
        %dma_start3A_96 = arith.constant 0 : i32
        %dma_start3A_97 = tpu.memref_slice %arg6[%dma_start3A_95, %dma_start3A_96] : memref<10240x128xf32, #tpu.memory_space<vmem_shared>> -> memref<10240x128xf32, #tpu.memory_space<vmem_shared>>
        tpu.enqueue_indirect_dma source(%arg13 : memref<80x128xf32, #tpu.memory_space<vmem>>) target(%dma_start3A_97 : memref<10240x128xf32, #tpu.memory_space<vmem_shared>>) offsets(%arg12 : memref<80xi32, #tpu.memory_space<vmem>>) semaphore(%run_scoped3A : memref<!tpu.dma_semaphore, #tpu.memory_space<semaphore_mem>>) {add = true}
        %dma_wait3A_98 = arith.constant 0 : i32
        %dma_wait3A_99 = arith.constant 0 : i32
        %dma_wait3A_100 = tpu.memref_slice %arg6[%dma_wait3A_98, %dma_wait3A_99] : memref<10240x128xf32, #tpu.memory_space<vmem_shared>> -> memref<10240x128xf32, #tpu.memory_space<vmem_shared>>
        tpu.wait_indirect_dma semaphore(%run_scoped3A : memref<!tpu.dma_semaphore, #tpu.memory_space<semaphore_mem>>) src(%arg13 : memref<80x128xf32, #tpu.memory_space<vmem>>) dst(%dma_wait3A_100 : memref<10240x128xf32, #tpu.memory_space<vmem_shared>>)
        tpu.yield
      }) : () -> ()
    }
    %scan3A_32 = arith.constant 62 : i32
    %add3A_33 = arith.constant 9920 : i32
    %add3A_34 = arith.addi %mul3A_26, %add3A_33 : i32
    "tpu.region"() ({
      %run_scoped3A = tpu.sem_alloc : memref<!tpu.dma_semaphore, #tpu.memory_space<semaphore_mem>>
      %dma_start3A_75 = tpu.memref_slice %arg3[%add3A_34] : memref<320000xi32, #tpu.memory_space<hbm>> -> memref<80xi32, #tpu.memory_space<hbm>>
      %dma_start3A_76 = tpu.memref_slice %arg3[%add3A_34] : memref<320000xi32, #tpu.memory_space<hbm>> -> memref<80xi32, #tpu.memory_space<hbm>>
      tpu.enqueue_dma source(%dma_start3A_76 : memref<80xi32, #tpu.memory_space<hbm>>) target(%arg7 : memref<80xi32, #tpu.memory_space<vmem>>) target_semaphore(%run_scoped3A : memref<!tpu.dma_semaphore, #tpu.memory_space<semaphore_mem>>)
      %dma_wait3A_77 = tpu.memref_slice %arg3[%add3A_34] : memref<320000xi32, #tpu.memory_space<hbm>> -> memref<80xi32, #tpu.memory_space<hbm>>
      %dma_wait3A_78 = tpu.memref_slice %arg3[%add3A_34] : memref<320000xi32, #tpu.memory_space<hbm>> -> memref<80xi32, #tpu.memory_space<hbm>>
      tpu.wait_dma2 semaphore(%run_scoped3A : memref<!tpu.dma_semaphore, #tpu.memory_space<semaphore_mem>>) src(%dma_wait3A_78 : memref<80xi32, #tpu.memory_space<hbm>>) dst(%arg7 : memref<80xi32, #tpu.memory_space<vmem>>)
      tpu.yield
    }) : () -> ()
    "tpu.region"() ({
      %run_scoped3A = tpu.sem_alloc : memref<!tpu.dma_semaphore, #tpu.memory_space<semaphore_mem>>
      %dma_start3A_75 = tpu.memref_slice %arg4[%add3A_34] : memref<320000xi32, #tpu.memory_space<hbm>> -> memref<80xi32, #tpu.memory_space<hbm>>
      %dma_start3A_76 = tpu.memref_slice %arg4[%add3A_34] : memref<320000xi32, #tpu.memory_space<hbm>> -> memref<80xi32, #tpu.memory_space<hbm>>
      tpu.enqueue_dma source(%dma_start3A_76 : memref<80xi32, #tpu.memory_space<hbm>>) target(%arg8 : memref<80xi32, #tpu.memory_space<vmem>>) target_semaphore(%run_scoped3A : memref<!tpu.dma_semaphore, #tpu.memory_space<semaphore_mem>>)
      %dma_wait3A_77 = tpu.memref_slice %arg4[%add3A_34] : memref<320000xi32, #tpu.memory_space<hbm>> -> memref<80xi32, #tpu.memory_space<hbm>>
      %dma_wait3A_78 = tpu.memref_slice %arg4[%add3A_34] : memref<320000xi32, #tpu.memory_space<hbm>> -> memref<80xi32, #tpu.memory_space<hbm>>
      tpu.wait_dma2 semaphore(%run_scoped3A : memref<!tpu.dma_semaphore, #tpu.memory_space<semaphore_mem>>) src(%dma_wait3A_78 : memref<80xi32, #tpu.memory_space<hbm>>) dst(%arg8 : memref<80xi32, #tpu.memory_space<vmem>>)
      tpu.yield
    }) : () -> ()
    %dma_start3A = arith.constant 0 : i32
    %dma_start3A_35 = arith.constant 0 : i32
    %dma_start3A_36 = tpu.memref_slice %arg2[%dma_start3A, %dma_start3A_35] : memref<10000x128xf32, #tpu.memory_space<hbm>> -> memref<10000x128xf32, #tpu.memory_space<hbm>>
    tpu.enqueue_indirect_dma source(%dma_start3A_36 : memref<10000x128xf32, #tpu.memory_space<hbm>>) target(%arg9 : memref<80x128xf32, #tpu.memory_space<vmem>>) offsets(%arg7 : memref<80xi32, #tpu.memory_space<vmem>>) semaphore(%arg10 : memref<!tpu.dma_semaphore, #tpu.memory_space<semaphore_mem>>)
    %dma_wait3A = arith.constant 0 : i32
    %dma_wait3A_37 = arith.constant 0 : i32
    %dma_wait3A_38 = tpu.memref_slice %arg2[%dma_wait3A, %dma_wait3A_37] : memref<10000x128xf32, #tpu.memory_space<hbm>> -> memref<10000x128xf32, #tpu.memory_space<hbm>>
    tpu.wait_indirect_dma semaphore(%arg10 : memref<!tpu.dma_semaphore, #tpu.memory_space<semaphore_mem>>) src(%dma_wait3A_38 : memref<10000x128xf32, #tpu.memory_space<hbm>>) dst(%arg9 : memref<80x128xf32, #tpu.memory_space<vmem>>)
    "tpu.region"() ({
      %run_scoped3A = tpu.sem_alloc : memref<!tpu.dma_semaphore, #tpu.memory_space<semaphore_mem>>
      %dma_start3A_75 = arith.constant 0 : i32
      %dma_start3A_76 = arith.constant 0 : i32
      %dma_start3A_77 = tpu.memref_slice %arg6[%dma_start3A_75, %dma_start3A_76] : memref<10240x128xf32, #tpu.memory_space<vmem_shared>> -> memref<10240x128xf32, #tpu.memory_space<vmem_shared>>
      tpu.enqueue_indirect_dma source(%arg9 : memref<80x128xf32, #tpu.memory_space<vmem>>) target(%dma_start3A_77 : memref<10240x128xf32, #tpu.memory_space<vmem_shared>>) offsets(%arg8 : memref<80xi32, #tpu.memory_space<vmem>>) semaphore(%run_scoped3A : memref<!tpu.dma_semaphore, #tpu.memory_space<semaphore_mem>>) {add = true}
      %dma_wait3A_78 = arith.constant 0 : i32
      %dma_wait3A_79 = arith.constant 0 : i32
      %dma_wait3A_80 = tpu.memref_slice %arg6[%dma_wait3A_78, %dma_wait3A_79] : memref<10240x128xf32, #tpu.memory_space<vmem_shared>> -> memref<10240x128xf32, #tpu.memory_space<vmem_shared>>
      tpu.wait_indirect_dma semaphore(%run_scoped3A : memref<!tpu.dma_semaphore, #tpu.memory_space<semaphore_mem>>) src(%arg9 : memref<80x128xf32, #tpu.memory_space<vmem>>) dst(%dma_wait3A_80 : memref<10240x128xf32, #tpu.memory_space<vmem_shared>>)
      tpu.yield
    }) : () -> ()
    %barrier3A_39 = arith.constant 0 : index
    tpu.barrier barrier_id(%barrier3A_39)
    %mul3A_40 = arith.constant 10240 : i32
    %mul3A_41 = arith.muli %arg0, %mul3A_40 : i32
    %add3A_42 = arith.addi %mul3A_41, %mul3A_2 : i32
    %add3A_43 = arith.constant 0 : i32
    %add3A_44 = arith.addi %mul3A_2, %add3A_43 : i32
    "tpu.region"() ({
      %run_scoped3A = tpu.sem_alloc : memref<!tpu.dma_semaphore, #tpu.memory_space<semaphore_mem>>
      %dma_start3A_75 = arith.constant 0 : i32
      %dma_start3A_76 = tpu.memref_slice %arg6[%add3A_44, %dma_start3A_75] : memref<10240x128xf32, #tpu.memory_space<vmem_shared>> -> memref<80x128xf32, #tpu.memory_space<vmem_shared>>
      %dma_start3A_77 = arith.constant 0 : i32
      %dma_start3A_78 = tpu.memref_slice %arg6[%add3A_44, %dma_start3A_77] : memref<10240x128xf32, #tpu.memory_space<vmem_shared>> -> memref<80x128xf32, #tpu.memory_space<vmem_shared>>
      tpu.enqueue_dma source(%dma_start3A_78 : memref<80x128xf32, #tpu.memory_space<vmem_shared>>) target(%arg9 : memref<80x128xf32, #tpu.memory_space<vmem>>) target_semaphore(%run_scoped3A : memref<!tpu.dma_semaphore, #tpu.memory_space<semaphore_mem>>)
      %dma_wait3A_79 = arith.constant 0 : i32
      %dma_wait3A_80 = tpu.memref_slice %arg6[%add3A_44, %dma_wait3A_79] : memref<10240x128xf32, #tpu.memory_space<vmem_shared>> -> memref<80x128xf32, #tpu.memory_space<vmem_shared>>
      %dma_wait3A_81 = arith.constant 0 : i32
      %dma_wait3A_82 = tpu.memref_slice %arg6[%add3A_44, %dma_wait3A_81] : memref<10240x128xf32, #tpu.memory_space<vmem_shared>> -> memref<80x128xf32, #tpu.memory_space<vmem_shared>>
      tpu.wait_dma2 semaphore(%run_scoped3A : memref<!tpu.dma_semaphore, #tpu.memory_space<semaphore_mem>>) src(%dma_wait3A_82 : memref<80x128xf32, #tpu.memory_space<vmem_shared>>) dst(%arg9 : memref<80x128xf32, #tpu.memory_space<vmem>>)
      tpu.yield
    }) : () -> ()
    %add3A_45 = arith.constant 0 : i32
    %add3A_46 = arith.addi %add3A_42, %add3A_45 : i32
    "tpu.region"() ({
      %run_scoped3A = tpu.sem_alloc : memref<!tpu.dma_semaphore, #tpu.memory_space<semaphore_mem>>
      %dma_start3A_75 = arith.constant 0 : i32
      %dma_start3A_76 = tpu.memref_slice %arg5[%add3A_46, %dma_start3A_75] : memref<20480x128xf32, #tpu.memory_space<hbm>> -> memref<80x128xf32, #tpu.memory_space<hbm>>
      %dma_start3A_77 = arith.constant 0 : i32
      %dma_start3A_78 = tpu.memref_slice %arg5[%add3A_46, %dma_start3A_77] : memref<20480x128xf32, #tpu.memory_space<hbm>> -> memref<80x128xf32, #tpu.memory_space<hbm>>
      tpu.enqueue_dma source(%arg9 : memref<80x128xf32, #tpu.memory_space<vmem>>) target(%dma_start3A_78 : memref<80x128xf32, #tpu.memory_space<hbm>>) target_semaphore(%run_scoped3A : memref<!tpu.dma_semaphore, #tpu.memory_space<semaphore_mem>>)
      %dma_wait3A_79 = arith.constant 0 : i32
      %dma_wait3A_80 = tpu.memref_slice %arg5[%add3A_46, %dma_wait3A_79] : memref<20480x128xf32, #tpu.memory_space<hbm>> -> memref<80x128xf32, #tpu.memory_space<hbm>>
      %dma_wait3A_81 = arith.constant 0 : i32
      %dma_wait3A_82 = tpu.memref_slice %arg5[%add3A_46, %dma_wait3A_81] : memref<20480x128xf32, #tpu.memory_space<hbm>> -> memref<80x128xf32, #tpu.memory_space<hbm>>
      tpu.wait_dma2 semaphore(%run_scoped3A : memref<!tpu.dma_semaphore, #tpu.memory_space<semaphore_mem>>) src(%arg9 : memref<80x128xf32, #tpu.memory_space<vmem>>) dst(%dma_wait3A_82 : memref<80x128xf32, #tpu.memory_space<hbm>>)
      tpu.yield
    }) : () -> ()
    %add3A_47 = arith.constant 80 : i32
    %add3A_48 = arith.addi %mul3A_2, %add3A_47 : i32
    "tpu.region"() ({
      %run_scoped3A = tpu.sem_alloc : memref<!tpu.dma_semaphore, #tpu.memory_space<semaphore_mem>>
      %dma_start3A_75 = arith.constant 0 : i32
      %dma_start3A_76 = tpu.memref_slice %arg6[%add3A_48, %dma_start3A_75] : memref<10240x128xf32, #tpu.memory_space<vmem_shared>> -> memref<80x128xf32, #tpu.memory_space<vmem_shared>>
      %dma_start3A_77 = arith.constant 0 : i32
      %dma_start3A_78 = tpu.memref_slice %arg6[%add3A_48, %dma_start3A_77] : memref<10240x128xf32, #tpu.memory_space<vmem_shared>> -> memref<80x128xf32, #tpu.memory_space<vmem_shared>>
      tpu.enqueue_dma source(%dma_start3A_78 : memref<80x128xf32, #tpu.memory_space<vmem_shared>>) target(%arg9 : memref<80x128xf32, #tpu.memory_space<vmem>>) target_semaphore(%run_scoped3A : memref<!tpu.dma_semaphore, #tpu.memory_space<semaphore_mem>>)
      %dma_wait3A_79 = arith.constant 0 : i32
      %dma_wait3A_80 = tpu.memref_slice %arg6[%add3A_48, %dma_wait3A_79] : memref<10240x128xf32, #tpu.memory_space<vmem_shared>> -> memref<80x128xf32, #tpu.memory_space<vmem_shared>>
      %dma_wait3A_81 = arith.constant 0 : i32
      %dma_wait3A_82 = tpu.memref_slice %arg6[%add3A_48, %dma_wait3A_81] : memref<10240x128xf32, #tpu.memory_space<vmem_shared>> -> memref<80x128xf32, #tpu.memory_space<vmem_shared>>
      tpu.wait_dma2 semaphore(%run_scoped3A : memref<!tpu.dma_semaphore, #tpu.memory_space<semaphore_mem>>) src(%dma_wait3A_82 : memref<80x128xf32, #tpu.memory_space<vmem_shared>>) dst(%arg9 : memref<80x128xf32, #tpu.memory_space<vmem>>)
      tpu.yield
    }) : () -> ()
    %add3A_49 = arith.constant 80 : i32
    %add3A_50 = arith.addi %add3A_42, %add3A_49 : i32
    "tpu.region"() ({
      %run_scoped3A = tpu.sem_alloc : memref<!tpu.dma_semaphore, #tpu.memory_space<semaphore_mem>>
      %dma_start3A_75 = arith.constant 0 : i32
      %dma_start3A_76 = tpu.memref_slice %arg5[%add3A_50, %dma_start3A_75] : memref<20480x128xf32, #tpu.memory_space<hbm>> -> memref<80x128xf32, #tpu.memory_space<hbm>>
      %dma_start3A_77 = arith.constant 0 : i32
      %dma_start3A_78 = tpu.memref_slice %arg5[%add3A_50, %dma_start3A_77] : memref<20480x128xf32, #tpu.memory_space<hbm>> -> memref<80x128xf32, #tpu.memory_space<hbm>>
      tpu.enqueue_dma source(%arg9 : memref<80x128xf32, #tpu.memory_space<vmem>>) target(%dma_start3A_78 : memref<80x128xf32, #tpu.memory_space<hbm>>) target_semaphore(%run_scoped3A : memref<!tpu.dma_semaphore, #tpu.memory_space<semaphore_mem>>)
      %dma_wait3A_79 = arith.constant 0 : i32
      %dma_wait3A_80 = tpu.memref_slice %arg5[%add3A_50, %dma_wait3A_79] : memref<20480x128xf32, #tpu.memory_space<hbm>> -> memref<80x128xf32, #tpu.memory_space<hbm>>
      %dma_wait3A_81 = arith.constant 0 : i32
      %dma_wait3A_82 = tpu.memref_slice %arg5[%add3A_50, %dma_wait3A_81] : memref<20480x128xf32, #tpu.memory_space<hbm>> -> memref<80x128xf32, #tpu.memory_space<hbm>>
      tpu.wait_dma2 semaphore(%run_scoped3A : memref<!tpu.dma_semaphore, #tpu.memory_space<semaphore_mem>>) src(%arg9 : memref<80x128xf32, #tpu.memory_space<vmem>>) dst(%dma_wait3A_82 : memref<80x128xf32, #tpu.memory_space<hbm>>)
      tpu.yield
    }) : () -> ()
    %add3A_51 = arith.constant 160 : i32
    %add3A_52 = arith.addi %mul3A_2, %add3A_51 : i32
    "tpu.region"() ({
      %run_scoped3A = tpu.sem_alloc : memref<!tpu.dma_semaphore, #tpu.memory_space<semaphore_mem>>
      %dma_start3A_75 = arith.constant 0 : i32
      %dma_start3A_76 = tpu.memref_slice %arg6[%add3A_52, %dma_start3A_75] : memref<10240x128xf32, #tpu.memory_space<vmem_shared>> -> memref<80x128xf32, #tpu.memory_space<vmem_shared>>
      %dma_start3A_77 = arith.constant 0 : i32
      %dma_start3A_78 = tpu.memref_slice %arg6[%add3A_52, %dma_start3A_77] : memref<10240x128xf32, #tpu.memory_space<vmem_shared>> -> memref<80x128xf32, #tpu.memory_space<vmem_shared>>
      tpu.enqueue_dma source(%dma_start3A_78 : memref<80x128xf32, #tpu.memory_space<vmem_shared>>) target(%arg9 : memref<80x128xf32, #tpu.memory_space<vmem>>) target_semaphore(%run_scoped3A : memref<!tpu.dma_semaphore, #tpu.memory_space<semaphore_mem>>)
      %dma_wait3A_79 = arith.constant 0 : i32
      %dma_wait3A_80 = tpu.memref_slice %arg6[%add3A_52, %dma_wait3A_79] : memref<10240x128xf32, #tpu.memory_space<vmem_shared>> -> memref<80x128xf32, #tpu.memory_space<vmem_shared>>
      %dma_wait3A_81 = arith.constant 0 : i32
      %dma_wait3A_82 = tpu.memref_slice %arg6[%add3A_52, %dma_wait3A_81] : memref<10240x128xf32, #tpu.memory_space<vmem_shared>> -> memref<80x128xf32, #tpu.memory_space<vmem_shared>>
      tpu.wait_dma2 semaphore(%run_scoped3A : memref<!tpu.dma_semaphore, #tpu.memory_space<semaphore_mem>>) src(%dma_wait3A_82 : memref<80x128xf32, #tpu.memory_space<vmem_shared>>) dst(%arg9 : memref<80x128xf32, #tpu.memory_space<vmem>>)
      tpu.yield
    }) : () -> ()
    %add3A_53 = arith.constant 160 : i32
    %add3A_54 = arith.addi %add3A_42, %add3A_53 : i32
    "tpu.region"() ({
      %run_scoped3A = tpu.sem_alloc : memref<!tpu.dma_semaphore, #tpu.memory_space<semaphore_mem>>
      %dma_start3A_75 = arith.constant 0 : i32
      %dma_start3A_76 = tpu.memref_slice %arg5[%add3A_54, %dma_start3A_75] : memref<20480x128xf32, #tpu.memory_space<hbm>> -> memref<80x128xf32, #tpu.memory_space<hbm>>
      %dma_start3A_77 = arith.constant 0 : i32
      %dma_start3A_78 = tpu.memref_slice %arg5[%add3A_54, %dma_start3A_77] : memref<20480x128xf32, #tpu.memory_space<hbm>> -> memref<80x128xf32, #tpu.memory_space<hbm>>
      tpu.enqueue_dma source(%arg9 : memref<80x128xf32, #tpu.memory_space<vmem>>) target(%dma_start3A_78 : memref<80x128xf32, #tpu.memory_space<hbm>>) target_semaphore(%run_scoped3A : memref<!tpu.dma_semaphore, #tpu.memory_space<semaphore_mem>>)
      %dma_wait3A_79 = arith.constant 0 : i32
      %dma_wait3A_80 = tpu.memref_slice %arg5[%add3A_54, %dma_wait3A_79] : memref<20480x128xf32, #tpu.memory_space<hbm>> -> memref<80x128xf32, #tpu.memory_space<hbm>>
      %dma_wait3A_81 = arith.constant 0 : i32
      %dma_wait3A_82 = tpu.memref_slice %arg5[%add3A_54, %dma_wait3A_81] : memref<20480x128xf32, #tpu.memory_space<hbm>> -> memref<80x128xf32, #tpu.memory_space<hbm>>
      tpu.wait_dma2 semaphore(%run_scoped3A : memref<!tpu.dma_semaphore, #tpu.memory_space<semaphore_mem>>) src(%arg9 : memref<80x128xf32, #tpu.memory_space<vmem>>) dst(%dma_wait3A_82 : memref<80x128xf32, #tpu.memory_space<hbm>>)
      tpu.yield
    }) : () -> ()
    %add3A_55 = arith.constant 240 : i32
    %add3A_56 = arith.addi %mul3A_2, %add3A_55 : i32
    "tpu.region"() ({
      %run_scoped3A = tpu.sem_alloc : memref<!tpu.dma_semaphore, #tpu.memory_space<semaphore_mem>>
      %dma_start3A_75 = arith.constant 0 : i32
      %dma_start3A_76 = tpu.memref_slice %arg6[%add3A_56, %dma_start3A_75] : memref<10240x128xf32, #tpu.memory_space<vmem_shared>> -> memref<80x128xf32, #tpu.memory_space<vmem_shared>>
      %dma_start3A_77 = arith.constant 0 : i32
      %dma_start3A_78 = tpu.memref_slice %arg6[%add3A_56, %dma_start3A_77] : memref<10240x128xf32, #tpu.memory_space<vmem_shared>> -> memref<80x128xf32, #tpu.memory_space<vmem_shared>>
      tpu.enqueue_dma source(%dma_start3A_78 : memref<80x128xf32, #tpu.memory_space<vmem_shared>>) target(%arg9 : memref<80x128xf32, #tpu.memory_space<vmem>>) target_semaphore(%run_scoped3A : memref<!tpu.dma_semaphore, #tpu.memory_space<semaphore_mem>>)
      %dma_wait3A_79 = arith.constant 0 : i32
      %dma_wait3A_80 = tpu.memref_slice %arg6[%add3A_56, %dma_wait3A_79] : memref<10240x128xf32, #tpu.memory_space<vmem_shared>> -> memref<80x128xf32, #tpu.memory_space<vmem_shared>>
      %dma_wait3A_81 = arith.constant 0 : i32
      %dma_wait3A_82 = tpu.memref_slice %arg6[%add3A_56, %dma_wait3A_81] : memref<10240x128xf32, #tpu.memory_space<vmem_shared>> -> memref<80x128xf32, #tpu.memory_space<vmem_shared>>
      tpu.wait_dma2 semaphore(%run_scoped3A : memref<!tpu.dma_semaphore, #tpu.memory_space<semaphore_mem>>) src(%dma_wait3A_82 : memref<80x128xf32, #tpu.memory_space<vmem_shared>>) dst(%arg9 : memref<80x128xf32, #tpu.memory_space<vmem>>)
      tpu.yield
    }) : () -> ()
    %add3A_57 = arith.constant 240 : i32
    %add3A_58 = arith.addi %add3A_42, %add3A_57 : i32
    "tpu.region"() ({
      %run_scoped3A = tpu.sem_alloc : memref<!tpu.dma_semaphore, #tpu.memory_space<semaphore_mem>>
      %dma_start3A_75 = arith.constant 0 : i32
      %dma_start3A_76 = tpu.memref_slice %arg5[%add3A_58, %dma_start3A_75] : memref<20480x128xf32, #tpu.memory_space<hbm>> -> memref<80x128xf32, #tpu.memory_space<hbm>>
      %dma_start3A_77 = arith.constant 0 : i32
      %dma_start3A_78 = tpu.memref_slice %arg5[%add3A_58, %dma_start3A_77] : memref<20480x128xf32, #tpu.memory_space<hbm>> -> memref<80x128xf32, #tpu.memory_space<hbm>>
      tpu.enqueue_dma source(%arg9 : memref<80x128xf32, #tpu.memory_space<vmem>>) target(%dma_start3A_78 : memref<80x128xf32, #tpu.memory_space<hbm>>) target_semaphore(%run_scoped3A : memref<!tpu.dma_semaphore, #tpu.memory_space<semaphore_mem>>)
      %dma_wait3A_79 = arith.constant 0 : i32
      %dma_wait3A_80 = tpu.memref_slice %arg5[%add3A_58, %dma_wait3A_79] : memref<20480x128xf32, #tpu.memory_space<hbm>> -> memref<80x128xf32, #tpu.memory_space<hbm>>
      %dma_wait3A_81 = arith.constant 0 : i32
      %dma_wait3A_82 = tpu.memref_slice %arg5[%add3A_58, %dma_wait3A_81] : memref<20480x128xf32, #tpu.memory_space<hbm>> -> memref<80x128xf32, #tpu.memory_space<hbm>>
      tpu.wait_dma2 semaphore(%run_scoped3A : memref<!tpu.dma_semaphore, #tpu.memory_space<semaphore_mem>>) src(%arg9 : memref<80x128xf32, #tpu.memory_space<vmem>>) dst(%dma_wait3A_82 : memref<80x128xf32, #tpu.memory_space<hbm>>)
      tpu.yield
    }) : () -> ()
    %add3A_59 = arith.constant 320 : i32
    %add3A_60 = arith.addi %mul3A_2, %add3A_59 : i32
    "tpu.region"() ({
      %run_scoped3A = tpu.sem_alloc : memref<!tpu.dma_semaphore, #tpu.memory_space<semaphore_mem>>
      %dma_start3A_75 = arith.constant 0 : i32
      %dma_start3A_76 = tpu.memref_slice %arg6[%add3A_60, %dma_start3A_75] : memref<10240x128xf32, #tpu.memory_space<vmem_shared>> -> memref<80x128xf32, #tpu.memory_space<vmem_shared>>
      %dma_start3A_77 = arith.constant 0 : i32
      %dma_start3A_78 = tpu.memref_slice %arg6[%add3A_60, %dma_start3A_77] : memref<10240x128xf32, #tpu.memory_space<vmem_shared>> -> memref<80x128xf32, #tpu.memory_space<vmem_shared>>
      tpu.enqueue_dma source(%dma_start3A_78 : memref<80x128xf32, #tpu.memory_space<vmem_shared>>) target(%arg9 : memref<80x128xf32, #tpu.memory_space<vmem>>) target_semaphore(%run_scoped3A : memref<!tpu.dma_semaphore, #tpu.memory_space<semaphore_mem>>)
      %dma_wait3A_79 = arith.constant 0 : i32
      %dma_wait3A_80 = tpu.memref_slice %arg6[%add3A_60, %dma_wait3A_79] : memref<10240x128xf32, #tpu.memory_space<vmem_shared>> -> memref<80x128xf32, #tpu.memory_space<vmem_shared>>
      %dma_wait3A_81 = arith.constant 0 : i32
      %dma_wait3A_82 = tpu.memref_slice %arg6[%add3A_60, %dma_wait3A_81] : memref<10240x128xf32, #tpu.memory_space<vmem_shared>> -> memref<80x128xf32, #tpu.memory_space<vmem_shared>>
      tpu.wait_dma2 semaphore(%run_scoped3A : memref<!tpu.dma_semaphore, #tpu.memory_space<semaphore_mem>>) src(%dma_wait3A_82 : memref<80x128xf32, #tpu.memory_space<vmem_shared>>) dst(%arg9 : memref<80x128xf32, #tpu.memory_space<vmem>>)
      tpu.yield
    }) : () -> ()
    %add3A_61 = arith.constant 320 : i32
    %add3A_62 = arith.addi %add3A_42, %add3A_61 : i32
    "tpu.region"() ({
      %run_scoped3A = tpu.sem_alloc : memref<!tpu.dma_semaphore, #tpu.memory_space<semaphore_mem>>
      %dma_start3A_75 = arith.constant 0 : i32
      %dma_start3A_76 = tpu.memref_slice %arg5[%add3A_62, %dma_start3A_75] : memref<20480x128xf32, #tpu.memory_space<hbm>> -> memref<80x128xf32, #tpu.memory_space<hbm>>
      %dma_start3A_77 = arith.constant 0 : i32
      %dma_start3A_78 = tpu.memref_slice %arg5[%add3A_62, %dma_start3A_77] : memref<20480x128xf32, #tpu.memory_space<hbm>> -> memref<80x128xf32, #tpu.memory_space<hbm>>
      tpu.enqueue_dma source(%arg9 : memref<80x128xf32, #tpu.memory_space<vmem>>) target(%dma_start3A_78 : memref<80x128xf32, #tpu.memory_space<hbm>>) target_semaphore(%run_scoped3A : memref<!tpu.dma_semaphore, #tpu.memory_space<semaphore_mem>>)
      %dma_wait3A_79 = arith.constant 0 : i32
      %dma_wait3A_80 = tpu.memref_slice %arg5[%add3A_62, %dma_wait3A_79] : memref<20480x128xf32, #tpu.memory_space<hbm>> -> memref<80x128xf32, #tpu.memory_space<hbm>>
      %dma_wait3A_81 = arith.constant 0 : i32
      %dma_wait3A_82 = tpu.memref_slice %arg5[%add3A_62, %dma_wait3A_81] : memref<20480x128xf32, #tpu.memory_space<hbm>> -> memref<80x128xf32, #tpu.memory_space<hbm>>
      tpu.wait_dma2 semaphore(%run_scoped3A : memref<!tpu.dma_semaphore, #tpu.memory_space<semaphore_mem>>) src(%arg9 : memref<80x128xf32, #tpu.memory_space<vmem>>) dst(%dma_wait3A_82 : memref<80x128xf32, #tpu.memory_space<hbm>>)
      tpu.yield
    }) : () -> ()
    %add3A_63 = arith.constant 400 : i32
    %add3A_64 = arith.addi %mul3A_2, %add3A_63 : i32
    "tpu.region"() ({
      %run_scoped3A = tpu.sem_alloc : memref<!tpu.dma_semaphore, #tpu.memory_space<semaphore_mem>>
      %dma_start3A_75 = arith.constant 0 : i32
      %dma_start3A_76 = tpu.memref_slice %arg6[%add3A_64, %dma_start3A_75] : memref<10240x128xf32, #tpu.memory_space<vmem_shared>> -> memref<80x128xf32, #tpu.memory_space<vmem_shared>>
      %dma_start3A_77 = arith.constant 0 : i32
      %dma_start3A_78 = tpu.memref_slice %arg6[%add3A_64, %dma_start3A_77] : memref<10240x128xf32, #tpu.memory_space<vmem_shared>> -> memref<80x128xf32, #tpu.memory_space<vmem_shared>>
      tpu.enqueue_dma source(%dma_start3A_78 : memref<80x128xf32, #tpu.memory_space<vmem_shared>>) target(%arg9 : memref<80x128xf32, #tpu.memory_space<vmem>>) target_semaphore(%run_scoped3A : memref<!tpu.dma_semaphore, #tpu.memory_space<semaphore_mem>>)
      %dma_wait3A_79 = arith.constant 0 : i32
      %dma_wait3A_80 = tpu.memref_slice %arg6[%add3A_64, %dma_wait3A_79] : memref<10240x128xf32, #tpu.memory_space<vmem_shared>> -> memref<80x128xf32, #tpu.memory_space<vmem_shared>>
      %dma_wait3A_81 = arith.constant 0 : i32
      %dma_wait3A_82 = tpu.memref_slice %arg6[%add3A_64, %dma_wait3A_81] : memref<10240x128xf32, #tpu.memory_space<vmem_shared>> -> memref<80x128xf32, #tpu.memory_space<vmem_shared>>
      tpu.wait_dma2 semaphore(%run_scoped3A : memref<!tpu.dma_semaphore, #tpu.memory_space<semaphore_mem>>) src(%dma_wait3A_82 : memref<80x128xf32, #tpu.memory_space<vmem_shared>>) dst(%arg9 : memref<80x128xf32, #tpu.memory_space<vmem>>)
      tpu.yield
    }) : () -> ()
    %add3A_65 = arith.constant 400 : i32
    %add3A_66 = arith.addi %add3A_42, %add3A_65 : i32
    "tpu.region"() ({
      %run_scoped3A = tpu.sem_alloc : memref<!tpu.dma_semaphore, #tpu.memory_space<semaphore_mem>>
      %dma_start3A_75 = arith.constant 0 : i32
      %dma_start3A_76 = tpu.memref_slice %arg5[%add3A_66, %dma_start3A_75] : memref<20480x128xf32, #tpu.memory_space<hbm>> -> memref<80x128xf32, #tpu.memory_space<hbm>>
      %dma_start3A_77 = arith.constant 0 : i32
      %dma_start3A_78 = tpu.memref_slice %arg5[%add3A_66, %dma_start3A_77] : memref<20480x128xf32, #tpu.memory_space<hbm>> -> memref<80x128xf32, #tpu.memory_space<hbm>>
      tpu.enqueue_dma source(%arg9 : memref<80x128xf32, #tpu.memory_space<vmem>>) target(%dma_start3A_78 : memref<80x128xf32, #tpu.memory_space<hbm>>) target_semaphore(%run_scoped3A : memref<!tpu.dma_semaphore, #tpu.memory_space<semaphore_mem>>)
      %dma_wait3A_79 = arith.constant 0 : i32
      %dma_wait3A_80 = tpu.memref_slice %arg5[%add3A_66, %dma_wait3A_79] : memref<20480x128xf32, #tpu.memory_space<hbm>> -> memref<80x128xf32, #tpu.memory_space<hbm>>
      %dma_wait3A_81 = arith.constant 0 : i32
      %dma_wait3A_82 = tpu.memref_slice %arg5[%add3A_66, %dma_wait3A_81] : memref<20480x128xf32, #tpu.memory_space<hbm>> -> memref<80x128xf32, #tpu.memory_space<hbm>>
      tpu.wait_dma2 semaphore(%run_scoped3A : memref<!tpu.dma_semaphore, #tpu.memory_space<semaphore_mem>>) src(%arg9 : memref<80x128xf32, #tpu.memory_space<vmem>>) dst(%dma_wait3A_82 : memref<80x128xf32, #tpu.memory_space<hbm>>)
      tpu.yield
    }) : () -> ()
    %add3A_67 = arith.constant 480 : i32
    %add3A_68 = arith.addi %mul3A_2, %add3A_67 : i32
    "tpu.region"() ({
      %run_scoped3A = tpu.sem_alloc : memref<!tpu.dma_semaphore, #tpu.memory_space<semaphore_mem>>
      %dma_start3A_75 = arith.constant 0 : i32
      %dma_start3A_76 = tpu.memref_slice %arg6[%add3A_68, %dma_start3A_75] : memref<10240x128xf32, #tpu.memory_space<vmem_shared>> -> memref<80x128xf32, #tpu.memory_space<vmem_shared>>
      %dma_start3A_77 = arith.constant 0 : i32
      %dma_start3A_78 = tpu.memref_slice %arg6[%add3A_68, %dma_start3A_77] : memref<10240x128xf32, #tpu.memory_space<vmem_shared>> -> memref<80x128xf32, #tpu.memory_space<vmem_shared>>
      tpu.enqueue_dma source(%dma_start3A_78 : memref<80x128xf32, #tpu.memory_space<vmem_shared>>) target(%arg9 : memref<80x128xf32, #tpu.memory_space<vmem>>) target_semaphore(%run_scoped3A : memref<!tpu.dma_semaphore, #tpu.memory_space<semaphore_mem>>)
      %dma_wait3A_79 = arith.constant 0 : i32
      %dma_wait3A_80 = tpu.memref_slice %arg6[%add3A_68, %dma_wait3A_79] : memref<10240x128xf32, #tpu.memory_space<vmem_shared>> -> memref<80x128xf32, #tpu.memory_space<vmem_shared>>
      %dma_wait3A_81 = arith.constant 0 : i32
      %dma_wait3A_82 = tpu.memref_slice %arg6[%add3A_68, %dma_wait3A_81] : memref<10240x128xf32, #tpu.memory_space<vmem_shared>> -> memref<80x128xf32, #tpu.memory_space<vmem_shared>>
      tpu.wait_dma2 semaphore(%run_scoped3A : memref<!tpu.dma_semaphore, #tpu.memory_space<semaphore_mem>>) src(%dma_wait3A_82 : memref<80x128xf32, #tpu.memory_space<vmem_shared>>) dst(%arg9 : memref<80x128xf32, #tpu.memory_space<vmem>>)
      tpu.yield
    }) : () -> ()
    %add3A_69 = arith.constant 480 : i32
    %add3A_70 = arith.addi %add3A_42, %add3A_69 : i32
    "tpu.region"() ({
      %run_scoped3A = tpu.sem_alloc : memref<!tpu.dma_semaphore, #tpu.memory_space<semaphore_mem>>
      %dma_start3A_75 = arith.constant 0 : i32
      %dma_start3A_76 = tpu.memref_slice %arg5[%add3A_70, %dma_start3A_75] : memref<20480x128xf32, #tpu.memory_space<hbm>> -> memref<80x128xf32, #tpu.memory_space<hbm>>
      %dma_start3A_77 = arith.constant 0 : i32
      %dma_start3A_78 = tpu.memref_slice %arg5[%add3A_70, %dma_start3A_77] : memref<20480x128xf32, #tpu.memory_space<hbm>> -> memref<80x128xf32, #tpu.memory_space<hbm>>
      tpu.enqueue_dma source(%arg9 : memref<80x128xf32, #tpu.memory_space<vmem>>) target(%dma_start3A_78 : memref<80x128xf32, #tpu.memory_space<hbm>>) target_semaphore(%run_scoped3A : memref<!tpu.dma_semaphore, #tpu.memory_space<semaphore_mem>>)
      %dma_wait3A_79 = arith.constant 0 : i32
      %dma_wait3A_80 = tpu.memref_slice %arg5[%add3A_70, %dma_wait3A_79] : memref<20480x128xf32, #tpu.memory_space<hbm>> -> memref<80x128xf32, #tpu.memory_space<hbm>>
      %dma_wait3A_81 = arith.constant 0 : i32
      %dma_wait3A_82 = tpu.memref_slice %arg5[%add3A_70, %dma_wait3A_81] : memref<20480x128xf32, #tpu.memory_space<hbm>> -> memref<80x128xf32, #tpu.memory_space<hbm>>
      tpu.wait_dma2 semaphore(%run_scoped3A : memref<!tpu.dma_semaphore, #tpu.memory_space<semaphore_mem>>) src(%arg9 : memref<80x128xf32, #tpu.memory_space<vmem>>) dst(%dma_wait3A_82 : memref<80x128xf32, #tpu.memory_space<hbm>>)
      tpu.yield
    }) : () -> ()
    %add3A_71 = arith.constant 560 : i32
    %add3A_72 = arith.addi %mul3A_2, %add3A_71 : i32
    "tpu.region"() ({
      %run_scoped3A = tpu.sem_alloc : memref<!tpu.dma_semaphore, #tpu.memory_space<semaphore_mem>>
      %dma_start3A_75 = arith.constant 0 : i32
      %dma_start3A_76 = tpu.memref_slice %arg6[%add3A_72, %dma_start3A_75] : memref<10240x128xf32, #tpu.memory_space<vmem_shared>> -> memref<80x128xf32, #tpu.memory_space<vmem_shared>>
      %dma_start3A_77 = arith.constant 0 : i32
      %dma_start3A_78 = tpu.memref_slice %arg6[%add3A_72, %dma_start3A_77] : memref<10240x128xf32, #tpu.memory_space<vmem_shared>> -> memref<80x128xf32, #tpu.memory_space<vmem_shared>>
      tpu.enqueue_dma source(%dma_start3A_78 : memref<80x128xf32, #tpu.memory_space<vmem_shared>>) target(%arg9 : memref<80x128xf32, #tpu.memory_space<vmem>>) target_semaphore(%run_scoped3A : memref<!tpu.dma_semaphore, #tpu.memory_space<semaphore_mem>>)
      %dma_wait3A_79 = arith.constant 0 : i32
      %dma_wait3A_80 = tpu.memref_slice %arg6[%add3A_72, %dma_wait3A_79] : memref<10240x128xf32, #tpu.memory_space<vmem_shared>> -> memref<80x128xf32, #tpu.memory_space<vmem_shared>>
      %dma_wait3A_81 = arith.constant 0 : i32
      %dma_wait3A_82 = tpu.memref_slice %arg6[%add3A_72, %dma_wait3A_81] : memref<10240x128xf32, #tpu.memory_space<vmem_shared>> -> memref<80x128xf32, #tpu.memory_space<vmem_shared>>
      tpu.wait_dma2 semaphore(%run_scoped3A : memref<!tpu.dma_semaphore, #tpu.memory_space<semaphore_mem>>) src(%dma_wait3A_82 : memref<80x128xf32, #tpu.memory_space<vmem_shared>>) dst(%arg9 : memref<80x128xf32, #tpu.memory_space<vmem>>)
      tpu.yield
    }) : () -> ()
    %add3A_73 = arith.constant 560 : i32
    %add3A_74 = arith.addi %add3A_42, %add3A_73 : i32
    "tpu.region"() ({
      %run_scoped3A = tpu.sem_alloc : memref<!tpu.dma_semaphore, #tpu.memory_space<semaphore_mem>>
      %dma_start3A_75 = arith.constant 0 : i32
      %dma_start3A_76 = tpu.memref_slice %arg5[%add3A_74, %dma_start3A_75] : memref<20480x128xf32, #tpu.memory_space<hbm>> -> memref<80x128xf32, #tpu.memory_space<hbm>>
      %dma_start3A_77 = arith.constant 0 : i32
      %dma_start3A_78 = tpu.memref_slice %arg5[%add3A_74, %dma_start3A_77] : memref<20480x128xf32, #tpu.memory_space<hbm>> -> memref<80x128xf32, #tpu.memory_space<hbm>>
      tpu.enqueue_dma source(%arg9 : memref<80x128xf32, #tpu.memory_space<vmem>>) target(%dma_start3A_78 : memref<80x128xf32, #tpu.memory_space<hbm>>) target_semaphore(%run_scoped3A : memref<!tpu.dma_semaphore, #tpu.memory_space<semaphore_mem>>)
      %dma_wait3A_79 = arith.constant 0 : i32
      %dma_wait3A_80 = tpu.memref_slice %arg5[%add3A_74, %dma_wait3A_79] : memref<20480x128xf32, #tpu.memory_space<hbm>> -> memref<80x128xf32, #tpu.memory_space<hbm>>
      %dma_wait3A_81 = arith.constant 0 : i32
      %dma_wait3A_82 = tpu.memref_slice %arg5[%add3A_74, %dma_wait3A_81] : memref<20480x128xf32, #tpu.memory_space<hbm>> -> memref<80x128xf32, #tpu.memory_space<hbm>>
      tpu.wait_dma2 semaphore(%run_scoped3A : memref<!tpu.dma_semaphore, #tpu.memory_space<semaphore_mem>>) src(%arg9 : memref<80x128xf32, #tpu.memory_space<vmem>>) dst(%dma_wait3A_82 : memref<80x128xf32, #tpu.memory_space<hbm>>)
      tpu.yield
    }) : () -> ()
    return
  }
}

module attributes {stable_mosaic.version = 14 : i64} {
  func.func @_dense_body(%arg0: i32, %arg1: memref<2x1000x128xf32, #tpu.memory_space<vmem>>, %arg2: memref<2x1000x16xf32, #tpu.memory_space<vmem>>, %arg3: memref<1000x128xf32, #tpu.memory_space<vmem>>, %arg4: memref<128x128xf32, #tpu.memory_space<vmem>>, %arg5: memref<128xf32, #tpu.memory_space<vmem>>, %arg6: memref<1000x128xf32, #tpu.memory_space<vmem>>) attributes {dimension_semantics = [#tpu.dimension_semantics<arbitrary>], iteration_bounds = array<i64: 10>, scalar_prefetch = 0 : i64, scratch_operands = 0 : i64, tpu.core_type = #tpu.core_type<tc>, window_params = [{transform_indices = @transform_0, window_bounds = array<i64: 2, 1000, 128>}, {transform_indices = @transform_1, window_bounds = array<i64: 2, 1000, 16>}, {transform_indices = @transform_2, window_bounds = array<i64: 1000, 128>}, {pipeline_mode = #tpu.pipeline_mode<synchronous>, transform_indices = @transform_3, window_bounds = array<i64: 128, 128>}, {pipeline_mode = #tpu.pipeline_mode<synchronous>, transform_indices = @transform_4, window_bounds = array<i64: 128>}, {transform_indices = @transform_5, window_bounds = array<i64: 1000, 128>}]} {
    %get3A = arith.constant 0 : index
    %get3A_0 = arith.constant 0 : index
    %get3A_1 = arith.constant 0 : index
    %get3A_2 = vector.load %arg1[%get3A, %get3A_0, %get3A_1] : memref<2x1000x128xf32, #tpu.memory_space<vmem>>, vector<1x1000x128xf32>
    %get3A_3 = vector.shape_cast %get3A_2 : vector<1x1000x128xf32> to vector<1000x128xf32>
    %get3A_4 = arith.constant 1 : index
    %get3A_5 = arith.constant 0 : index
    %get3A_6 = arith.constant 0 : index
    %get3A_7 = vector.load %arg1[%get3A_4, %get3A_5, %get3A_6] : memref<2x1000x128xf32, #tpu.memory_space<vmem>>, vector<1x1000x128xf32>
    %get3A_8 = vector.shape_cast %get3A_7 : vector<1x1000x128xf32> to vector<1000x128xf32>
    %add3A = arith.addf %get3A_3, %get3A_8 : vector<1000x128xf32>
    %get3A_9 = arith.constant 0 : index
    %get3A_10 = arith.constant 0 : index
    %get3A_11 = vector.load %arg3[%get3A_9, %get3A_10] : memref<1000x128xf32, #tpu.memory_space<vmem>>, vector<1000x128xf32>
    %add3A_12 = arith.addf %add3A, %get3A_11 : vector<1000x128xf32>
    %get3A_13 = arith.constant 0 : index
    %get3A_14 = arith.constant 0 : index
    %get3A_15 = arith.constant 0 : index
    %get3A_16 = vector.load %arg2[%get3A_13, %get3A_14, %get3A_15] : memref<2x1000x16xf32, #tpu.memory_space<vmem>>, vector<1x1000x16xf32>
    %get3A_17 = vector.shape_cast %get3A_16 : vector<1x1000x16xf32> to vector<1000x16xf32>
    %slice3A = vector.extract_strided_slice %get3A_17 {offsets = [0, 0], sizes = [1000, 1], strides = [1, 1]} : vector<1000x16xf32> to vector<1000x1xf32>
    %get3A_18 = arith.constant 1 : index
    %get3A_19 = arith.constant 0 : index
    %get3A_20 = arith.constant 0 : index
    %get3A_21 = vector.load %arg2[%get3A_18, %get3A_19, %get3A_20] : memref<2x1000x16xf32, #tpu.memory_space<vmem>>, vector<1x1000x16xf32>
    %get3A_22 = vector.shape_cast %get3A_21 : vector<1x1000x16xf32> to vector<1000x16xf32>
    %slice3A_23 = vector.extract_strided_slice %get3A_22 {offsets = [0, 0], sizes = [1000, 1], strides = [1, 1]} : vector<1000x16xf32> to vector<1000x1xf32>
    %add3A_24 = arith.addf %slice3A, %slice3A_23 : vector<1000x1xf32>
    %add3A_25 = arith.constant 1.000000e+00 : f32
    %add3A_26 = vector.broadcast %add3A_25 : f32 to vector<1000x1xf32>
    %add3A_27 = arith.addf %add3A_24, %add3A_26 : vector<1000x1xf32>
    %div3A = vector.broadcast %add3A_27 : vector<1000x1xf32> to vector<1000x128xf32>
    %div3A_28 = arith.divf %add3A_12, %div3A : vector<1000x128xf32>
    %get3A_29 = arith.constant 0 : index
    %get3A_30 = arith.constant 0 : index
    %get3A_31 = vector.load %arg4[%get3A_29, %get3A_30] : memref<128x128xf32, #tpu.memory_space<vmem>>, vector<128x128xf32>
    %dot_general3A = arith.constant dense<0.000000e+00> : vector<1000x128xf32>
    %dot_general3A_32 = tpu.matmul %div3A_28, %get3A_31, %dot_general3A {dimension_numbers = #tpu.dot_dimension_numbers<[1], [0], [0], [1], [0, 0, 1, 1], [], []>, transpose_lhs_hint = false} : vector<1000x128xf32>, vector<128x128xf32>, vector<1000x128xf32> -> vector<1000x128xf32>
    %get3A_33 = arith.constant 0 : index
    %get3A_34 = vector.load %arg5[%get3A_33] : memref<128xf32, #tpu.memory_space<vmem>>, vector<128xf32>
    %broadcast_in_dim3A = vector.shape_cast %get3A_34 : vector<128xf32> to vector<1x128xf32>
    %add3A_35 = vector.broadcast %broadcast_in_dim3A : vector<1x128xf32> to vector<1000x128xf32>
    %add3A_36 = arith.addf %dot_general3A_32, %add3A_35 : vector<1000x128xf32>
    %swap3A = arith.constant 0 : index
    %swap3A_37 = arith.constant 0 : index
    %swap3A_38 = vector.load %arg6[%swap3A, %swap3A_37] : memref<1000x128xf32, #tpu.memory_space<vmem>>, vector<1000x128xf32>
    tpu.vector_store %arg6[%swap3A, %swap3A_37], %add3A_36 {strides = array<i32>} : memref<1000x128xf32, #tpu.memory_space<vmem>>, vector<1000x128xf32>,
    return
  }
  func.func @transform_0(%arg0: i32) -> (i32, i32, i32) {
    %c0_i32 = arith.constant 0 : i32
    %c0_i32_0 = arith.constant 0 : i32
    %c0_i32_1 = arith.constant 0 : i32
    return %c0_i32, %arg0, %c0_i32_0 : i32, i32, i32
  }
  func.func @transform_1(%arg0: i32) -> (i32, i32, i32) {
    %c0_i32 = arith.constant 0 : i32
    %c0_i32_0 = arith.constant 0 : i32
    %c0_i32_1 = arith.constant 0 : i32
    return %c0_i32, %arg0, %c0_i32_0 : i32, i32, i32
  }
  func.func @transform_2(%arg0: i32) -> (i32, i32) {
    %c0_i32 = arith.constant 0 : i32
    %c0_i32_0 = arith.constant 0 : i32
    return %arg0, %c0_i32 : i32, i32
  }
  func.func @transform_3(%arg0: i32) -> (i32, i32) {
    %c0_i32 = arith.constant 0 : i32
    %c0_i32_0 = arith.constant 0 : i32
    %c0_i32_1 = arith.constant 0 : i32
    return %c0_i32, %c0_i32_0 : i32, i32
  }
  func.func @transform_4(%arg0: i32) -> i32 {
    %c0_i32 = arith.constant 0 : i32
    %c0_i32_0 = arith.constant 0 : i32
    return %c0_i32 : i32
  }
  func.func @transform_5(%arg0: i32) -> (i32, i32) {
    %c0_i32 = arith.constant 0 : i32
    %c0_i32_0 = arith.constant 0 : i32
    return %arg0, %c0_i32 : i32, i32
  }
}

module attributes {stable_mosaic.version = 14 : i64} {
  func.func @_dense_body(%arg0: i32, %arg1: memref<2x1000x128xf32, #tpu.memory_space<vmem>>, %arg2: memref<2x1000x16xf32, #tpu.memory_space<vmem>>, %arg3: memref<1000x128xf32, #tpu.memory_space<vmem>>, %arg4: memref<128x128xf32, #tpu.memory_space<vmem>>, %arg5: memref<128xf32, #tpu.memory_space<vmem>>, %arg6: memref<1000x128xf32, #tpu.memory_space<vmem>>) attributes {dimension_semantics = [#tpu.dimension_semantics<arbitrary>], iteration_bounds = array<i64: 10>, scalar_prefetch = 0 : i64, scratch_operands = 0 : i64, tpu.core_type = #tpu.core_type<tc>, window_params = [{transform_indices = @transform_0, window_bounds = array<i64: 2, 1000, 128>}, {transform_indices = @transform_1, window_bounds = array<i64: 2, 1000, 16>}, {transform_indices = @transform_2, window_bounds = array<i64: 1000, 128>}, {pipeline_mode = #tpu.pipeline_mode<synchronous>, transform_indices = @transform_3, window_bounds = array<i64: 128, 128>}, {pipeline_mode = #tpu.pipeline_mode<synchronous>, transform_indices = @transform_4, window_bounds = array<i64: 128>}, {transform_indices = @transform_5, window_bounds = array<i64: 1000, 128>}]} {
    %get3A = arith.constant 0 : index
    %get3A_0 = arith.constant 0 : index
    %get3A_1 = arith.constant 0 : index
    %get3A_2 = vector.load %arg1[%get3A, %get3A_0, %get3A_1] : memref<2x1000x128xf32, #tpu.memory_space<vmem>>, vector<1x1000x128xf32>
    %get3A_3 = vector.shape_cast %get3A_2 : vector<1x1000x128xf32> to vector<1000x128xf32>
    %get3A_4 = arith.constant 1 : index
    %get3A_5 = arith.constant 0 : index
    %get3A_6 = arith.constant 0 : index
    %get3A_7 = vector.load %arg1[%get3A_4, %get3A_5, %get3A_6] : memref<2x1000x128xf32, #tpu.memory_space<vmem>>, vector<1x1000x128xf32>
    %get3A_8 = vector.shape_cast %get3A_7 : vector<1x1000x128xf32> to vector<1000x128xf32>
    %add3A = arith.addf %get3A_3, %get3A_8 : vector<1000x128xf32>
    %get3A_9 = arith.constant 0 : index
    %get3A_10 = arith.constant 0 : index
    %get3A_11 = vector.load %arg3[%get3A_9, %get3A_10] : memref<1000x128xf32, #tpu.memory_space<vmem>>, vector<1000x128xf32>
    %add3A_12 = arith.addf %add3A, %get3A_11 : vector<1000x128xf32>
    %get3A_13 = arith.constant 0 : index
    %get3A_14 = arith.constant 0 : index
    %get3A_15 = arith.constant 0 : index
    %get3A_16 = vector.load %arg2[%get3A_13, %get3A_14, %get3A_15] : memref<2x1000x16xf32, #tpu.memory_space<vmem>>, vector<1x1000x16xf32>
    %get3A_17 = vector.shape_cast %get3A_16 : vector<1x1000x16xf32> to vector<1000x16xf32>
    %slice3A = vector.extract_strided_slice %get3A_17 {offsets = [0, 0], sizes = [1000, 1], strides = [1, 1]} : vector<1000x16xf32> to vector<1000x1xf32>
    %get3A_18 = arith.constant 1 : index
    %get3A_19 = arith.constant 0 : index
    %get3A_20 = arith.constant 0 : index
    %get3A_21 = vector.load %arg2[%get3A_18, %get3A_19, %get3A_20] : memref<2x1000x16xf32, #tpu.memory_space<vmem>>, vector<1x1000x16xf32>
    %get3A_22 = vector.shape_cast %get3A_21 : vector<1x1000x16xf32> to vector<1000x16xf32>
    %slice3A_23 = vector.extract_strided_slice %get3A_22 {offsets = [0, 0], sizes = [1000, 1], strides = [1, 1]} : vector<1000x16xf32> to vector<1000x1xf32>
    %add3A_24 = arith.addf %slice3A, %slice3A_23 : vector<1000x1xf32>
    %add3A_25 = arith.constant 1.000000e+00 : f32
    %add3A_26 = vector.broadcast %add3A_25 : f32 to vector<1000x1xf32>
    %add3A_27 = arith.addf %add3A_24, %add3A_26 : vector<1000x1xf32>
    %div3A = vector.broadcast %add3A_27 : vector<1000x1xf32> to vector<1000x128xf32>
    %div3A_28 = arith.divf %add3A_12, %div3A : vector<1000x128xf32>
    %get3A_29 = arith.constant 0 : index
    %get3A_30 = arith.constant 0 : index
    %get3A_31 = vector.load %arg4[%get3A_29, %get3A_30] : memref<128x128xf32, #tpu.memory_space<vmem>>, vector<128x128xf32>
    %dot_general3A = arith.constant dense<0.000000e+00> : vector<1000x128xf32>
    %dot_general3A_32 = tpu.matmul %div3A_28, %get3A_31, %dot_general3A {dimension_numbers = #tpu.dot_dimension_numbers<[1], [0], [0], [1], [0, 0, 1, 1], [], []>, transpose_lhs_hint = false} : vector<1000x128xf32>, vector<128x128xf32>, vector<1000x128xf32> -> vector<1000x128xf32>
    %get3A_33 = arith.constant 0 : index
    %get3A_34 = vector.load %arg5[%get3A_33] : memref<128xf32, #tpu.memory_space<vmem>>, vector<128xf32>
    %broadcast_in_dim3A = vector.shape_cast %get3A_34 : vector<128xf32> to vector<1x128xf32>
    %add3A_35 = vector.broadcast %broadcast_in_dim3A : vector<1x128xf32> to vector<1000x128xf32>
    %add3A_36 = arith.addf %dot_general3A_32, %add3A_35 : vector<1000x128xf32>
    %max3A = arith.constant 0.000000e+00 : f32
    %max3A_37 = vector.broadcast %max3A : f32 to vector<1000x128xf32>
    %max3A_38 = arith.maximumf %add3A_36, %max3A_37 : vector<1000x128xf32>
    %swap3A = arith.constant 0 : index
    %swap3A_39 = arith.constant 0 : index
    %swap3A_40 = vector.load %arg6[%swap3A, %swap3A_39] : memref<1000x128xf32, #tpu.memory_space<vmem>>, vector<1000x128xf32>
    tpu.vector_store %arg6[%swap3A, %swap3A_39], %max3A_38 {strides = array<i32>} : memref<1000x128xf32, #tpu.memory_space<vmem>>, vector<1000x128xf32>,
    return
  }
  func.func @transform_0(%arg0: i32) -> (i32, i32, i32) {
    %c0_i32 = arith.constant 0 : i32
    %c0_i32_0 = arith.constant 0 : i32
    %c0_i32_1 = arith.constant 0 : i32
    return %c0_i32, %arg0, %c0_i32_0 : i32, i32, i32
  }
  func.func @transform_1(%arg0: i32) -> (i32, i32, i32) {
    %c0_i32 = arith.constant 0 : i32
    %c0_i32_0 = arith.constant 0 : i32
    %c0_i32_1 = arith.constant 0 : i32
    return %c0_i32, %arg0, %c0_i32_0 : i32, i32, i32
  }
  func.func @transform_2(%arg0: i32) -> (i32, i32) {
    %c0_i32 = arith.constant 0 : i32
    %c0_i32_0 = arith.constant 0 : i32
    return %arg0, %c0_i32 : i32, i32
  }
  func.func @transform_3(%arg0: i32) -> (i32, i32) {
    %c0_i32 = arith.constant 0 : i32
    %c0_i32_0 = arith.constant 0 : i32
    %c0_i32_1 = arith.constant 0 : i32
    return %c0_i32, %c0_i32_0 : i32, i32
  }
  func.func @transform_4(%arg0: i32) -> i32 {
    %c0_i32 = arith.constant 0 : i32
    %c0_i32_0 = arith.constant 0 : i32
    return %c0_i32 : i32
  }
  func.func @transform_5(%arg0: i32) -> (i32, i32) {
    %c0_i32 = arith.constant 0 : i32
    %c0_i32_0 = arith.constant 0 : i32
    return %arg0, %c0_i32 : i32, i32
  }
}

</mosaic_0001>

<sc_bundles>
// kernel: kernel.10.cloned.1.call-start
scs
__scs_entry_jumppad:
0x0: {  	(pc) =	sbr.rel $0x88, $3  }
0x1: {  	(tag) =	ssettag $0x0;
	lr =	simm.s32 $0x1  }
0x2: {  	[smem:$0x3F9B] =	sst lr;
	_ =	strace $0xD0000000  }
0x3: {  	_ = 	snop  }
0x4: {  	_ = 	snop  }
0x5: {  	_ = 	snop  }
0x6: {  	_ = 	snop  }
0x7: {  	_ = 	snop  }
__scs_overlays_trampoline_lowered:
0x8: {  	[smem:$0x3FAA] =	sst s0  }
0x9: {  	[smem:$0x3FAB] =	sst s1  }
0xa: {  	[smem:$0x3FAC] =	sst s2  }
0xb: {  	[smem:$0x3FAD] =	sst s3  }
0xc: {  	[smem:$0x3FAE] =	sst s4  }
0xd: {  	[smem:$0x3FAF] =	sst s5  }
0xe: {  	[smem:$0x3FB0] =	sst s6  }
0xf: {  	[smem:$0x3FB1] =	sst s7  }
0x10: {  	[smem:$0x3FB2] =	sst s8  }
0x11: {  	[smem:$0x3FB3] =	sst s9;
	s0 =	simm.s32 @!p0 $0x0  }
0x12: {  	s1 =	sld [smem:$0x3F99];
	s0 =	simm.s32 @p0 $0x1  }
0x13: {  	[smem:$0x3FB4] =	sst s0;
	s0 =	simm.s32 @!p1 $0x0  }
0x14: {  	s2 =	sld [smem:$0x3F98];
	s0 =	simm.s32 @p1 $0x1  }
0x15: {  	[smem:$0x3FB5] =	sst s0;
	s0 =	simm.s32 @!p2 $0x0  }
0x16: {  	s3 =	sld [smem:$0x3FDB];
	s0 =	simm.s32 @p2 $0x1  }
0x17: {  	s4 =	simm.s32 $0x1BF5;
	[smem:$0x3FB7] =	sst s0  }
0x18: {  	s0 =	sld [smem:$0x3F9A];
	_ =	swait.ge [sflag:s4], $0x0  }
0x19: {  	s7 =	sld [smem:$0x3F9B]  }
0x1a: {  	s8 =	sadd.s32 $0xFFFFE003, lr  }
0x1b: {  	s9 =	sadd.s32 $0xFFFFFEF7, lr;
	s5 =	simm.s32 $0xFFFFFFFF;
	p2 =	slt.u32 s8, $0xFFFFF086  }
0x1c: {  	p1 =	slt.u32 s9, $0xF7A;
	s5 =	simm.s32 @!p2 $0x0  }
0x1d: {  	s5 =	simm.s32 @p1 $0x1;
	p0 =	seq.s32 s7, s2  }
0x1e: {  	s7 =	smul.u32 @!p0 $0xF7A, s2;
	p2 =	seq.s32 @!p0 s5, $0x0  }
0x1f: {  	s9 =	smul.u32 $0xF7A, s1;
	s8 =	simm.s32 @!p0 $0x1BF5;
	p2 =	por !p2, p0  }
0x20: {  	[sflag:s8] =	ssyncset.s32 @!p0 $0xFFFFF086;
	s6 =	sadd.s32 @!p0 s3, s7;
	s7 =	simm.s32 @!p0 $0x108  }
0x21: {  	s3 =	sadd.s32 s3, s9;
	s6 =	sadd.s32 @!p0 $0x88, s6;
	s7 =	simm.s32 @p2 $0x1082  }
0x22: {  	[simem:s7], [sflag:s8] =	dma.local @!p0 [hbm:s6], $0xF7A  }
0x23: {  	s9 =	sor.u32 $0xD0000000, s2;
	s6 =	simm.s32 $0x108;
	_ =	swait.ge @!p0 [sflag:s8], $0x0  }
0x24: {  	s3 =	sadd.s32 $0x88, s3;
	s6 =	simm.s32 @!p1 $0x1082;
	[sflag:s4] =	ssyncset.s32 $0xFFFFF086  }
0x25: {  	[simem:s6], [sflag:s4] =	dma.local [hbm:s3], $0xF7A  }
0x26: {  	[smem:$0x3F9B] =	sst s1;
	(tag) =	ssettag s2;
	_ =	strace s9  }
0x27: {  	s1 =	sld [smem:$0x3FAB]  }
0x28: {  	s2 =	sld [smem:$0x3FAC]  }
0x29: {  	s4 =	sld [smem:$0x3FAE]  }
0x2a: {  	p0 =	seq.s32 s5, $0x0;
	s5 =	sld [smem:$0x3FAF]  }
0x2b: {  	s6 =	sld [smem:$0x3FB0]  }
0x2c: {  	s7 =	sld [smem:$0x3FB1]  }
0x2d: {  	s3 =	simm.s32 $0x108;
	s8 =	sld [smem:$0x3FB2]  }
0x2e: {  	s3 =	simm.s32 @!p0 $0x1082;
	s9 =	sld [smem:$0x3FB3]  }
0x2f: {  	lr =	sadd.s32 s0, s3;
	s0 =	sld [smem:$0x3FAA]  }
0x30: {  	s3 =	sld [smem:$0x3FAD]  }
0x31: {  	[smem:$0x3FB6] =	sst s10  }
0x32: {  	s10 =	sld [smem:$0x3FB4];
	_ =	sdelay $0x3  }
0x33: {  	p0 =	seq.s32 s10, $0x1;
	s10 =	sld [smem:$0x3FB6];
	_ =	sdelay $0x3  }
0x34: {  	[smem:$0x3FB6] =	sst s10  }
0x35: {  	s10 =	sld [smem:$0x3FB5];
	_ =	sdelay $0x3  }
0x36: {  	p1 =	seq.s32 s10, $0x1;
	s10 =	sld [smem:$0x3FB6];
	_ =	sdelay $0x3  }
0x37: {  	[smem:$0x3FB6] =	sst s10  }
0x38: {  	s10 =	sld [smem:$0x3FB7]  }
0x39: {  	_ = 	snop;
	(pc) =	sbr.ind lr, $3  }
0x3a: {  	_ = 	snop  }
0x3b: {  	_ = 	snop  }
0x3c: {  	p2 =	seq.s32 s10, $0x1;
	s10 =	sld [smem:$0x3FB6]  }
0x3d: {  	_ =	shalt  }
0x3e: {  	_ =	shalt  }
0x3f: {  	_ =	shalt  }
0x40: {  	_ =	shalt  }
0x41: {  	_ =	shalt  }
0x42: {  	_ =	shalt  }
0x43: {  	_ =	shalt  }
0x44: {  	_ =	shalt  }
0x45: {  	_ =	shalt  }
0x46: {  	_ =	shalt  }
0x47: {  	_ =	shalt  }
0x48: {  	_ =	shalt  }
0x49: {  	_ =	shalt  }
0x4a: {  	_ =	shalt  }
0x4b: {  	_ =	shalt  }
0x4c: {  	_ =	shalt  }
0x4d: {  	_ =	shalt  }
0x4e: {  	_ =	shalt  }
0x4f: {  	_ =	shalt  }
0x50: {  	_ =	shalt  }
0x51: {  	_ =	shalt  }
0x52: {  	_ =	shalt  }
0x53: {  	_ =	shalt  }
0x54: {  	_ =	shalt  }
0x55: {  	_ =	shalt  }
0x56: {  	_ =	shalt  }
0x57: {  	_ =	shalt  }
0x58: {  	_ =	shalt  }
0x59: {  	_ =	shalt  }
0x5a: {  	_ =	shalt  }
0x5b: {  	_ =	shalt  }
0x5c: {  	_ =	shalt  }
0x5d: {  	_ =	shalt  }
0x5e: {  	_ =	shalt  }
0x5f: {  	_ =	shalt  }
0x60: {  	_ =	shalt  }
0x61: {  	_ =	shalt  }
0x62: {  	_ =	shalt  }
0x63: {  	_ =	shalt  }
0x64: {  	_ =	shalt  }
0x65: {  	_ =	shalt  }
0x66: {  	_ =	shalt  }
0x67: {  	_ =	shalt  }
0x68: {  	_ =	shalt  }
0x69: {  	_ =	shalt  }
0x6a: {  	_ =	shalt  }
0x6b: {  	_ =	shalt  }
0x6c: {  	_ =	shalt  }
0x6d: {  	_ =	shalt  }
0x6e: {  	_ =	shalt  }
0x6f: {  	_ =	shalt  }
0x70: {  	_ =	shalt  }
0x71: {  	_ =	shalt  }
0x72: {  	_ =	shalt  }
0x73: {  	_ =	shalt  }
0x74: {  	_ =	shalt  }
0x75: {  	_ =	shalt  }
0x76: {  	_ =	shalt  }
0x77: {  	_ =	shalt  }
0x78: {  	_ =	shalt  }
0x79: {  	_ =	shalt  }
0x7a: {  	_ =	shalt  }
0x7b: {  	_ =	shalt  }
0x7c: {  	_ =	shalt  }
0x7d: {  	_ =	shalt  }
0x7e: {  	_ =	shalt  }
0x7f: {  	_ =	shalt  }
0x80: {  	_ =	shalt  }
0x81: {  	_ =	shalt  }
0x82: {  	_ =	shalt  }
0x83: {  	_ =	shalt  }
0x84: {  	_ =	shalt  }
0x85: {  	_ =	shalt  }
0x86: {  	_ =	shalt  }
0x87: {  	_ =	shalt  }
.Lfunc_end0:
.L_simem_size_0:
called_computation.1_lowered:
.L_overlay_start_0:
0x88: {  	s2 =	sld [smem:$0x3FD9]  }
0x89: {  	s3 =	sld [smem:$0x3FFE];
	_ =	sdelay $0x1  }
0x8a: {  	s1 =	srdreg.scid  }
0x8b: {  	s0 =	sand.u32 $0x1, s1  }
0x8c: {  	s14 =	sshll.u32 s0, $0xA;
	s2 =	sadd.s32 s3, s2  }
0x8d: {  	s2 =	sadd.s32 s2, s14  }
0x8e: {  	[smem:$0x3FC2] =	sst s2  }
0x8f: {  	_ = 	snop  }
0x90: {  	s2 =	sld [smem:$0x3FD0];
	_ =	sdelay $0x2  }
0x91: {  	s15 =	simm.s32 $0xB;
	s4 =	simm.s32 $0x10  }
0x92: {  	[smem:s4], [sflag:s15] =	dma.local [hbm:s2], $0x1  }
0x93: {  	_ =	swait.eq [sflag:s15], $0x1  }
0x94: {  	[sflag:s15] =	ssyncset.done $0x0  }
0x95: {  	[sflag:s15] =	ssyncadd.s32 $0xFFFFFFFF  }
0x96: {  	s16 =	sld [smem:$0x12];
	(tm) =	ssettm $0x1  }
0x97: {  	s17 =	sld [smem:$0x3FFB];
	_ =	sdelay $0x3  }
0x98: {  	_ =	strace s17  }
0x99: {  	s3 =	sld [smem:$0x3FFC];
	_ =	sdelay $0x3  }
0x9a: {  	_ =	strace s3  }
0x9b: {  	s3 =	sld [smem:$0x3FFD];
	_ =	sdelay $0x3  }
0x9c: {  	_ =	strace s3  }
0x9d: {  	_ =	strace $0x8FFFFFFF  }
0x9e: {  	s18 =	sld [smem:$0x3FDB];
	_ =	sdelay $0x1  }
0x9f: {  	s19 =	simm.s32 $_scs_section_size  }
0xa0: {  	s5 =	simm.s32 $_size__tile_overlayer_lowered;
	s6 =	simm.s32 $_tile_overlayer_lowered  }
0xa1: {  	s22 =	simm.s32 $0x1BFF;
	s21 =	sshll.u32 s6, $0x1;
	s3 =	sadd.s32 s19, s18  }
0xa2: {  	s7 =	simm.s32 $0x0;
	s20 =	sshll.u32 s5, $0x1;
	s5 =	sadd.s32 s21, s3  }
0xa3: {  	[timem:s7], [sflag:s22] =	dma.local [hbm:s5], s20  }
0xa4: {  	_ =	swait.ge [sflag:s22], s20  }
0xa5: {  	s4 =	ssub.s32 $0x0, s20;
	[sflag:s22] =	ssyncset.done $0x0  }
0xa6: {  	[sflag:s22] =	ssyncadd.s32 s4;
	_ =	sdelay $0x1  }
0xa7: {  	s23 =	simm.s32 $0x1B8B  }
0xa8: {  	_ =	swait.ge [sflag:s23], $0x1  }
0xa9: {  	[sflag:s23] =	ssyncset.done $0x0  }
0xaa: {  	s25 =	simm.s32 $0x1B8E;
	s24 =	sld [smem:$0x3FFE];
	[sflag:s23] =	ssyncadd.s32 $0xFFFFFFFF  }
0xab: {  	s26 =	simm.s32 $execute0_lowered;
	[smem:$0x3FD2] =	sst s25  }
0xac: {  	s5 =	sshll.u32 s26, $0x1;
	_ =	strace $0x80000046;
	[dreg:$0x1] =	wrdreg $0xFFFFFFFF  }
0xad: {  	s28 =	simm.s32 $_size_execute0_lowered;
	s3 =	sadd.s32 s3, s5;
	[dreg:$0x0] =	wrdreg $0x0  }
0xae: {  	s5 =	sshll.u32 s28, $0x1;
	[dreg:$0x2] =	wrdreg s3  }
0xaf: {  	[dreg:$0x3] =	wrdreg s5  }
0xb0: {  	[dreg:$0x4] =	wrdreg $0xC0  }
0xb1: {  	_ =	task [dreg:s7], $0x5FFFF  }
0xb2: {  	[dreg:$0x1] =	wrdreg $0xFFFFFFFF  }
0xb3: {  	[dreg:$0x0] =	wrdreg $0x60  }
0xb4: {  	[dreg:$0x2] =	wrdreg s16  }
0xb5: {  	[dreg:$0x3] =	wrdreg s24  }
0xb6: {  	[dreg:$0x4] =	wrdreg $0x0  }
0xb7: {  	[dreg:$0x5] =	wrdreg $0xA  }
0xb8: {  	_ =	task.clear_ibuf [dreg:s7], $0x6FFFF;
	_ =	strace $0x90000046  }
0xb9: {  	s29 =	simm.s32 $0xA;
	_ =	strace $0x80000048  }
0xba: {  	_ =	swait.ge [sflag:s29], $0x1  }
0xbb: {  	[sflag:s29] =	ssyncadd.s32 $0xFFFFFFFF  }
0xbc: {  	_ =	strace $0x90000048  }
0xbd: {  	_ =	sfence  }
0xbe: {  	s30 =	sld [smem:$0x0];
	_ =	sdelay $0x2  }
0xbf: {  	s31 =	sshll.u32 s1, $0xD;
	s1 =	sshrl.u32 s1, $0x2  }
0xc0: {  	s3 =	sand.u32 $0x4000, s31;
	s1 =	sadd.s32 s1, s30  }
0xc1: {  	s0 =	sor.u32 s3, s0;
	s1 =	sshll.u32 s1, $0x11  }
0xc2: {  	s0 =	sor.u32 s1, s0  }
0xc3: {  	s0 =	sadd.s32 $0x8F2B, s0  }
0xc4: {  	[sflag:s0] =	ssyncadd.remote.s32 $0x1  }
0xc5: {  	_ =	sfence.sel $0xFFFF  }
0xc6: {  	[dreg:$0x0] =	wrdreg $0xFFFFFFFF;
	(pc) =	sbr.abs _section_cstart, $3  }
0xc7: {  	[dreg:$0x1] =	wrdreg $0xFFFFFFFF  }
0xc8: {  	_ =	task.clear_ibuf [dreg:s7], $0x2FFFF;
	_ =	strace $0x9FFFFFFF  }
0xc9: {  	(tm) =	ssettm $0x7FFFFFFF  }
tec
execute0_lowered:
.L_overlay_start_1:
0x0: {  	(tag) =	ssettag $0x1  }
0x1: {  	s21 =	rddreg [dreg:$0x0]  }
0x2: {  	s4 =	rddreg [dreg:$0x1];
	s1 =	srdreg.scid  }
0x3: {  	s0 =	stileid.u32;
	s2 =	rddreg [dreg:$0x2]  }
0x4: {  	s3 =	simm.s32 $0x0;
	s24 =	simm.s32 $0x14000;
	s5 =	smul.u32 $0x280, s0  }
0x5: {  	s25 =	simm.s32 $0x50;
	s26 =	simm.s32 $0x0;
	s7 =	smul.u32 $0x50000, s0  }
0x6: {  	s14 =	sand.u32 $0x1, s1;
	s1 =	rddreg [dreg:$0x3];
	s22 =	smul.u32 $0x4E20, s0  }
0x7: {  	[smem:$0x7FF] =	sst s3;
	s6 =	smul.u32 $0x2800, s14;
	s30 =	ssub.s32 $0x2, s14  }
0x8: {  	_ =	strace $0x80000047;
	s23 =	smul.u32 $0x2710, s14;
	s31 =	sshrl.u32 s30, $0x1  }
0x9: {  	s7 =	sshrl.u32 s7, $0x2;
	s5 =	sadd.s32 s5, s6;
	s20 =	ssub.s32 s30, s31  }
0xa: {  	s22 =	sadd.s32 s23, s22;
	s23 =	simm.s32 $0x1;
	s5 =	sshll.u32 s5, $0x4  }
0xb: {  	s20 =	smax.u32 s20, $0x1;
	s22 =	sshrl.u32 s22, $0x3;
	s19 =	sadd.s32 s5, s4  }
0xc: {  	s4 =	sadd.s32 s7, s2;
	s21 =	sadd.s32 s22, s21;
	s22 =	simm.s32 $0x14080  }
0xd: {  	s5 =	sadd.s32 $0x2800, s4;
	s6 =	sadd.s32 $0x5000, s4;
	s7 =	sadd.s32 $0x7800, s4  }
0xe: {  	s8 =	sadd.s32 $0xA000, s4;
	s9 =	sadd.s32 $0xC800, s4;
	s10 =	sadd.s32 $0xF000, s4  }
0xf: {  	s11 =	sadd.s32 $0x11800, s4;
	s12 =	sadd.s32 $0x2000, s19;
	s13 =	sadd.s32 $0x2500, s19  }
0x10: {  	s14 =	sadd.s32 $0x2A00, s19;
	s15 =	sadd.s32 $0x2F00, s19;
	s16 =	sadd.s32 $0x3400, s19  }
0x11: {  	v0 =	vimm.f32 $0.0e+00;
	v1 =	vimm.f32 $1.000000000e+00;
	s17 =	sadd.s32 $0x3900, s19;
	s18 =	sadd.s32 $0x3E00, s19;
	s19 =	sadd.s32 $0x4300, s19  }
.LBB2_1:
0x12: {  	s28 =	simm.s32 $0x0;
	s29 =	simm.s32 $0x200  }
.LBB2_2:
0x13: {  	p0 =	sne.s32 s29, $0x9E00;
	[tilespmem:s28+$0x140F0] =	vst v0  }
0x14: {  	[tilespmem:s28+$0x14080] =	vst v0  }
0x15: {  	[tilespmem:s28+$0x14090] =	vst v0  }
.Ltmp0:
0x16: {  	[tilespmem:s28+$0x140A0] =	vst v0;
	(pc) =	sbr.rel @p0 .LBB2_2-.Ltmp0, $4  }
0x17: {  	[tilespmem:s28+$0x140B0] =	vst v0  }
0x18: {  	[tilespmem:s28+$0x140C0] =	vst v0  }
0x19: {  	[tilespmem:s28+$0x140D0] =	vst v0  }
0x1a: {  	[tilespmem:s28+$0x140E0] =	vst v0;
	s28 =	sshra.s32 s29, $0x2;
	s29 =	sadd.s32 $0x200, s29  }
0x1b: {  	[tilespmem:s28+$0x140F0] =	vst v0  }
0x1c: {  	[tilespmem:s28+$0x14080] =	vst v0  }
0x1d: {  	[tilespmem:s28+$0x14090] =	vst v0  }
0x1e: {  	[tilespmem:s28+$0x140A0] =	vst v0  }
0x1f: {  	[tilespmem:s28+$0x140B0] =	vst v0  }
0x20: {  	[tilespmem:s28+$0x140C0] =	vst v0  }
0x21: {  	[tilespmem:s28+$0x140D0] =	vst v0  }
0x22: {  	[tilespmem:s28+$0x140E0] =	vst v0  }
0x23: {  	[spmem:s4] =	stream.linear.scatter [tilespmem:s22], [sflag:$0x1], $0x2800, $0x38;
	[tilespmem:$0x16880] =	vst v63  }
0x24: {  	_ =	swait.ge [sflag:s23], $0x2800  }
0x25: {  	[sflag:s23] =	ssyncset.done $0x0  }
0x26: {  	[sflag:s23] =	ssyncadd.s32 $0xFFFFD800  }
0x27: {  	[spmem:s5] =	stream.linear.scatter [tilespmem:s22], [sflag:$0x1], $0x2800, $0x38;
	[tilespmem:$0x16880] =	vst v63  }
0x28: {  	_ =	swait.ge [sflag:s23], $0x2800  }
0x29: {  	[sflag:s23] =	ssyncset.done $0x0  }
0x2a: {  	[sflag:s23] =	ssyncadd.s32 $0xFFFFD800  }
0x2b: {  	[spmem:s6] =	stream.linear.scatter [tilespmem:s22], [sflag:$0x1], $0x2800, $0x38;
	[tilespmem:$0x16880] =	vst v63  }
0x2c: {  	_ =	swait.ge [sflag:s23], $0x2800  }
0x2d: {  	[sflag:s23] =	ssyncset.done $0x0  }
0x2e: {  	[sflag:s23] =	ssyncadd.s32 $0xFFFFD800  }
0x2f: {  	[spmem:s7] =	stream.linear.scatter [tilespmem:s22], [sflag:$0x1], $0x2800, $0x38;
	[tilespmem:$0x16880] =	vst v63  }
0x30: {  	_ =	swait.ge [sflag:s23], $0x2800  }
0x31: {  	[sflag:s23] =	ssyncset.done $0x0  }
0x32: {  	[sflag:s23] =	ssyncadd.s32 $0xFFFFD800  }
0x33: {  	[spmem:s8] =	stream.linear.scatter [tilespmem:s22], [sflag:$0x1], $0x2800, $0x38;
	[tilespmem:$0x16880] =	vst v63  }
0x34: {  	_ =	swait.ge [sflag:s23], $0x2800  }
0x35: {  	[sflag:s23] =	ssyncset.done $0x0  }
0x36: {  	[sflag:s23] =	ssyncadd.s32 $0xFFFFD800  }
0x37: {  	[spmem:s9] =	stream.linear.scatter [tilespmem:s22], [sflag:$0x1], $0x2800, $0x38;
	[tilespmem:$0x16880] =	vst v63  }
0x38: {  	_ =	swait.ge [sflag:s23], $0x2800  }
0x39: {  	[sflag:s23] =	ssyncset.done $0x0  }
0x3a: {  	[sflag:s23] =	ssyncadd.s32 $0xFFFFD800  }
0x3b: {  	[spmem:s10] =	stream.linear.scatter [tilespmem:s22], [sflag:$0x1], $0x2800, $0x38;
	[tilespmem:$0x16880] =	vst v63  }
0x3c: {  	_ =	swait.ge [sflag:s23], $0x2800  }
0x3d: {  	[sflag:s23] =	ssyncset.done $0x0  }
0x3e: {  	[sflag:s23] =	ssyncadd.s32 $0xFFFFD800  }
0x3f: {  	[spmem:s11] =	stream.linear.scatter [tilespmem:s22], [sflag:$0x1], $0x2800, $0x38;
	[tilespmem:$0x16880] =	vst v63  }
0x40: {  	_ =	swait.ge [sflag:s23], $0x2800  }
0x41: {  	[sflag:s23] =	ssyncset.done $0x0  }
0x42: {  	s28 =	simm.s32 $0x0;
	s29 =	simm.s32 $0x200;
	[sflag:s23] =	ssyncadd.s32 $0xFFFFD800  }
.LBB2_4:
0x43: {  	p0 =	sne.s32 s29, $0x9E00;
	[tilespmem:s28+$0x140F0] =	vst v1  }
0x44: {  	[tilespmem:s28+$0x14080] =	vst v1  }
0x45: {  	[tilespmem:s28+$0x14090] =	vst v1  }
.Ltmp1:
0x46: {  	[tilespmem:s28+$0x140A0] =	vst v1;
	(pc) =	sbr.rel @p0 .LBB2_4-.Ltmp1, $4  }
0x47: {  	[tilespmem:s28+$0x140B0] =	vst v1  }
0x48: {  	[tilespmem:s28+$0x140C0] =	vst v1  }
0x49: {  	[tilespmem:s28+$0x140D0] =	vst v1  }
0x4a: {  	[tilespmem:s28+$0x140E0] =	vst v1;
	s28 =	sshra.s32 s29, $0x2;
	s29 =	sadd.s32 $0x200, s29  }
0x4b: {  	[tilespmem:s28+$0x140F0] =	vst v1  }
0x4c: {  	[tilespmem:s28+$0x14080] =	vst v1  }
0x4d: {  	[tilespmem:s28+$0x14090] =	vst v1  }
0x4e: {  	[tilespmem:s28+$0x140A0] =	vst v1  }
0x4f: {  	[tilespmem:s28+$0x140B0] =	vst v1  }
0x50: {  	[tilespmem:s28+$0x140C0] =	vst v1  }
0x51: {  	[tilespmem:s28+$0x140D0] =	vst v1  }
0x52: {  	[tilespmem:s28+$0x140E0] =	vst v1  }
0x53: {  	s28 =	sadd.s32 $0x0, s21;
	[bflag:$0x0] =	sbarrier.arrive $0xFFFF  }
0x54: {  	[tilespmem:s24], [sflag:$0x1] =	stream.linear.gather [hbm4b:s28+s3], $0x50, $0x38;
	[tilespmem:$0x16880] =	vst v63  }
0x55: {  	_ =	swait.ge [sflag:s23], $0x50  }
0x56: {  	[sflag:s23] =	ssyncset.done $0x0  }
0x57: {  	[sflag:s23] =	ssyncadd.s32 $0xFFFFFFB0  }
0x58: {  	[spmem:s2] =	stream.indirect.scatter.add.f32 [tilespmem:s22], [sflag:$0x1], $0x80, s24, s25, $0xb8;
	[tilespmem:$0x16880] =	vst v63  }
0x59: {  	_ =	swait.ge [sflag:s23], $0x2800  }
0x5a: {  	s29 =	simm.s32 $0x14;
	s28 =	simm.s32 $0xA;
	[sflag:s23] =	ssyncset.done $0x0  }
.LBB2_6:
0x5b: {  	s30 =	sadd.s32 s28, s21  }
0x5c: {  	[sflag:s23] =	ssyncadd.s32 $0xFFFFD800;
	s28 =	smov.u32 s29;
	s31 =	sadd.s32 $0xA, s29  }
0x5d: {  	[tilespmem:s24], [sflag:$0x1] =	stream.linear.gather [hbm4b:s30+s3], $0x50, $0x38;
	[tilespmem:$0x16880] =	vst v63  }
0x5e: {  	p0 =	sne.s32 s29, $0x4D8;
	_ =	swait.ge [sflag:s23], $0x50  }
.Ltmp2:
0x5f: {  	[sflag:s23] =	ssyncset.done $0x0;
	(pc) =	sbr.rel @p0 .LBB2_6-.Ltmp2, $4  }
0x60: {  	[sflag:s23] =	ssyncadd.s32 $0xFFFFFFB0  }
0x61: {  	[spmem:s2] =	stream.indirect.scatter.add.f32 [tilespmem:s22], [sflag:$0x1], $0x80, s24, s25, $0xb8;
	[tilespmem:$0x16880] =	vst v63  }
0x62: {  	_ =	swait.ge [sflag:s23], $0x2800  }
0x63: {  	s29 =	smov.u32 s31;
	[sflag:s23] =	ssyncset.done $0x0  }
0x64: {  	s28 =	sadd.s32 s28, s21;
	[sflag:s23] =	ssyncadd.s32 $0xFFFFD800  }
0x65: {  	[tilespmem:s24], [sflag:$0x1] =	stream.linear.gather [hbm4b:s28+s3], $0x50, $0x38;
	[tilespmem:$0x16880] =	vst v63  }
0x66: {  	_ =	swait.ge [sflag:s23], $0x50  }
0x67: {  	[sflag:s23] =	ssyncset.done $0x0  }
0x68: {  	[sflag:s23] =	ssyncadd.s32 $0xFFFFFFB0  }
0x69: {  	[spmem:s2] =	stream.indirect.scatter.add.f32 [tilespmem:s22], [sflag:$0x1], $0x80, s24, s25, $0xb8;
	[tilespmem:$0x16880] =	vst v63  }
0x6a: {  	_ =	swait.ge [sflag:s23], $0x2800  }
0x6b: {  	[sflag:s23] =	ssyncset.done $0x0  }
0x6c: {  	[sflag:s23] =	ssyncadd.s32 $0xFFFFD800  }
0x6d: {  	[bflag:$0x0] =	sbarrier.arrive $0xFFFF  }
0x6e: {  	[tilespmem:s22], [sflag:$0x1] =	stream.linear.gather [spmem:s4], $0x2800, $0x38;
	[tilespmem:$0x16880] =	vst v63  }
0x6f: {  	_ =	swait.ge [sflag:s23], $0x2800  }
0x70: {  	[sflag:s23] =	ssyncset.done $0x0  }
0x71: {  	[sflag:s23] =	ssyncadd.s32 $0xFFFFD800  }
0x72: {  	[hbm4b:s12+s3] =	stream.linear.scatter [tilespmem:s22], [sflag:$0x1], $0x2800, $0x38;
	[tilespmem:$0x16880] =	vst v63  }
0x73: {  	_ =	swait.ge [sflag:s23], $0x2800  }
0x74: {  	[sflag:s23] =	ssyncset.done $0x0  }
0x75: {  	[sflag:s23] =	ssyncadd.s32 $0xFFFFD800  }
0x76: {  	[tilespmem:s22], [sflag:$0x1] =	stream.linear.gather [spmem:s5], $0x2800, $0x38;
	[tilespmem:$0x16880] =	vst v63  }
0x77: {  	_ =	swait.ge [sflag:s23], $0x2800  }
0x78: {  	[sflag:s23] =	ssyncset.done $0x0  }
0x79: {  	[sflag:s23] =	ssyncadd.s32 $0xFFFFD800  }
0x7a: {  	[hbm4b:s13+s3] =	stream.linear.scatter [tilespmem:s22], [sflag:$0x1], $0x2800, $0x38;
	[tilespmem:$0x16880] =	vst v63  }
0x7b: {  	_ =	swait.ge [sflag:s23], $0x2800  }
0x7c: {  	[sflag:s23] =	ssyncset.done $0x0  }
0x7d: {  	[sflag:s23] =	ssyncadd.s32 $0xFFFFD800  }
0x7e: {  	[tilespmem:s22], [sflag:$0x1] =	stream.linear.gather [spmem:s6], $0x2800, $0x38;
	[tilespmem:$0x16880] =	vst v63  }
0x7f: {  	_ =	swait.ge [sflag:s23], $0x2800  }
0x80: {  	[sflag:s23] =	ssyncset.done $0x0  }
0x81: {  	[sflag:s23] =	ssyncadd.s32 $0xFFFFD800  }
0x82: {  	[hbm4b:s14+s3] =	stream.linear.scatter [tilespmem:s22], [sflag:$0x1], $0x2800, $0x38;
	[tilespmem:$0x16880] =	vst v63  }
0x83: {  	_ =	swait.ge [sflag:s23], $0x2800  }
0x84: {  	[sflag:s23] =	ssyncset.done $0x0  }
0x85: {  	[sflag:s23] =	ssyncadd.s32 $0xFFFFD800  }
0x86: {  	[tilespmem:s22], [sflag:$0x1] =	stream.linear.gather [spmem:s7], $0x2800, $0x38;
	[tilespmem:$0x16880] =	vst v63  }
0x87: {  	_ =	swait.ge [sflag:s23], $0x2800  }
0x88: {  	[sflag:s23] =	ssyncset.done $0x0  }
0x89: {  	[sflag:s23] =	ssyncadd.s32 $0xFFFFD800  }
0x8a: {  	[hbm4b:s15+s3] =	stream.linear.scatter [tilespmem:s22], [sflag:$0x1], $0x2800, $0x38;
	[tilespmem:$0x16880] =	vst v63  }
0x8b: {  	_ =	swait.ge [sflag:s23], $0x2800  }
0x8c: {  	[sflag:s23] =	ssyncset.done $0x0  }
0x8d: {  	[sflag:s23] =	ssyncadd.s32 $0xFFFFD800  }
0x8e: {  	[tilespmem:s22], [sflag:$0x1] =	stream.linear.gather [spmem:s8], $0x2800, $0x38;
	[tilespmem:$0x16880] =	vst v63  }
0x8f: {  	_ =	swait.ge [sflag:s23], $0x2800  }
0x90: {  	[sflag:s23] =	ssyncset.done $0x0  }
0x91: {  	[sflag:s23] =	ssyncadd.s32 $0xFFFFD800  }
0x92: {  	[hbm4b:s16+s3] =	stream.linear.scatter [tilespmem:s22], [sflag:$0x1], $0x2800, $0x38;
	[tilespmem:$0x16880] =	vst v63  }
0x93: {  	_ =	swait.ge [sflag:s23], $0x2800  }
0x94: {  	[sflag:s23] =	ssyncset.done $0x0  }
0x95: {  	[sflag:s23] =	ssyncadd.s32 $0xFFFFD800  }
0x96: {  	[tilespmem:s22], [sflag:$0x1] =	stream.linear.gather [spmem:s9], $0x2800, $0x38;
	[tilespmem:$0x16880] =	vst v63  }
0x97: {  	_ =	swait.ge [sflag:s23], $0x2800  }
0x98: {  	[sflag:s23] =	ssyncset.done $0x0  }
0x99: {  	[sflag:s23] =	ssyncadd.s32 $0xFFFFD800  }
0x9a: {  	[hbm4b:s17+s3] =	stream.linear.scatter [tilespmem:s22], [sflag:$0x1], $0x2800, $0x38;
	[tilespmem:$0x16880] =	vst v63  }
0x9b: {  	_ =	swait.ge [sflag:s23], $0x2800  }
0x9c: {  	[sflag:s23] =	ssyncset.done $0x0  }
0x9d: {  	[sflag:s23] =	ssyncadd.s32 $0xFFFFD800  }
0x9e: {  	[tilespmem:s22], [sflag:$0x1] =	stream.linear.gather [spmem:s10], $0x2800, $0x38;
	[tilespmem:$0x16880] =	vst v63  }
0x9f: {  	_ =	swait.ge [sflag:s23], $0x2800  }
0xa0: {  	[sflag:s23] =	ssyncset.done $0x0  }
0xa1: {  	[sflag:s23] =	ssyncadd.s32 $0xFFFFD800  }
0xa2: {  	[hbm4b:s18+s3] =	stream.linear.scatter [tilespmem:s22], [sflag:$0x1], $0x2800, $0x38;
	[tilespmem:$0x16880] =	vst v63  }
0xa3: {  	_ =	swait.ge [sflag:s23], $0x2800  }
0xa4: {  	[sflag:s23] =	ssyncset.done $0x0  }
0xa5: {  	[sflag:s23] =	ssyncadd.s32 $0xFFFFD800  }
0xa6: {  	[tilespmem:s22], [sflag:$0x1] =	stream.linear.gather [spmem:s11], $0x2800, $0x38;
	[tilespmem:$0x16880] =	vst v63  }
0xa7: {  	s26 =	sadd.s32 $0x1, s26;
	_ =	swait.ge [sflag:s23], $0x2800  }
0xa8: {  	p0 =	sne.s32 s26, s20;
	[sflag:s23] =	ssyncset.done $0x0  }
.Ltmp3:
0xa9: {  	[sflag:s23] =	ssyncadd.s32 $0xFFFFD800;
	(pc) =	sbr.rel @p0 .LBB2_1-.Ltmp3, $4  }
0xaa: {  	[hbm4b:s19+s3] =	stream.linear.scatter [tilespmem:s22], [sflag:$0x1], $0x2800, $0x38;
	[tilespmem:$0x16880] =	vst v63  }
0xab: {  	_ =	swait.ge [sflag:s23], $0x2800  }
0xac: {  	[sflag:s23] =	ssyncset.done $0x0  }
0xad: {  	[sflag:s23] =	ssyncadd.s32 $0xFFFFD800  }
0xae: {  	_ =	sfence.sel $0x180000  }
0xaf: {  	[bflag:$0x0] =	sbarrier.arrive $0xFFFF  }
0xb0: {  	p0 =	sne.s32 s0, $0x0;
	_ =	strace $0x90000047  }
0xb1: {  	s0 =	sadd.s32 @!p0 $0x100000, s1;
	[bflag:$0x2] =	sbarrier.arrive $0xFFFF  }
0xb2: {  	[sflag:s0] =	ssyncadd.tile.s32 @!p0 $0x1;
	_ =	shalt  }
.Lfunc_end2:
_tile_overlayer_lowered:
.L_overlay_start_2:
0xb3: {  	(tag) =	ssettag $0x2  }
0xb4: {  	s0 =	rddreg [dreg:$0x0];
	s2 =	stileid.u32  }
0xb5: {  	s1 =	rddreg [dreg:$0x1];
	p0 =	sne.s32 s2, $0x0  }
0xb6: {  	s3 =	rddreg [dreg:$0x2];
	[bflag:$0x3] =	sbarrier.arrive $0xFFFF;
	s2 =	simm.s32 @!p0 $0x1C01  }
0xb7: {  	[timem:s3], [sflag:s2] =	dma.local @!p0 [hbm:s0], s1  }
0xb8: {  	s0 =	simm.s32 @!p0 $0x1  }
0xb9: {  	_ =	swait.ge @!p0 [sflag:s0], s1  }
0xba: {  	s1 =	ssub.s32 @!p0 $0x0, s1;
	[sflag:s0] =	ssyncset.done @!p0 $0x0  }
0xbb: {  	[sflag:s0] =	ssyncadd.s32 @!p0 s1  }
0xbc: {  	[bflag:$0x3] =	sbarrier.arrive $0xFFFF  }
0xbd: {  	_ =	shalt  }

// kernel: kernel.13.cloned.1.call-start
scs
__scs_entry_jumppad:
0x0: {  	(pc) =	sbr.rel $0x88, $3  }
0x1: {  	(tag) =	ssettag $0x0;
	lr =	simm.s32 $0x1  }
0x2: {  	[smem:$0x3F9B] =	sst lr;
	_ =	strace $0xD0000000  }
0x3: {  	_ = 	snop  }
0x4: {  	_ = 	snop  }
0x5: {  	_ = 	snop  }
0x6: {  	_ = 	snop  }
0x7: {  	_ = 	snop  }
__scs_overlays_trampoline_lowered:
0x8: {  	[smem:$0x3FAA] =	sst s0  }
0x9: {  	[smem:$0x3FAB] =	sst s1  }
0xa: {  	[smem:$0x3FAC] =	sst s2  }
0xb: {  	[smem:$0x3FAD] =	sst s3  }
0xc: {  	[smem:$0x3FAE] =	sst s4  }
0xd: {  	[smem:$0x3FAF] =	sst s5  }
0xe: {  	[smem:$0x3FB0] =	sst s6  }
0xf: {  	[smem:$0x3FB1] =	sst s7  }
0x10: {  	[smem:$0x3FB2] =	sst s8  }
0x11: {  	[smem:$0x3FB3] =	sst s9;
	s0 =	simm.s32 @!p0 $0x0  }
0x12: {  	s1 =	sld [smem:$0x3F99];
	s0 =	simm.s32 @p0 $0x1  }
0x13: {  	[smem:$0x3FB4] =	sst s0;
	s0 =	simm.s32 @!p1 $0x0  }
0x14: {  	s2 =	sld [smem:$0x3F98];
	s0 =	simm.s32 @p1 $0x1  }
0x15: {  	[smem:$0x3FB5] =	sst s0;
	s0 =	simm.s32 @!p2 $0x0  }
0x16: {  	s3 =	sld [smem:$0x3FDB];
	s0 =	simm.s32 @p2 $0x1  }
0x17: {  	s4 =	simm.s32 $0x1BF5;
	[smem:$0x3FB7] =	sst s0  }
0x18: {  	s0 =	sld [smem:$0x3F9A];
	_ =	swait.ge [sflag:s4], $0x0  }
0x19: {  	s7 =	sld [smem:$0x3F9B]  }
0x1a: {  	s8 =	sadd.s32 $0xFFFFE003, lr  }
0x1b: {  	s9 =	sadd.s32 $0xFFFFFEF7, lr;
	s5 =	simm.s32 $0xFFFFFFFF;
	p2 =	slt.u32 s8, $0xFFFFF086  }
0x1c: {  	p1 =	slt.u32 s9, $0xF7A;
	s5 =	simm.s32 @!p2 $0x0  }
0x1d: {  	s5 =	simm.s32 @p1 $0x1;
	p0 =	seq.s32 s7, s2  }
0x1e: {  	s7 =	smul.u32 @!p0 $0xF7A, s2;
	p2 =	seq.s32 @!p0 s5, $0x0  }
0x1f: {  	s9 =	smul.u32 $0xF7A, s1;
	s8 =	simm.s32 @!p0 $0x1BF5;
	p2 =	por !p2, p0  }
0x20: {  	[sflag:s8] =	ssyncset.s32 @!p0 $0xFFFFF086;
	s6 =	sadd.s32 @!p0 s3, s7;
	s7 =	simm.s32 @!p0 $0x108  }
0x21: {  	s3 =	sadd.s32 s3, s9;
	s6 =	sadd.s32 @!p0 $0x88, s6;
	s7 =	simm.s32 @p2 $0x1082  }
0x22: {  	[simem:s7], [sflag:s8] =	dma.local @!p0 [hbm:s6], $0xF7A  }
0x23: {  	s9 =	sor.u32 $0xD0000000, s2;
	s6 =	simm.s32 $0x108;
	_ =	swait.ge @!p0 [sflag:s8], $0x0  }
0x24: {  	s3 =	sadd.s32 $0x88, s3;
	s6 =	simm.s32 @!p1 $0x1082;
	[sflag:s4] =	ssyncset.s32 $0xFFFFF086  }
0x25: {  	[simem:s6], [sflag:s4] =	dma.local [hbm:s3], $0xF7A  }
0x26: {  	[smem:$0x3F9B] =	sst s1;
	(tag) =	ssettag s2;
	_ =	strace s9  }
0x27: {  	s1 =	sld [smem:$0x3FAB]  }
0x28: {  	s2 =	sld [smem:$0x3FAC]  }
0x29: {  	s4 =	sld [smem:$0x3FAE]  }
0x2a: {  	p0 =	seq.s32 s5, $0x0;
	s5 =	sld [smem:$0x3FAF]  }
0x2b: {  	s6 =	sld [smem:$0x3FB0]  }
0x2c: {  	s7 =	sld [smem:$0x3FB1]  }
0x2d: {  	s3 =	simm.s32 $0x108;
	s8 =	sld [smem:$0x3FB2]  }
0x2e: {  	s3 =	simm.s32 @!p0 $0x1082;
	s9 =	sld [smem:$0x3FB3]  }
0x2f: {  	lr =	sadd.s32 s0, s3;
	s0 =	sld [smem:$0x3FAA]  }
0x30: {  	s3 =	sld [smem:$0x3FAD]  }
0x31: {  	[smem:$0x3FB6] =	sst s10  }
0x32: {  	s10 =	sld [smem:$0x3FB4];
	_ =	sdelay $0x3  }
0x33: {  	p0 =	seq.s32 s10, $0x1;
	s10 =	sld [smem:$0x3FB6];
	_ =	sdelay $0x3  }
0x34: {  	[smem:$0x3FB6] =	sst s10  }
0x35: {  	s10 =	sld [smem:$0x3FB5];
	_ =	sdelay $0x3  }
0x36: {  	p1 =	seq.s32 s10, $0x1;
	s10 =	sld [smem:$0x3FB6];
	_ =	sdelay $0x3  }
0x37: {  	[smem:$0x3FB6] =	sst s10  }
0x38: {  	s10 =	sld [smem:$0x3FB7]  }
0x39: {  	_ = 	snop;
	(pc) =	sbr.ind lr, $3  }
0x3a: {  	_ = 	snop  }
0x3b: {  	_ = 	snop  }
0x3c: {  	p2 =	seq.s32 s10, $0x1;
	s10 =	sld [smem:$0x3FB6]  }
0x3d: {  	_ =	shalt  }
0x3e: {  	_ =	shalt  }
0x3f: {  	_ =	shalt  }
0x40: {  	_ =	shalt  }
0x41: {  	_ =	shalt  }
0x42: {  	_ =	shalt  }
0x43: {  	_ =	shalt  }
0x44: {  	_ =	shalt  }
0x45: {  	_ =	shalt  }
0x46: {  	_ =	shalt  }
0x47: {  	_ =	shalt  }
0x48: {  	_ =	shalt  }
0x49: {  	_ =	shalt  }
0x4a: {  	_ =	shalt  }
0x4b: {  	_ =	shalt  }
0x4c: {  	_ =	shalt  }
0x4d: {  	_ =	shalt  }
0x4e: {  	_ =	shalt  }
0x4f: {  	_ =	shalt  }
0x50: {  	_ =	shalt  }
0x51: {  	_ =	shalt  }
0x52: {  	_ =	shalt  }
0x53: {  	_ =	shalt  }
0x54: {  	_ =	shalt  }
0x55: {  	_ =	shalt  }
0x56: {  	_ =	shalt  }
0x57: {  	_ =	shalt  }
0x58: {  	_ =	shalt  }
0x59: {  	_ =	shalt  }
0x5a: {  	_ =	shalt  }
0x5b: {  	_ =	shalt  }
0x5c: {  	_ =	shalt  }
0x5d: {  	_ =	shalt  }
0x5e: {  	_ =	shalt  }
0x5f: {  	_ =	shalt  }
0x60: {  	_ =	shalt  }
0x61: {  	_ =	shalt  }
0x62: {  	_ =	shalt  }
0x63: {  	_ =	shalt  }
0x64: {  	_ =	shalt  }
0x65: {  	_ =	shalt  }
0x66: {  	_ =	shalt  }
0x67: {  	_ =	shalt  }
0x68: {  	_ =	shalt  }
0x69: {  	_ =	shalt  }
0x6a: {  	_ =	shalt  }
0x6b: {  	_ =	shalt  }
0x6c: {  	_ =	shalt  }
0x6d: {  	_ =	shalt  }
0x6e: {  	_ =	shalt  }
0x6f: {  	_ =	shalt  }
0x70: {  	_ =	shalt  }
0x71: {  	_ =	shalt  }
0x72: {  	_ =	shalt  }
0x73: {  	_ =	shalt  }
0x74: {  	_ =	shalt  }
0x75: {  	_ =	shalt  }
0x76: {  	_ =	shalt  }
0x77: {  	_ =	shalt  }
0x78: {  	_ =	shalt  }
0x79: {  	_ =	shalt  }
0x7a: {  	_ =	shalt  }
0x7b: {  	_ =	shalt  }
0x7c: {  	_ =	shalt  }
0x7d: {  	_ =	shalt  }
0x7e: {  	_ =	shalt  }
0x7f: {  	_ =	shalt  }
0x80: {  	_ =	shalt  }
0x81: {  	_ =	shalt  }
0x82: {  	_ =	shalt  }
0x83: {  	_ =	shalt  }
0x84: {  	_ =	shalt  }
0x85: {  	_ =	shalt  }
0x86: {  	_ =	shalt  }
0x87: {  	_ =	shalt  }
.Lfunc_end0:
.L_simem_size_0:
called_computation.2_lowered:
.L_overlay_start_0:
0x88: {  	s2 =	sld [smem:$0x3FD9]  }
0x89: {  	s3 =	sld [smem:$0x3FFE];
	_ =	sdelay $0x1  }
0x8a: {  	s1 =	srdreg.scid  }
0x8b: {  	s0 =	sand.u32 $0x1, s1  }
0x8c: {  	s14 =	sshll.u32 s0, $0xA;
	s2 =	sadd.s32 s3, s2  }
0x8d: {  	s2 =	sadd.s32 s2, s14  }
0x8e: {  	[smem:$0x3FC2] =	sst s2  }
0x8f: {  	_ = 	snop  }
0x90: {  	s2 =	sld [smem:$0x3FD0];
	_ =	sdelay $0x2  }
0x91: {  	s15 =	simm.s32 $0xB;
	s4 =	simm.s32 $0x10  }
0x92: {  	[smem:s4], [sflag:s15] =	dma.local [hbm:s2], $0x1  }
0x93: {  	_ =	swait.eq [sflag:s15], $0x1  }
0x94: {  	s16 =	sld [smem:$0x10];
	[sflag:s15] =	ssyncset.done $0x0  }
0x95: {  	s17 =	sld [smem:$0x11];
	[sflag:s15] =	ssyncadd.s32 $0xFFFFFFFF  }
0x96: {  	s18 =	sld [smem:$0x12];
	(tm) =	ssettm $0x1  }
0x97: {  	s5 =	sld [smem:$0x3FFB];
	_ =	sdelay $0x3  }
0x98: {  	_ =	strace s5  }
0x99: {  	s5 =	sld [smem:$0x3FFC];
	_ =	sdelay $0x3  }
0x9a: {  	_ =	strace s5  }
0x9b: {  	s5 =	sld [smem:$0x3FFD];
	_ =	sdelay $0x3  }
0x9c: {  	_ =	strace s5  }
0x9d: {  	_ =	strace $0x8FFFFFFF  }
0x9e: {  	s19 =	sld [smem:$0x3FDB];
	_ =	sdelay $0x1  }
0x9f: {  	s6 =	simm.s32 $_scs_section_size  }
0xa0: {  	s7 =	simm.s32 $_size__tile_overlayer_lowered;
	s8 =	simm.s32 $_tile_overlayer_lowered  }
0xa1: {  	s22 =	simm.s32 $0x1BFF;
	s21 =	sshll.u32 s8, $0x1;
	s5 =	sadd.s32 s6, s19  }
0xa2: {  	s9 =	simm.s32 $0x0;
	s20 =	sshll.u32 s7, $0x1;
	s7 =	sadd.s32 s21, s5  }
0xa3: {  	[timem:s9], [sflag:s22] =	dma.local [hbm:s7], s20  }
0xa4: {  	_ =	swait.ge [sflag:s22], s20  }
0xa5: {  	s6 =	ssub.s32 $0x0, s20;
	[sflag:s22] =	ssyncset.done $0x0  }
0xa6: {  	[sflag:s22] =	ssyncadd.s32 s6;
	_ =	sdelay $0x1  }
0xa7: {  	s23 =	simm.s32 $0x1B8B  }
0xa8: {  	_ =	swait.ge [sflag:s23], $0x1  }
0xa9: {  	[sflag:s23] =	ssyncset.done $0x0  }
0xaa: {  	s25 =	simm.s32 $0x1B8E;
	s24 =	sld [smem:$0x3FFE];
	[sflag:s23] =	ssyncadd.s32 $0xFFFFFFFF  }
0xab: {  	s26 =	simm.s32 $execute0_lowered;
	[smem:$0x3FD2] =	sst s25  }
0xac: {  	s7 =	sshll.u32 s26, $0x1;
	_ =	strace $0x8000004C;
	[dreg:$0x1] =	wrdreg $0xFFFFFFFF  }
0xad: {  	s28 =	simm.s32 $_size_execute0_lowered;
	s5 =	sadd.s32 s5, s7;
	[dreg:$0x0] =	wrdreg $0x0  }
0xae: {  	s7 =	sshll.u32 s28, $0x1;
	[dreg:$0x2] =	wrdreg s5  }
0xaf: {  	[dreg:$0x3] =	wrdreg s7  }
0xb0: {  	[dreg:$0x4] =	wrdreg $0xC0  }
0xb1: {  	_ =	task [dreg:s9], $0x5FFFF  }
0xb2: {  	[dreg:$0x1] =	wrdreg $0xFFFFFFFF  }
0xb3: {  	[dreg:$0x0] =	wrdreg $0x60  }
0xb4: {  	[dreg:$0x2] =	wrdreg s17  }
0xb5: {  	[dreg:$0x3] =	wrdreg s16  }
0xb6: {  	[dreg:$0x4] =	wrdreg s18  }
0xb7: {  	[dreg:$0x5] =	wrdreg s24  }
0xb8: {  	[dreg:$0x6] =	wrdreg $0x0  }
0xb9: {  	[dreg:$0x7] =	wrdreg $0x9  }
0xba: {  	_ =	task.clear_ibuf [dreg:s9], $0x8FFFF;
	_ =	strace $0x9000004C  }
0xbb: {  	s29 =	simm.s32 $0x9;
	_ =	strace $0x8000004E  }
0xbc: {  	_ =	swait.ge [sflag:s29], $0x1  }
0xbd: {  	[sflag:s29] =	ssyncadd.s32 $0xFFFFFFFF  }
0xbe: {  	_ =	strace $0x9000004E  }
0xbf: {  	_ =	sfence  }
0xc0: {  	s30 =	sld [smem:$0x0];
	_ =	sdelay $0x2  }
0xc1: {  	s31 =	sshll.u32 s1, $0xD;
	s1 =	sshrl.u32 s1, $0x2  }
0xc2: {  	s3 =	sand.u32 $0x4000, s31;
	s1 =	sadd.s32 s1, s30  }
0xc3: {  	s0 =	sor.u32 s3, s0;
	s1 =	sshll.u32 s1, $0x11  }
0xc4: {  	s0 =	sor.u32 s1, s0  }
0xc5: {  	s0 =	sadd.s32 $0x8F2B, s0  }
0xc6: {  	[sflag:s0] =	ssyncadd.remote.s32 $0x1  }
0xc7: {  	_ =	sfence.sel $0xFFFF  }
0xc8: {  	[dreg:$0x0] =	wrdreg $0xFFFFFFFF;
	(pc) =	sbr.abs _section_cstart, $3  }
0xc9: {  	[dreg:$0x1] =	wrdreg $0xFFFFFFFF  }
0xca: {  	_ =	task.clear_ibuf [dreg:s9], $0x2FFFF;
	_ =	strace $0x9FFFFFFF  }
0xcb: {  	(tm) =	ssettm $0x7FFFFFFF  }
tec
execute0_lowered:
.L_overlay_start_1:
0x0: {  	(tag) =	ssettag $0x1  }
0x1: {  	s1 =	rddreg [dreg:$0x0]  }
0x2: {  	s0 =	rddreg [dreg:$0x1]  }
0x3: {  	s2 =	rddreg [dreg:$0x2];
	s3 =	srdreg.scid  }
0x4: {  	s15 =	stileid.u32;
	s6 =	rddreg [dreg:$0x3]  }
0x5: {  	s4 =	simm.s32 $0x0;
	s29 =	simm.s32 $0x14100;
	s5 =	smul.u32 $0x280, s15  }
0x6: {  	s30 =	simm.s32 $0x2;
	s11 =	sand.u32 $0x1, s3;
	s13 =	smul.u32 $0x50000, s15  }
0x7: {  	s3 =	rddreg [dreg:$0x4];
	s14 =	sshll.u32 s15, $0x1;
	s15 =	smul.u32 $0x4E20, s15  }
0x8: {  	s31 =	simm.s32 $0x14000;
	[smem:$0x7FF] =	sst s4;
	s7 =	smul.u32 $0x2800, s11  }
0x9: {  	_ =	strace $0x8000004D;
	s9 =	ssub.s32 $0x2, s11;
	s10 =	sor.u32 s11, s14  }
0xa: {  	s11 =	smul.u32 $0x2710, s11;
	s16 =	sshrl.u32 s13, $0x2;
	s17 =	sshrl.u32 s9, $0x1  }
0xb: {  	s10 =	smul.u32 $0x2710, s10;
	s5 =	sadd.s32 s5, s7;
	s13 =	ssub.s32 s9, s17  }
0xc: {  	s11 =	sadd.s32 s11, s15;
	s15 =	simm.s32 $0x0;
	s8 =	sshll.u32 s5, $0x4  }
0xd: {  	s5 =	sadd.s32 s16, s3;
	s10 =	sshrl.u32 s10, $0x3;
	s23 =	sshrl.u32 s11, $0x3  }
0xe: {  	s11 =	sadd.s32 $0x50, s11;
	s12 =	sadd.s32 s8, s6;
	s14 =	sadd.s32 $0x4D8, s10  }
0xf: {  	s6 =	sadd.s32 $0x2800, s5;
	s7 =	sadd.s32 $0x5000, s5;
	s16 =	sadd.s32 s0, s14  }
0x10: {  	s8 =	sadd.s32 $0x7800, s5;
	s14 =	sadd.s32 s2, s14;
	[dreg:$0x6] =	wrdreg s16  }
0x11: {  	s9 =	sadd.s32 $0xA000, s5;
	s18 =	sadd.s32 $0x52000, s12;
	[dreg:$0x7] =	wrdreg s14  }
0x12: {  	s10 =	sadd.s32 $0xC800, s5;
	s19 =	sadd.s32 $0x52500, s12;
	[dreg:$0x8] =	wrdreg s18  }
0x13: {  	s11 =	sshrl.u32 s11, $0x3;
	s20 =	sadd.s32 $0x52A00, s12;
	[dreg:$0x9] =	wrdreg s19  }
0x14: {  	s28 =	sadd.s32 $0x11800, s5;
	s21 =	sadd.s32 $0x52F00, s12;
	[dreg:$0xa] =	wrdreg s20  }
0x15: {  	s22 =	sadd.s32 $0x53400, s12;
	s24 =	sadd.s32 $0x53900, s12;
	[dreg:$0xb] =	wrdreg s21  }
0x16: {  	s25 =	sadd.s32 $0x53E00, s12;
	s26 =	sadd.s32 $0x54300, s12;
	[dreg:$0xc] =	wrdreg s22  }
0x17: {  	s12 =	simm.s32 $0x16980;
	[dreg:$0xd] =	wrdreg s24;
	s19 =	sadd.s32 s23, s2  }
0x18: {  	s20 =	sadd.s32 s23, s0;
	s21 =	sadd.s32 s11, s2;
	[dreg:$0xe] =	wrdreg s25  }
0x19: {  	s22 =	sadd.s32 s11, s0;
	[dreg:$0xf] =	wrdreg s26;
	s25 =	smax.u32 s13, $0x1  }
0x1a: {  	s26 =	sadd.s32 $0xF000, s5;
	s2 =	simm.s32 $0x14080;
	s0 =	simm.s32 $0x50  }
0x1b: {  	v0 =	vimm.f32 $0.0e+00;
	s11 =	simm.s32 $0x16900;
	s13 =	simm.s32 $0x1;
	s14 =	simm.s32 $0x16A00  }
.LBB2_1:
0x1c: {  	s16 =	simm.s32 $0x0;
	s17 =	simm.s32 $0x200  }
.LBB2_2:
0x1d: {  	p0 =	sne.s32 s17, $0x9E00;
	[tilespmem:s16+$0x14170] =	vst v0  }
0x1e: {  	[tilespmem:s16+$0x14100] =	vst v0  }
0x1f: {  	[tilespmem:s16+$0x14110] =	vst v0  }
.Ltmp0:
0x20: {  	[tilespmem:s16+$0x14120] =	vst v0;
	(pc) =	sbr.rel @p0 .LBB2_2-.Ltmp0, $4  }
0x21: {  	[tilespmem:s16+$0x14130] =	vst v0  }
0x22: {  	[tilespmem:s16+$0x14140] =	vst v0  }
0x23: {  	[tilespmem:s16+$0x14150] =	vst v0  }
0x24: {  	[tilespmem:s16+$0x14160] =	vst v0;
	s16 =	sshra.s32 s17, $0x2;
	s17 =	sadd.s32 $0x200, s17  }
0x25: {  	[tilespmem:s16+$0x14170] =	vst v0  }
0x26: {  	[tilespmem:s16+$0x14100] =	vst v0  }
0x27: {  	[tilespmem:s16+$0x14110] =	vst v0  }
0x28: {  	[tilespmem:s16+$0x14120] =	vst v0  }
0x29: {  	[tilespmem:s16+$0x14130] =	vst v0  }
0x2a: {  	[tilespmem:s16+$0x14140] =	vst v0  }
0x2b: {  	[tilespmem:s16+$0x14150] =	vst v0  }
0x2c: {  	[tilespmem:s16+$0x14160] =	vst v0  }
0x2d: {  	[spmem:s5] =	stream.linear.scatter [tilespmem:s29], [sflag:$0x2], $0x2800, $0x38;
	[tilespmem:$0x19200] =	vst v63  }
0x2e: {  	_ =	swait.ge [sflag:s30], $0x2800  }
0x2f: {  	[sflag:s30] =	ssyncset.done $0x0  }
0x30: {  	[sflag:s30] =	ssyncadd.s32 $0xFFFFD800  }
0x31: {  	[spmem:s6] =	stream.linear.scatter [tilespmem:s29], [sflag:$0x2], $0x2800, $0x38;
	[tilespmem:$0x19200] =	vst v63  }
0x32: {  	_ =	swait.ge [sflag:s30], $0x2800  }
0x33: {  	[sflag:s30] =	ssyncset.done $0x0  }
0x34: {  	[sflag:s30] =	ssyncadd.s32 $0xFFFFD800  }
0x35: {  	[spmem:s7] =	stream.linear.scatter [tilespmem:s29], [sflag:$0x2], $0x2800, $0x38;
	[tilespmem:$0x19200] =	vst v63  }
0x36: {  	_ =	swait.ge [sflag:s30], $0x2800  }
0x37: {  	[sflag:s30] =	ssyncset.done $0x0  }
0x38: {  	[sflag:s30] =	ssyncadd.s32 $0xFFFFD800  }
0x39: {  	[spmem:s8] =	stream.linear.scatter [tilespmem:s29], [sflag:$0x2], $0x2800, $0x38;
	[tilespmem:$0x19200] =	vst v63  }
0x3a: {  	_ =	swait.ge [sflag:s30], $0x2800  }
0x3b: {  	[sflag:s30] =	ssyncset.done $0x0  }
0x3c: {  	[sflag:s30] =	ssyncadd.s32 $0xFFFFD800  }
0x3d: {  	[spmem:s9] =	stream.linear.scatter [tilespmem:s29], [sflag:$0x2], $0x2800, $0x38;
	[tilespmem:$0x19200] =	vst v63  }
0x3e: {  	_ =	swait.ge [sflag:s30], $0x2800  }
0x3f: {  	[sflag:s30] =	ssyncset.done $0x0  }
0x40: {  	[sflag:s30] =	ssyncadd.s32 $0xFFFFD800  }
0x41: {  	[spmem:s10] =	stream.linear.scatter [tilespmem:s29], [sflag:$0x2], $0x2800, $0x38;
	[tilespmem:$0x19200] =	vst v63  }
0x42: {  	_ =	swait.ge [sflag:s30], $0x2800  }
0x43: {  	[sflag:s30] =	ssyncset.done $0x0  }
0x44: {  	[sflag:s30] =	ssyncadd.s32 $0xFFFFD800  }
0x45: {  	[spmem:s26] =	stream.linear.scatter [tilespmem:s29], [sflag:$0x2], $0x2800, $0x38;
	[tilespmem:$0x19200] =	vst v63  }
0x46: {  	_ =	swait.ge [sflag:s30], $0x2800  }
0x47: {  	[sflag:s30] =	ssyncset.done $0x0  }
0x48: {  	[sflag:s30] =	ssyncadd.s32 $0xFFFFD800  }
0x49: {  	[spmem:s28] =	stream.linear.scatter [tilespmem:s29], [sflag:$0x2], $0x2800, $0x38;
	[tilespmem:$0x19200] =	vst v63  }
0x4a: {  	_ =	swait.ge [sflag:s30], $0x2800  }
0x4b: {  	[sflag:s30] =	ssyncset.done $0x0  }
0x4c: {  	[sflag:s30] =	ssyncadd.s32 $0xFFFFD800  }
0x4d: {  	s17 =	sadd.s32 $0x0, s20;
	[bflag:$0x0] =	sbarrier.arrive $0xFFFF  }
0x4e: {  	[tilespmem:s31], [sflag:$0x2] =	stream.linear.gather [hbm4b:s17+s4], $0x50, $0x38;
	[tilespmem:$0x19200] =	vst v63  }
0x4f: {  	_ =	swait.ge [sflag:s30], $0x50  }
0x50: {  	[sflag:s30] =	ssyncset.done $0x0  }
0x51: {  	s18 =	sadd.s32 $0x0, s19;
	[sflag:s30] =	ssyncadd.s32 $0xFFFFFFB0  }
0x52: {  	[tilespmem:s2], [sflag:$0x2] =	stream.linear.gather [hbm4b:s18+s4], $0x50, $0x38;
	[tilespmem:$0x19200] =	vst v63  }
0x53: {  	_ =	swait.ge [sflag:s30], $0x50  }
0x54: {  	[sflag:s30] =	ssyncset.done $0x0  }
0x55: {  	[sflag:s30] =	ssyncadd.s32 $0xFFFFFFB0  }
0x56: {  	[tilespmem:s29], [sflag:$0x1] =	stream.indirect.gather [hbm4b:s1+s0], $0x80, s31, s0, $0xb8;
	[tilespmem:$0x19200] =	vst v63  }
0x57: {  	s23 =	sadd.s32 $0x0, s22  }
0x58: {  	[tilespmem:s11], [sflag:$0x2] =	stream.linear.gather [hbm4b:s23+s4], $0x50, $0x38;
	[tilespmem:$0x19200] =	vst v63  }
0x59: {  	_ =	swait.ge [sflag:s30], $0x50  }
0x5a: {  	[sflag:s30] =	ssyncset.done $0x0  }
0x5b: {  	s24 =	sadd.s32 $0x0, s21;
	[sflag:s30] =	ssyncadd.s32 $0xFFFFFFB0  }
0x5c: {  	[tilespmem:s12], [sflag:$0x2] =	stream.linear.gather [hbm4b:s24+s4], $0x50, $0x38;
	[tilespmem:$0x19200] =	vst v63  }
0x5d: {  	_ =	swait.ge [sflag:s30], $0x50  }
0x5e: {  	[sflag:s30] =	ssyncset.done $0x0  }
0x5f: {  	[sflag:s30] =	ssyncadd.s32 $0xFFFFFFB0  }
0x60: {  	_ =	swait.ge [sflag:s13], $0x2800  }
0x61: {  	[sflag:s13] =	ssyncset.done $0x0  }
0x62: {  	[sflag:s13] =	ssyncadd.s32 $0xFFFFD800  }
0x63: {  	[tilespmem:s14], [sflag:$0x1] =	stream.indirect.gather [hbm4b:s1+s0], $0x80, s11, s0, $0xb8;
	[tilespmem:$0x19200] =	vst v63  }
0x64: {  	_ = 	snop  }
0x65: {  	[spmem:s3] =	stream.indirect.scatter.add.f32 [tilespmem:s29], [sflag:$0x2], $0x80, s2, s0, $0xb8;
	[tilespmem:$0x19200] =	vst v63  }
0x66: {  	_ =	swait.ge [sflag:s30], $0x2800  }
0x67: {  	[sflag:s30] =	ssyncset.done $0x0  }
0x68: {  	[sflag:s30] =	ssyncadd.s32 $0xFFFFD800  }
0x69: {  	_ =	swait.ge [sflag:s13], $0x2800  }
0x6a: {  	[sflag:s13] =	ssyncset.done $0x0  }
0x6b: {  	[sflag:s13] =	ssyncadd.s32 $0xFFFFD800  }
0x6c: {  	[spmem:s3] =	stream.indirect.scatter.add.f32 [tilespmem:s14], [sflag:$0x2], $0x80, s12, s0, $0xb8;
	[tilespmem:$0x19200] =	vst v63  }
0x6d: {  	_ =	swait.ge [sflag:s30], $0x2800  }
0x6e: {  	s16 =	simm.s32 $0x14;
	s17 =	simm.s32 $0x28;
	[sflag:s30] =	ssyncset.done $0x0  }
.LBB2_4:
0x6f: {  	s23 =	sadd.s32 s16, s20  }
0x70: {  	[sflag:s30] =	ssyncadd.s32 $0xFFFFD800;
	s24 =	smov.u32 s17;
	s18 =	sadd.s32 $0x14, s17  }
0x71: {  	[tilespmem:s31], [sflag:$0x2] =	stream.linear.gather [hbm4b:s23+s4], $0x50, $0x38;
	[tilespmem:$0x19200] =	vst v63  }
0x72: {  	p0 =	sne.s32 s17, $0x4C4;
	_ =	swait.ge [sflag:s30], $0x50  }
0x73: {  	[sflag:s30] =	ssyncset.done $0x0  }
0x74: {  	s17 =	sadd.s32 s16, s19;
	[sflag:s30] =	ssyncadd.s32 $0xFFFFFFB0  }
0x75: {  	[tilespmem:s2], [sflag:$0x2] =	stream.linear.gather [hbm4b:s17+s4], $0x50, $0x38;
	[tilespmem:$0x19200] =	vst v63  }
0x76: {  	_ =	swait.ge [sflag:s30], $0x50  }
0x77: {  	[sflag:s30] =	ssyncset.done $0x0  }
0x78: {  	[sflag:s30] =	ssyncadd.s32 $0xFFFFFFB0  }
0x79: {  	[tilespmem:s29], [sflag:$0x1] =	stream.indirect.gather [hbm4b:s1+s0], $0x80, s31, s0, $0xb8;
	[tilespmem:$0x19200] =	vst v63  }
0x7a: {  	s17 =	sadd.s32 s16, s22  }
0x7b: {  	[tilespmem:s11], [sflag:$0x2] =	stream.linear.gather [hbm4b:s17+s4], $0x50, $0x38;
	[tilespmem:$0x19200] =	vst v63  }
0x7c: {  	_ =	swait.ge [sflag:s30], $0x50  }
0x7d: {  	[sflag:s30] =	ssyncset.done $0x0  }
0x7e: {  	s17 =	sadd.s32 s16, s21;
	s16 =	smov.u32 s24;
	[sflag:s30] =	ssyncadd.s32 $0xFFFFFFB0  }
0x7f: {  	[tilespmem:s12], [sflag:$0x2] =	stream.linear.gather [hbm4b:s17+s4], $0x50, $0x38;
	[tilespmem:$0x19200] =	vst v63  }
0x80: {  	_ =	swait.ge [sflag:s30], $0x50  }
0x81: {  	[sflag:s30] =	ssyncset.done $0x0  }
0x82: {  	[sflag:s30] =	ssyncadd.s32 $0xFFFFFFB0  }
0x83: {  	_ =	swait.ge [sflag:s13], $0x2800  }
0x84: {  	[sflag:s13] =	ssyncset.done $0x0  }
0x85: {  	[sflag:s13] =	ssyncadd.s32 $0xFFFFD800  }
0x86: {  	[tilespmem:s14], [sflag:$0x1] =	stream.indirect.gather [hbm4b:s1+s0], $0x80, s11, s0, $0xb8;
	[tilespmem:$0x19200] =	vst v63  }
0x87: {  	_ = 	snop  }
0x88: {  	[spmem:s3] =	stream.indirect.scatter.add.f32 [tilespmem:s29], [sflag:$0x2], $0x80, s2, s0, $0xb8;
	[tilespmem:$0x19200] =	vst v63  }
0x89: {  	_ =	swait.ge [sflag:s30], $0x2800  }
0x8a: {  	[sflag:s30] =	ssyncset.done $0x0  }
0x8b: {  	[sflag:s30] =	ssyncadd.s32 $0xFFFFD800  }
0x8c: {  	_ =	swait.ge [sflag:s13], $0x2800  }
.Ltmp1:
0x8d: {  	[sflag:s13] =	ssyncset.done $0x0;
	(pc) =	sbr.rel @p0 .LBB2_4-.Ltmp1, $4  }
0x8e: {  	[sflag:s13] =	ssyncadd.s32 $0xFFFFD800  }
0x8f: {  	[spmem:s3] =	stream.indirect.scatter.add.f32 [tilespmem:s14], [sflag:$0x2], $0x80, s12, s0, $0xb8;
	[tilespmem:$0x19200] =	vst v63  }
0x90: {  	_ =	swait.ge [sflag:s30], $0x2800  }
0x91: {  	s17 =	smov.u32 s18;
	[sflag:s30] =	ssyncset.done $0x0  }
0x92: {  	s17 =	sadd.s32 s16, s20;
	[sflag:s30] =	ssyncadd.s32 $0xFFFFD800  }
0x93: {  	[tilespmem:s31], [sflag:$0x2] =	stream.linear.gather [hbm4b:s17+s4], $0x50, $0x38;
	[tilespmem:$0x19200] =	vst v63  }
0x94: {  	_ =	swait.ge [sflag:s30], $0x50  }
0x95: {  	[sflag:s30] =	ssyncset.done $0x0  }
0x96: {  	s23 =	sadd.s32 s16, s19;
	[sflag:s30] =	ssyncadd.s32 $0xFFFFFFB0  }
0x97: {  	[tilespmem:s2], [sflag:$0x2] =	stream.linear.gather [hbm4b:s23+s4], $0x50, $0x38;
	[tilespmem:$0x19200] =	vst v63  }
0x98: {  	_ =	swait.ge [sflag:s30], $0x50  }
0x99: {  	[sflag:s30] =	ssyncset.done $0x0  }
0x9a: {  	[sflag:s30] =	ssyncadd.s32 $0xFFFFFFB0  }
0x9b: {  	[tilespmem:s29], [sflag:$0x1] =	stream.indirect.gather [hbm4b:s1+s0], $0x80, s31, s0, $0xb8;
	[tilespmem:$0x19200] =	vst v63  }
0x9c: {  	s24 =	sadd.s32 s16, s22  }
0x9d: {  	[tilespmem:s11], [sflag:$0x2] =	stream.linear.gather [hbm4b:s24+s4], $0x50, $0x38;
	[tilespmem:$0x19200] =	vst v63  }
0x9e: {  	_ =	swait.ge [sflag:s30], $0x50  }
0x9f: {  	[sflag:s30] =	ssyncset.done $0x0  }
0xa0: {  	s18 =	sadd.s32 s16, s21;
	[sflag:s30] =	ssyncadd.s32 $0xFFFFFFB0  }
0xa1: {  	[tilespmem:s12], [sflag:$0x2] =	stream.linear.gather [hbm4b:s18+s4], $0x50, $0x38;
	[tilespmem:$0x19200] =	vst v63  }
0xa2: {  	_ =	swait.ge [sflag:s30], $0x50  }
0xa3: {  	[sflag:s30] =	ssyncset.done $0x0  }
0xa4: {  	[sflag:s30] =	ssyncadd.s32 $0xFFFFFFB0  }
0xa5: {  	_ =	swait.ge [sflag:s13], $0x2800  }
0xa6: {  	[sflag:s13] =	ssyncset.done $0x0  }
0xa7: {  	[sflag:s13] =	ssyncadd.s32 $0xFFFFD800  }
0xa8: {  	[tilespmem:s14], [sflag:$0x1] =	stream.indirect.gather [hbm4b:s1+s0], $0x80, s11, s0, $0xb8;
	[tilespmem:$0x19200] =	vst v63  }
0xa9: {  	_ = 	snop  }
0xaa: {  	[spmem:s3] =	stream.indirect.scatter.add.f32 [tilespmem:s29], [sflag:$0x2], $0x80, s2, s0, $0xb8;
	[tilespmem:$0x19200] =	vst v63  }
0xab: {  	_ =	swait.ge [sflag:s30], $0x2800  }
0xac: {  	[sflag:s30] =	ssyncset.done $0x0  }
0xad: {  	[sflag:s30] =	ssyncadd.s32 $0xFFFFD800  }
0xae: {  	_ =	swait.ge [sflag:s13], $0x2800  }
0xaf: {  	[sflag:s13] =	ssyncset.done $0x0  }
0xb0: {  	[sflag:s13] =	ssyncadd.s32 $0xFFFFD800  }
0xb1: {  	[spmem:s3] =	stream.indirect.scatter.add.f32 [tilespmem:s14], [sflag:$0x2], $0x80, s12, s0, $0xb8;
	[tilespmem:$0x19200] =	vst v63  }
0xb2: {  	_ =	swait.ge [sflag:s30], $0x2800  }
0xb3: {  	[sflag:s30] =	ssyncset.done $0x0  }
0xb4: {  	s23 =	rddreg [dreg:$0x6];
	[sflag:s30] =	ssyncadd.s32 $0xFFFFD800  }
0xb5: {  	[tilespmem:s31], [sflag:$0x2] =	stream.linear.gather [hbm4b:s23+s4], $0x50, $0x38;
	[tilespmem:$0x19200] =	vst v63  }
0xb6: {  	_ =	swait.ge [sflag:s30], $0x50  }
0xb7: {  	[sflag:s30] =	ssyncset.done $0x0  }
0xb8: {  	s24 =	rddreg [dreg:$0x7];
	[sflag:s30] =	ssyncadd.s32 $0xFFFFFFB0  }
0xb9: {  	[tilespmem:s2], [sflag:$0x2] =	stream.linear.gather [hbm4b:s24+s4], $0x50, $0x38;
	[tilespmem:$0x19200] =	vst v63  }
0xba: {  	_ =	swait.ge [sflag:s30], $0x50  }
0xbb: {  	[sflag:s30] =	ssyncset.done $0x0  }
0xbc: {  	[sflag:s30] =	ssyncadd.s32 $0xFFFFFFB0  }
0xbd: {  	[tilespmem:s29], [sflag:$0x1] =	stream.indirect.gather [hbm4b:s1+s0], $0x80, s31, s0, $0xb8;
	[tilespmem:$0x19200] =	vst v63  }
0xbe: {  	_ =	swait.ge [sflag:s13], $0x2800  }
0xbf: {  	[sflag:s13] =	ssyncset.done $0x0  }
0xc0: {  	[sflag:s13] =	ssyncadd.s32 $0xFFFFD800  }
0xc1: {  	[spmem:s3] =	stream.indirect.scatter.add.f32 [tilespmem:s29], [sflag:$0x2], $0x80, s2, s0, $0xb8;
	[tilespmem:$0x19200] =	vst v63  }
0xc2: {  	_ =	swait.ge [sflag:s30], $0x2800  }
0xc3: {  	[sflag:s30] =	ssyncset.done $0x0  }
0xc4: {  	[sflag:s30] =	ssyncadd.s32 $0xFFFFD800  }
0xc5: {  	[bflag:$0x0] =	sbarrier.arrive $0xFFFF  }
0xc6: {  	[tilespmem:s29], [sflag:$0x2] =	stream.linear.gather [spmem:s5], $0x2800, $0x38;
	[tilespmem:$0x19200] =	vst v63  }
0xc7: {  	_ =	swait.ge [sflag:s30], $0x2800  }
0xc8: {  	[sflag:s30] =	ssyncset.done $0x0  }
0xc9: {  	s17 =	rddreg [dreg:$0x8];
	[sflag:s30] =	ssyncadd.s32 $0xFFFFD800  }
0xca: {  	[hbm4b:s17+s4] =	stream.linear.scatter [tilespmem:s29], [sflag:$0x2], $0x2800, $0x38;
	[tilespmem:$0x19200] =	vst v63  }
0xcb: {  	_ =	swait.ge [sflag:s30], $0x2800  }
0xcc: {  	[sflag:s30] =	ssyncset.done $0x0  }
0xcd: {  	[sflag:s30] =	ssyncadd.s32 $0xFFFFD800  }
0xce: {  	[tilespmem:s29], [sflag:$0x2] =	stream.linear.gather [spmem:s6], $0x2800, $0x38;
	[tilespmem:$0x19200] =	vst v63  }
0xcf: {  	_ =	swait.ge [sflag:s30], $0x2800  }
0xd0: {  	[sflag:s30] =	ssyncset.done $0x0  }
0xd1: {  	s18 =	rddreg [dreg:$0x9];
	[sflag:s30] =	ssyncadd.s32 $0xFFFFD800  }
0xd2: {  	[hbm4b:s18+s4] =	stream.linear.scatter [tilespmem:s29], [sflag:$0x2], $0x2800, $0x38;
	[tilespmem:$0x19200] =	vst v63  }
0xd3: {  	_ =	swait.ge [sflag:s30], $0x2800  }
0xd4: {  	[sflag:s30] =	ssyncset.done $0x0  }
0xd5: {  	[sflag:s30] =	ssyncadd.s32 $0xFFFFD800  }
0xd6: {  	[tilespmem:s29], [sflag:$0x2] =	stream.linear.gather [spmem:s7], $0x2800, $0x38;
	[tilespmem:$0x19200] =	vst v63  }
0xd7: {  	_ =	swait.ge [sflag:s30], $0x2800  }
0xd8: {  	[sflag:s30] =	ssyncset.done $0x0  }
0xd9: {  	s23 =	rddreg [dreg:$0xa];
	[sflag:s30] =	ssyncadd.s32 $0xFFFFD800  }
0xda: {  	[hbm4b:s23+s4] =	stream.linear.scatter [tilespmem:s29], [sflag:$0x2], $0x2800, $0x38;
	[tilespmem:$0x19200] =	vst v63  }
0xdb: {  	_ =	swait.ge [sflag:s30], $0x2800  }
0xdc: {  	[sflag:s30] =	ssyncset.done $0x0  }
0xdd: {  	[sflag:s30] =	ssyncadd.s32 $0xFFFFD800  }
0xde: {  	[tilespmem:s29], [sflag:$0x2] =	stream.linear.gather [spmem:s8], $0x2800, $0x38;
	[tilespmem:$0x19200] =	vst v63  }
0xdf: {  	_ =	swait.ge [sflag:s30], $0x2800  }
0xe0: {  	[sflag:s30] =	ssyncset.done $0x0  }
0xe1: {  	s24 =	rddreg [dreg:$0xb];
	[sflag:s30] =	ssyncadd.s32 $0xFFFFD800  }
0xe2: {  	[hbm4b:s24+s4] =	stream.linear.scatter [tilespmem:s29], [sflag:$0x2], $0x2800, $0x38;
	[tilespmem:$0x19200] =	vst v63  }
0xe3: {  	_ =	swait.ge [sflag:s30], $0x2800  }
0xe4: {  	[sflag:s30] =	ssyncset.done $0x0  }
0xe5: {  	[sflag:s30] =	ssyncadd.s32 $0xFFFFD800  }
0xe6: {  	[tilespmem:s29], [sflag:$0x2] =	stream.linear.gather [spmem:s9], $0x2800, $0x38;
	[tilespmem:$0x19200] =	vst v63  }
0xe7: {  	_ =	swait.ge [sflag:s30], $0x2800  }
0xe8: {  	[sflag:s30] =	ssyncset.done $0x0  }
0xe9: {  	s17 =	rddreg [dreg:$0xc];
	[sflag:s30] =	ssyncadd.s32 $0xFFFFD800  }
0xea: {  	[hbm4b:s17+s4] =	stream.linear.scatter [tilespmem:s29], [sflag:$0x2], $0x2800, $0x38;
	[tilespmem:$0x19200] =	vst v63  }
0xeb: {  	_ =	swait.ge [sflag:s30], $0x2800  }
0xec: {  	[sflag:s30] =	ssyncset.done $0x0  }
0xed: {  	[sflag:s30] =	ssyncadd.s32 $0xFFFFD800  }
0xee: {  	[tilespmem:s29], [sflag:$0x2] =	stream.linear.gather [spmem:s10], $0x2800, $0x38;
	[tilespmem:$0x19200] =	vst v63  }
0xef: {  	_ =	swait.ge [sflag:s30], $0x2800  }
0xf0: {  	[sflag:s30] =	ssyncset.done $0x0  }
0xf1: {  	s18 =	rddreg [dreg:$0xd];
	[sflag:s30] =	ssyncadd.s32 $0xFFFFD800  }
0xf2: {  	[hbm4b:s18+s4] =	stream.linear.scatter [tilespmem:s29], [sflag:$0x2], $0x2800, $0x38;
	[tilespmem:$0x19200] =	vst v63  }
0xf3: {  	_ =	swait.ge [sflag:s30], $0x2800  }
0xf4: {  	[sflag:s30] =	ssyncset.done $0x0  }
0xf5: {  	[sflag:s30] =	ssyncadd.s32 $0xFFFFD800  }
0xf6: {  	[tilespmem:s29], [sflag:$0x2] =	stream.linear.gather [spmem:s26], $0x2800, $0x38;
	[tilespmem:$0x19200] =	vst v63  }
0xf7: {  	_ =	swait.ge [sflag:s30], $0x2800  }
0xf8: {  	[sflag:s30] =	ssyncset.done $0x0  }
0xf9: {  	s23 =	rddreg [dreg:$0xe];
	[sflag:s30] =	ssyncadd.s32 $0xFFFFD800  }
0xfa: {  	[hbm4b:s23+s4] =	stream.linear.scatter [tilespmem:s29], [sflag:$0x2], $0x2800, $0x38;
	[tilespmem:$0x19200] =	vst v63  }
0xfb: {  	_ =	swait.ge [sflag:s30], $0x2800  }
0xfc: {  	[sflag:s30] =	ssyncset.done $0x0  }
0xfd: {  	[sflag:s30] =	ssyncadd.s32 $0xFFFFD800  }
0xfe: {  	[tilespmem:s29], [sflag:$0x2] =	stream.linear.gather [spmem:s28], $0x2800, $0x38;
	[tilespmem:$0x19200] =	vst v63  }
0xff: {  	s15 =	sadd.s32 $0x1, s15;
	_ =	swait.ge [sflag:s30], $0x2800  }
0x100: {  	p0 =	sne.s32 s15, s25;
	[sflag:s30] =	ssyncset.done $0x0  }
.Ltmp2:
0x101: {  	s24 =	rddreg [dreg:$0xf];
	[sflag:s30] =	ssyncadd.s32 $0xFFFFD800;
	(pc) =	sbr.rel @p0 .LBB2_1-.Ltmp2, $4  }
0x102: {  	[hbm4b:s24+s4] =	stream.linear.scatter [tilespmem:s29], [sflag:$0x2], $0x2800, $0x38;
	[tilespmem:$0x19200] =	vst v63  }
0x103: {  	_ =	swait.ge [sflag:s30], $0x2800  }
0x104: {  	[sflag:s30] =	ssyncset.done $0x0  }
0x105: {  	[sflag:s30] =	ssyncadd.s32 $0xFFFFD800  }
0x106: {  	_ =	sfence.sel $0x180000  }
0x107: {  	[bflag:$0x0] =	sbarrier.arrive $0xFFFF  }
0x108: {  	_ =	strace $0x9000004D  }
0x109: {  	s0 =	stileid.u32;
	[bflag:$0x2] =	sbarrier.arrive $0xFFFF  }
0x10a: {  	p0 =	sne.s32 s0, $0x0;
	s0 =	rddreg [dreg:$0x5]  }
0x10b: {  	s0 =	sadd.s32 @!p0 $0x100000, s0  }
0x10c: {  	[sflag:s0] =	ssyncadd.tile.s32 @!p0 $0x1;
	_ =	shalt  }
.Lfunc_end2:
_tile_overlayer_lowered:
.L_overlay_start_2:
0x10d: {  	(tag) =	ssettag $0x2  }
0x10e: {  	s0 =	rddreg [dreg:$0x0];
	s2 =	stileid.u32  }
0x10f: {  	s1 =	rddreg [dreg:$0x1];
	p0 =	sne.s32 s2, $0x0  }
0x110: {  	s3 =	rddreg [dreg:$0x2];
	[bflag:$0x3] =	sbarrier.arrive $0xFFFF;
	s2 =	simm.s32 @!p0 $0x1C02  }
0x111: {  	[timem:s3], [sflag:s2] =	dma.local @!p0 [hbm:s0], s1  }
0x112: {  	s0 =	simm.s32 @!p0 $0x2  }
0x113: {  	_ =	swait.ge @!p0 [sflag:s0], s1  }
0x114: {  	s1 =	ssub.s32 @!p0 $0x0, s1;
	[sflag:s0] =	ssyncset.done @!p0 $0x0  }
0x115: {  	[sflag:s0] =	ssyncadd.s32 @!p0 s1  }
0x116: {  	[bflag:$0x3] =	sbarrier.arrive $0xFFFF  }
0x117: {  	_ =	shalt  }

// kernel: kernel.7.cloned.1.call-start
scs
__scs_entry_jumppad:
0x0: {  	(pc) =	sbr.rel $0x88, $3  }
0x1: {  	(tag) =	ssettag $0x0;
	lr =	simm.s32 $0x1  }
0x2: {  	[smem:$0x3F9B] =	sst lr;
	_ =	strace $0xD0000000  }
0x3: {  	_ = 	snop  }
0x4: {  	_ = 	snop  }
0x5: {  	_ = 	snop  }
0x6: {  	_ = 	snop  }
0x7: {  	_ = 	snop  }
__scs_overlays_trampoline_lowered:
0x8: {  	[smem:$0x3FAA] =	sst s0  }
0x9: {  	[smem:$0x3FAB] =	sst s1  }
0xa: {  	[smem:$0x3FAC] =	sst s2  }
0xb: {  	[smem:$0x3FAD] =	sst s3  }
0xc: {  	[smem:$0x3FAE] =	sst s4  }
0xd: {  	[smem:$0x3FAF] =	sst s5  }
0xe: {  	[smem:$0x3FB0] =	sst s6  }
0xf: {  	[smem:$0x3FB1] =	sst s7  }
0x10: {  	[smem:$0x3FB2] =	sst s8  }
0x11: {  	[smem:$0x3FB3] =	sst s9;
	s0 =	simm.s32 @!p0 $0x0  }
0x12: {  	s1 =	sld [smem:$0x3F99];
	s0 =	simm.s32 @p0 $0x1  }
0x13: {  	[smem:$0x3FB4] =	sst s0;
	s0 =	simm.s32 @!p1 $0x0  }
0x14: {  	s2 =	sld [smem:$0x3F98];
	s0 =	simm.s32 @p1 $0x1  }
0x15: {  	[smem:$0x3FB5] =	sst s0;
	s0 =	simm.s32 @!p2 $0x0  }
0x16: {  	s3 =	sld [smem:$0x3FDB];
	s0 =	simm.s32 @p2 $0x1  }
0x17: {  	s4 =	simm.s32 $0x1BF5;
	[smem:$0x3FB7] =	sst s0  }
0x18: {  	s0 =	sld [smem:$0x3F9A];
	_ =	swait.ge [sflag:s4], $0x0  }
0x19: {  	s7 =	sld [smem:$0x3F9B]  }
0x1a: {  	s8 =	sadd.s32 $0xFFFFE003, lr  }
0x1b: {  	s9 =	sadd.s32 $0xFFFFFEF7, lr;
	s5 =	simm.s32 $0xFFFFFFFF;
	p2 =	slt.u32 s8, $0xFFFFF086  }
0x1c: {  	p1 =	slt.u32 s9, $0xF7A;
	s5 =	simm.s32 @!p2 $0x0  }
0x1d: {  	s5 =	simm.s32 @p1 $0x1;
	p0 =	seq.s32 s7, s2  }
0x1e: {  	s7 =	smul.u32 @!p0 $0xF7A, s2;
	p2 =	seq.s32 @!p0 s5, $0x0  }
0x1f: {  	s9 =	smul.u32 $0xF7A, s1;
	s8 =	simm.s32 @!p0 $0x1BF5;
	p2 =	por !p2, p0  }
0x20: {  	[sflag:s8] =	ssyncset.s32 @!p0 $0xFFFFF086;
	s6 =	sadd.s32 @!p0 s3, s7;
	s7 =	simm.s32 @!p0 $0x108  }
0x21: {  	s3 =	sadd.s32 s3, s9;
	s6 =	sadd.s32 @!p0 $0x88, s6;
	s7 =	simm.s32 @p2 $0x1082  }
0x22: {  	[simem:s7], [sflag:s8] =	dma.local @!p0 [hbm:s6], $0xF7A  }
0x23: {  	s9 =	sor.u32 $0xD0000000, s2;
	s6 =	simm.s32 $0x108;
	_ =	swait.ge @!p0 [sflag:s8], $0x0  }
0x24: {  	s3 =	sadd.s32 $0x88, s3;
	s6 =	simm.s32 @!p1 $0x1082;
	[sflag:s4] =	ssyncset.s32 $0xFFFFF086  }
0x25: {  	[simem:s6], [sflag:s4] =	dma.local [hbm:s3], $0xF7A  }
0x26: {  	[smem:$0x3F9B] =	sst s1;
	(tag) =	ssettag s2;
	_ =	strace s9  }
0x27: {  	s1 =	sld [smem:$0x3FAB]  }
0x28: {  	s2 =	sld [smem:$0x3FAC]  }
0x29: {  	s4 =	sld [smem:$0x3FAE]  }
0x2a: {  	p0 =	seq.s32 s5, $0x0;
	s5 =	sld [smem:$0x3FAF]  }
0x2b: {  	s6 =	sld [smem:$0x3FB0]  }
0x2c: {  	s7 =	sld [smem:$0x3FB1]  }
0x2d: {  	s3 =	simm.s32 $0x108;
	s8 =	sld [smem:$0x3FB2]  }
0x2e: {  	s3 =	simm.s32 @!p0 $0x1082;
	s9 =	sld [smem:$0x3FB3]  }
0x2f: {  	lr =	sadd.s32 s0, s3;
	s0 =	sld [smem:$0x3FAA]  }
0x30: {  	s3 =	sld [smem:$0x3FAD]  }
0x31: {  	[smem:$0x3FB6] =	sst s10  }
0x32: {  	s10 =	sld [smem:$0x3FB4];
	_ =	sdelay $0x3  }
0x33: {  	p0 =	seq.s32 s10, $0x1;
	s10 =	sld [smem:$0x3FB6];
	_ =	sdelay $0x3  }
0x34: {  	[smem:$0x3FB6] =	sst s10  }
0x35: {  	s10 =	sld [smem:$0x3FB5];
	_ =	sdelay $0x3  }
0x36: {  	p1 =	seq.s32 s10, $0x1;
	s10 =	sld [smem:$0x3FB6];
	_ =	sdelay $0x3  }
0x37: {  	[smem:$0x3FB6] =	sst s10  }
0x38: {  	s10 =	sld [smem:$0x3FB7]  }
0x39: {  	_ = 	snop;
	(pc) =	sbr.ind lr, $3  }
0x3a: {  	_ = 	snop  }
0x3b: {  	_ = 	snop  }
0x3c: {  	p2 =	seq.s32 s10, $0x1;
	s10 =	sld [smem:$0x3FB6]  }
0x3d: {  	_ =	shalt  }
0x3e: {  	_ =	shalt  }
0x3f: {  	_ =	shalt  }
0x40: {  	_ =	shalt  }
0x41: {  	_ =	shalt  }
0x42: {  	_ =	shalt  }
0x43: {  	_ =	shalt  }
0x44: {  	_ =	shalt  }
0x45: {  	_ =	shalt  }
0x46: {  	_ =	shalt  }
0x47: {  	_ =	shalt  }
0x48: {  	_ =	shalt  }
0x49: {  	_ =	shalt  }
0x4a: {  	_ =	shalt  }
0x4b: {  	_ =	shalt  }
0x4c: {  	_ =	shalt  }
0x4d: {  	_ =	shalt  }
0x4e: {  	_ =	shalt  }
0x4f: {  	_ =	shalt  }
0x50: {  	_ =	shalt  }
0x51: {  	_ =	shalt  }
0x52: {  	_ =	shalt  }
0x53: {  	_ =	shalt  }
0x54: {  	_ =	shalt  }
0x55: {  	_ =	shalt  }
0x56: {  	_ =	shalt  }
0x57: {  	_ =	shalt  }
0x58: {  	_ =	shalt  }
0x59: {  	_ =	shalt  }
0x5a: {  	_ =	shalt  }
0x5b: {  	_ =	shalt  }
0x5c: {  	_ =	shalt  }
0x5d: {  	_ =	shalt  }
0x5e: {  	_ =	shalt  }
0x5f: {  	_ =	shalt  }
0x60: {  	_ =	shalt  }
0x61: {  	_ =	shalt  }
0x62: {  	_ =	shalt  }
0x63: {  	_ =	shalt  }
0x64: {  	_ =	shalt  }
0x65: {  	_ =	shalt  }
0x66: {  	_ =	shalt  }
0x67: {  	_ =	shalt  }
0x68: {  	_ =	shalt  }
0x69: {  	_ =	shalt  }
0x6a: {  	_ =	shalt  }
0x6b: {  	_ =	shalt  }
0x6c: {  	_ =	shalt  }
0x6d: {  	_ =	shalt  }
0x6e: {  	_ =	shalt  }
0x6f: {  	_ =	shalt  }
0x70: {  	_ =	shalt  }
0x71: {  	_ =	shalt  }
0x72: {  	_ =	shalt  }
0x73: {  	_ =	shalt  }
0x74: {  	_ =	shalt  }
0x75: {  	_ =	shalt  }
0x76: {  	_ =	shalt  }
0x77: {  	_ =	shalt  }
0x78: {  	_ =	shalt  }
0x79: {  	_ =	shalt  }
0x7a: {  	_ =	shalt  }
0x7b: {  	_ =	shalt  }
0x7c: {  	_ =	shalt  }
0x7d: {  	_ =	shalt  }
0x7e: {  	_ =	shalt  }
0x7f: {  	_ =	shalt  }
0x80: {  	_ =	shalt  }
0x81: {  	_ =	shalt  }
0x82: {  	_ =	shalt  }
0x83: {  	_ =	shalt  }
0x84: {  	_ =	shalt  }
0x85: {  	_ =	shalt  }
0x86: {  	_ =	shalt  }
0x87: {  	_ =	shalt  }
.Lfunc_end0:
.L_simem_size_0:
called_computation_lowered:
.L_overlay_start_0:
0x88: {  	s2 =	sld [smem:$0x3FD9]  }
0x89: {  	s3 =	sld [smem:$0x3FFE];
	_ =	sdelay $0x1  }
0x8a: {  	s1 =	srdreg.scid  }
0x8b: {  	s0 =	sand.u32 $0x1, s1  }
0x8c: {  	s15 =	sshll.u32 s0, $0xA;
	s2 =	sadd.s32 s3, s2  }
0x8d: {  	s2 =	sadd.s32 s2, s15  }
0x8e: {  	[smem:$0x3FC2] =	sst s2  }
0x8f: {  	_ = 	snop  }
0x90: {  	s2 =	sld [smem:$0x3FD0];
	_ =	sdelay $0x2  }
0x91: {  	s5 =	simm.s32 $0xB;
	s4 =	simm.s32 $0x10;
	s16 =	sld [smem:$0x3FC9]  }
0x92: {  	[smem:s4], [sflag:s5] =	dma.local [hbm:s2], $0x1  }
0x93: {  	_ =	swait.eq [sflag:s5], $0x1  }
0x94: {  	[sflag:s5] =	ssyncset.done $0x0  }
0x95: {  	s17 =	sld [smem:$0x10];
	[sflag:s5] =	ssyncadd.s32 $0xFFFFFFFF  }
0x96: {  	s18 =	sld [smem:$0x12];
	(tm) =	ssettm $0x1  }
0x97: {  	s19 =	sld [smem:$0x3FFB];
	_ =	sdelay $0x3  }
0x98: {  	_ =	strace s19  }
0x99: {  	s2 =	sld [smem:$0x3FFC];
	_ =	sdelay $0x3  }
0x9a: {  	_ =	strace s2  }
0x9b: {  	s2 =	sld [smem:$0x3FFD];
	_ =	sdelay $0x3  }
0x9c: {  	_ =	strace s2  }
0x9d: {  	_ =	strace $0x8FFFFFFF  }
0x9e: {  	s20 =	sld [smem:$0x3FDB];
	_ =	sdelay $0x1  }
0x9f: {  	s6 =	simm.s32 $_scs_section_size  }
0xa0: {  	s7 =	simm.s32 $_size__tile_overlayer_lowered;
	s8 =	simm.s32 $_tile_overlayer_lowered  }
0xa1: {  	s9 =	simm.s32 $0x1BFF;
	s21 =	sshll.u32 s8, $0x1;
	s6 =	sadd.s32 s6, s20  }
0xa2: {  	s22 =	simm.s32 $0x0;
	s7 =	sshll.u32 s7, $0x1;
	s8 =	sadd.s32 s21, s6  }
0xa3: {  	[timem:s22], [sflag:s9] =	dma.local [hbm:s8], s7  }
0xa4: {  	_ =	swait.ge [sflag:s9], s7  }
0xa5: {  	s7 =	ssub.s32 $0x0, s7;
	[sflag:s9] =	ssyncset.done $0x0  }
0xa6: {  	[sflag:s9] =	ssyncadd.s32 s7;
	_ =	sdelay $0x1  }
0xa7: {  	s23 =	simm.s32 $0x1B8B  }
0xa8: {  	_ =	swait.ge [sflag:s23], $0x1  }
0xa9: {  	[sflag:s23] =	ssyncset.done $0x0  }
0xaa: {  	[sflag:s23] =	ssyncadd.s32 $0xFFFFFFFF  }
0xab: {  	s7 =	sld [smem:$0x0]  }
0xac: {  	s8 =	sand.u32 $0xFFFFFFFE, s1  }
0xad: {  	p0 =	sne.s32 s1, s8  }
0xae: {  	s8 =	sshll.u32 @p0 s8, $0xE  }
0xaf: {  	s8 =	sadd.s32 @p0 $0x11B8D, s8;
	s9 =	sshll.u32 @p0 s7, $0x11  }
0xb0: {  	s8 =	sor.u32 @p0 s9, s8  }
0xb1: {  	[sflag:s8] =	ssyncadd.remote.s32 @p0 $0x1;
	_ =	sdelay $0x1  }
0xb2: {  	s8 =	simm.s32 @p0 $0x1B8D  }
0xb3: {  	_ =	swait.eq @p0 [sflag:s8], $0x1  }
0xb4: {  	[sflag:s8] =	ssyncadd.s32 @p0 $0xFFFFFFFF  }
0xb5: {  	s9 =	sshll.u32 @!p0 s1, $0xE  }
0xb6: {  	s9 =	sor.u32 @!p0 $0x4000, s9;
	s8 =	simm.s32 @!p0 $0x1B8D  }
0xb7: {  	s7 =	sshll.u32 @!p0 s7, $0x11;
	s9 =	sadd.s32 @!p0 $0x11B8D, s9;
	_ =	swait.eq @!p0 [sflag:s8], $0x1  }
0xb8: {  	s7 =	sor.u32 @!p0 s7, s9;
	[sflag:s8] =	ssyncadd.s32 @!p0 $0xFFFFFFFF  }
0xb9: {  	s25 =	simm.s32 $0x1B8E;
	s24 =	sld [smem:$0x3FFE];
	[sflag:s7] =	ssyncadd.remote.s32 @!p0 $0x1  }
0xba: {  	s26 =	simm.s32 $execute0_lowered;
	[smem:$0x3FD2] =	sst s25  }
0xbb: {  	s8 =	sshll.u32 s26, $0x1;
	_ =	strace $0x80000049;
	[dreg:$0x1] =	wrdreg $0xFFFFFFFF  }
0xbc: {  	s28 =	simm.s32 $_size_execute0_lowered;
	s6 =	sadd.s32 s6, s8;
	[dreg:$0x0] =	wrdreg $0x0  }
0xbd: {  	s8 =	sshll.u32 s28, $0x1;
	[dreg:$0x2] =	wrdreg s6  }
0xbe: {  	[dreg:$0x3] =	wrdreg s8  }
0xbf: {  	[dreg:$0x4] =	wrdreg $0xC0  }
0xc0: {  	_ =	task [dreg:s22], $0x5FFFF  }
0xc1: {  	[dreg:$0x1] =	wrdreg $0xFFFFFFFF  }
0xc2: {  	[dreg:$0x0] =	wrdreg $0x60  }
0xc3: {  	[dreg:$0x2] =	wrdreg s16  }
0xc4: {  	[dreg:$0x3] =	wrdreg s17  }
0xc5: {  	[dreg:$0x4] =	wrdreg s18  }
0xc6: {  	[dreg:$0x5] =	wrdreg s24  }
0xc7: {  	[dreg:$0x6] =	wrdreg $0x0  }
0xc8: {  	[dreg:$0x7] =	wrdreg $0x9  }
0xc9: {  	_ =	task.clear_ibuf [dreg:s22], $0x8FFFF;
	_ =	strace $0x90000049  }
0xca: {  	s29 =	simm.s32 $0x9;
	_ =	strace $0x8000004B  }
0xcb: {  	_ =	swait.ge [sflag:s29], $0x1  }
0xcc: {  	[sflag:s29] =	ssyncadd.s32 $0xFFFFFFFF  }
0xcd: {  	_ =	strace $0x9000004B  }
0xce: {  	_ =	sfence  }
0xcf: {  	s30 =	sld [smem:$0x0];
	_ =	sdelay $0x2  }
0xd0: {  	s31 =	sshll.u32 s1, $0xD;
	s1 =	sshrl.u32 s1, $0x2  }
0xd1: {  	s4 =	sand.u32 $0x4000, s31;
	s1 =	sadd.s32 s1, s30  }
0xd2: {  	s0 =	sor.u32 s4, s0;
	s1 =	sshll.u32 s1, $0x11  }
0xd3: {  	s0 =	sor.u32 s1, s0  }
0xd4: {  	s0 =	sadd.s32 $0x8F2B, s0  }
0xd5: {  	[sflag:s0] =	ssyncadd.remote.s32 $0x1  }
0xd6: {  	_ =	sfence.sel $0xFFFF  }
0xd7: {  	[dreg:$0x0] =	wrdreg $0xFFFFFFFF;
	(pc) =	sbr.abs _section_cstart, $3  }
0xd8: {  	[dreg:$0x1] =	wrdreg $0xFFFFFFFF  }
0xd9: {  	_ =	task.clear_ibuf [dreg:s22], $0x2FFFF;
	_ =	strace $0x9FFFFFFF  }
0xda: {  	(tm) =	ssettm $0x7FFFFFFF  }
0xdb: {  	_ =	shalt  }
tec
execute0_lowered:
.L_overlay_start_1:
0x0: {  	(tag) =	ssettag $0x1  }
0x1: {  	s1 =	rddreg [dreg:$0x0]  }
0x2: {  	s0 =	rddreg [dreg:$0x1]  }
0x3: {  	s2 =	rddreg [dreg:$0x2];
	s3 =	srdreg.scid  }
0x4: {  	s15 =	stileid.u32;
	s6 =	rddreg [dreg:$0x3]  }
0x5: {  	s4 =	simm.s32 $0x0;
	s29 =	simm.s32 $0x14100;
	s5 =	smul.u32 $0x280, s15  }
0x6: {  	s30 =	simm.s32 $0x2;
	s11 =	sand.u32 $0x1, s3;
	s13 =	smul.u32 $0x50000, s15  }
0x7: {  	s3 =	rddreg [dreg:$0x4];
	s14 =	sshll.u32 s15, $0x1;
	s15 =	smul.u32 $0x4E20, s15  }
0x8: {  	s31 =	simm.s32 $0x14000;
	[smem:$0x7FF] =	sst s4;
	s7 =	smul.u32 $0x2800, s11  }
0x9: {  	_ =	strace $0x8000004A;
	s9 =	ssub.s32 $0x2, s11;
	s10 =	sor.u32 s11, s14  }
0xa: {  	s11 =	smul.u32 $0x2710, s11;
	s16 =	sshrl.u32 s13, $0x2;
	s17 =	sshrl.u32 s9, $0x1  }
0xb: {  	s10 =	smul.u32 $0x2710, s10;
	s5 =	sadd.s32 s5, s7;
	s13 =	ssub.s32 s9, s17  }
0xc: {  	s11 =	sadd.s32 s11, s15;
	s15 =	simm.s32 $0x0;
	s8 =	sshll.u32 s5, $0x4  }
0xd: {  	s5 =	sadd.s32 s16, s3;
	s10 =	sshrl.u32 s10, $0x3;
	s23 =	sshrl.u32 s11, $0x3  }
0xe: {  	s11 =	sadd.s32 $0x50, s11;
	s12 =	sadd.s32 s8, s6;
	s14 =	sadd.s32 $0x4D8, s10  }
0xf: {  	s6 =	sadd.s32 $0x2800, s5;
	s7 =	sadd.s32 $0x5000, s5;
	s16 =	sadd.s32 s0, s14  }
0x10: {  	s8 =	sadd.s32 $0x7800, s5;
	s14 =	sadd.s32 s2, s14;
	[dreg:$0x6] =	wrdreg s16  }
0x11: {  	s9 =	sadd.s32 $0xA000, s5;
	s18 =	sadd.s32 $0x52000, s12;
	[dreg:$0x7] =	wrdreg s14  }
0x12: {  	s10 =	sadd.s32 $0xC800, s5;
	s19 =	sadd.s32 $0x52500, s12;
	[dreg:$0x8] =	wrdreg s18  }
0x13: {  	s11 =	sshrl.u32 s11, $0x3;
	s20 =	sadd.s32 $0x52A00, s12;
	[dreg:$0x9] =	wrdreg s19  }
0x14: {  	s28 =	sadd.s32 $0x11800, s5;
	s21 =	sadd.s32 $0x52F00, s12;
	[dreg:$0xa] =	wrdreg s20  }
0x15: {  	s22 =	sadd.s32 $0x53400, s12;
	s24 =	sadd.s32 $0x53900, s12;
	[dreg:$0xb] =	wrdreg s21  }
0x16: {  	s25 =	sadd.s32 $0x53E00, s12;
	s26 =	sadd.s32 $0x54300, s12;
	[dreg:$0xc] =	wrdreg s22  }
0x17: {  	s12 =	simm.s32 $0x16980;
	[dreg:$0xd] =	wrdreg s24;
	s19 =	sadd.s32 s23, s2  }
0x18: {  	s20 =	sadd.s32 s23, s0;
	s21 =	sadd.s32 s11, s2;
	[dreg:$0xe] =	wrdreg s25  }
0x19: {  	s22 =	sadd.s32 s11, s0;
	[dreg:$0xf] =	wrdreg s26;
	s25 =	smax.u32 s13, $0x1  }
0x1a: {  	s26 =	sadd.s32 $0xF000, s5;
	s2 =	simm.s32 $0x14080;
	s0 =	simm.s32 $0x50  }
0x1b: {  	v0 =	vimm.f32 $0.0e+00;
	s11 =	simm.s32 $0x16900;
	s13 =	simm.s32 $0x1;
	s14 =	simm.s32 $0x16A00  }
.LBB2_1:
0x1c: {  	s16 =	simm.s32 $0x0;
	s17 =	simm.s32 $0x200  }
.LBB2_2:
0x1d: {  	p0 =	sne.s32 s17, $0x9E00;
	[tilespmem:s16+$0x14170] =	vst v0  }
0x1e: {  	[tilespmem:s16+$0x14100] =	vst v0  }
0x1f: {  	[tilespmem:s16+$0x14110] =	vst v0  }
.Ltmp0:
0x20: {  	[tilespmem:s16+$0x14120] =	vst v0;
	(pc) =	sbr.rel @p0 .LBB2_2-.Ltmp0, $4  }
0x21: {  	[tilespmem:s16+$0x14130] =	vst v0  }
0x22: {  	[tilespmem:s16+$0x14140] =	vst v0  }
0x23: {  	[tilespmem:s16+$0x14150] =	vst v0  }
0x24: {  	[tilespmem:s16+$0x14160] =	vst v0;
	s16 =	sshra.s32 s17, $0x2;
	s17 =	sadd.s32 $0x200, s17  }
0x25: {  	[tilespmem:s16+$0x14170] =	vst v0  }
0x26: {  	[tilespmem:s16+$0x14100] =	vst v0  }
0x27: {  	[tilespmem:s16+$0x14110] =	vst v0  }
0x28: {  	[tilespmem:s16+$0x14120] =	vst v0  }
0x29: {  	[tilespmem:s16+$0x14130] =	vst v0  }
0x2a: {  	[tilespmem:s16+$0x14140] =	vst v0  }
0x2b: {  	[tilespmem:s16+$0x14150] =	vst v0  }
0x2c: {  	[tilespmem:s16+$0x14160] =	vst v0  }
0x2d: {  	[spmem:s5] =	stream.linear.scatter [tilespmem:s29], [sflag:$0x2], $0x2800, $0x38;
	[tilespmem:$0x19200] =	vst v63  }
0x2e: {  	_ =	swait.ge [sflag:s30], $0x2800  }
0x2f: {  	[sflag:s30] =	ssyncset.done $0x0  }
0x30: {  	[sflag:s30] =	ssyncadd.s32 $0xFFFFD800  }
0x31: {  	[spmem:s6] =	stream.linear.scatter [tilespmem:s29], [sflag:$0x2], $0x2800, $0x38;
	[tilespmem:$0x19200] =	vst v63  }
0x32: {  	_ =	swait.ge [sflag:s30], $0x2800  }
0x33: {  	[sflag:s30] =	ssyncset.done $0x0  }
0x34: {  	[sflag:s30] =	ssyncadd.s32 $0xFFFFD800  }
0x35: {  	[spmem:s7] =	stream.linear.scatter [tilespmem:s29], [sflag:$0x2], $0x2800, $0x38;
	[tilespmem:$0x19200] =	vst v63  }
0x36: {  	_ =	swait.ge [sflag:s30], $0x2800  }
0x37: {  	[sflag:s30] =	ssyncset.done $0x0  }
0x38: {  	[sflag:s30] =	ssyncadd.s32 $0xFFFFD800  }
0x39: {  	[spmem:s8] =	stream.linear.scatter [tilespmem:s29], [sflag:$0x2], $0x2800, $0x38;
	[tilespmem:$0x19200] =	vst v63  }
0x3a: {  	_ =	swait.ge [sflag:s30], $0x2800  }
0x3b: {  	[sflag:s30] =	ssyncset.done $0x0  }
0x3c: {  	[sflag:s30] =	ssyncadd.s32 $0xFFFFD800  }
0x3d: {  	[spmem:s9] =	stream.linear.scatter [tilespmem:s29], [sflag:$0x2], $0x2800, $0x38;
	[tilespmem:$0x19200] =	vst v63  }
0x3e: {  	_ =	swait.ge [sflag:s30], $0x2800  }
0x3f: {  	[sflag:s30] =	ssyncset.done $0x0  }
0x40: {  	[sflag:s30] =	ssyncadd.s32 $0xFFFFD800  }
0x41: {  	[spmem:s10] =	stream.linear.scatter [tilespmem:s29], [sflag:$0x2], $0x2800, $0x38;
	[tilespmem:$0x19200] =	vst v63  }
0x42: {  	_ =	swait.ge [sflag:s30], $0x2800  }
0x43: {  	[sflag:s30] =	ssyncset.done $0x0  }
0x44: {  	[sflag:s30] =	ssyncadd.s32 $0xFFFFD800  }
0x45: {  	[spmem:s26] =	stream.linear.scatter [tilespmem:s29], [sflag:$0x2], $0x2800, $0x38;
	[tilespmem:$0x19200] =	vst v63  }
0x46: {  	_ =	swait.ge [sflag:s30], $0x2800  }
0x47: {  	[sflag:s30] =	ssyncset.done $0x0  }
0x48: {  	[sflag:s30] =	ssyncadd.s32 $0xFFFFD800  }
0x49: {  	[spmem:s28] =	stream.linear.scatter [tilespmem:s29], [sflag:$0x2], $0x2800, $0x38;
	[tilespmem:$0x19200] =	vst v63  }
0x4a: {  	_ =	swait.ge [sflag:s30], $0x2800  }
0x4b: {  	[sflag:s30] =	ssyncset.done $0x0  }
0x4c: {  	[sflag:s30] =	ssyncadd.s32 $0xFFFFD800  }
0x4d: {  	s17 =	sadd.s32 $0x0, s20;
	[bflag:$0x0] =	sbarrier.arrive $0xFFFF  }
0x4e: {  	[tilespmem:s31], [sflag:$0x2] =	stream.linear.gather [hbm4b:s17+s4], $0x50, $0x38;
	[tilespmem:$0x19200] =	vst v63  }
0x4f: {  	_ =	swait.ge [sflag:s30], $0x50  }
0x50: {  	[sflag:s30] =	ssyncset.done $0x0  }
0x51: {  	s18 =	sadd.s32 $0x0, s19;
	[sflag:s30] =	ssyncadd.s32 $0xFFFFFFB0  }
0x52: {  	[tilespmem:s2], [sflag:$0x2] =	stream.linear.gather [hbm4b:s18+s4], $0x50, $0x38;
	[tilespmem:$0x19200] =	vst v63  }
0x53: {  	_ =	swait.ge [sflag:s30], $0x50  }
0x54: {  	[sflag:s30] =	ssyncset.done $0x0  }
0x55: {  	[sflag:s30] =	ssyncadd.s32 $0xFFFFFFB0  }
0x56: {  	[tilespmem:s29], [sflag:$0x1] =	stream.indirect.gather [hbm4b:s1+s0], $0x80, s31, s0, $0xb8;
	[tilespmem:$0x19200] =	vst v63  }
0x57: {  	s23 =	sadd.s32 $0x0, s22  }
0x58: {  	[tilespmem:s11], [sflag:$0x2] =	stream.linear.gather [hbm4b:s23+s4], $0x50, $0x38;
	[tilespmem:$0x19200] =	vst v63  }
0x59: {  	_ =	swait.ge [sflag:s30], $0x50  }
0x5a: {  	[sflag:s30] =	ssyncset.done $0x0  }
0x5b: {  	s24 =	sadd.s32 $0x0, s21;
	[sflag:s30] =	ssyncadd.s32 $0xFFFFFFB0  }
0x5c: {  	[tilespmem:s12], [sflag:$0x2] =	stream.linear.gather [hbm4b:s24+s4], $0x50, $0x38;
	[tilespmem:$0x19200] =	vst v63  }
0x5d: {  	_ =	swait.ge [sflag:s30], $0x50  }
0x5e: {  	[sflag:s30] =	ssyncset.done $0x0  }
0x5f: {  	[sflag:s30] =	ssyncadd.s32 $0xFFFFFFB0  }
0x60: {  	_ =	swait.ge [sflag:s13], $0x2800  }
0x61: {  	[sflag:s13] =	ssyncset.done $0x0  }
0x62: {  	[sflag:s13] =	ssyncadd.s32 $0xFFFFD800  }
0x63: {  	[tilespmem:s14], [sflag:$0x1] =	stream.indirect.gather [hbm4b:s1+s0], $0x80, s11, s0, $0xb8;
	[tilespmem:$0x19200] =	vst v63  }
0x64: {  	_ = 	snop  }
0x65: {  	[spmem:s3] =	stream.indirect.scatter.add.f32 [tilespmem:s29], [sflag:$0x2], $0x80, s2, s0, $0xb8;
	[tilespmem:$0x19200] =	vst v63  }
0x66: {  	_ =	swait.ge [sflag:s30], $0x2800  }
0x67: {  	[sflag:s30] =	ssyncset.done $0x0  }
0x68: {  	[sflag:s30] =	ssyncadd.s32 $0xFFFFD800  }
0x69: {  	_ =	swait.ge [sflag:s13], $0x2800  }
0x6a: {  	[sflag:s13] =	ssyncset.done $0x0  }
0x6b: {  	[sflag:s13] =	ssyncadd.s32 $0xFFFFD800  }
0x6c: {  	[spmem:s3] =	stream.indirect.scatter.add.f32 [tilespmem:s14], [sflag:$0x2], $0x80, s12, s0, $0xb8;
	[tilespmem:$0x19200] =	vst v63  }
0x6d: {  	_ =	swait.ge [sflag:s30], $0x2800  }
0x6e: {  	s16 =	simm.s32 $0x14;
	s17 =	simm.s32 $0x28;
	[sflag:s30] =	ssyncset.done $0x0  }
.LBB2_4:
0x6f: {  	s23 =	sadd.s32 s16, s20  }
0x70: {  	[sflag:s30] =	ssyncadd.s32 $0xFFFFD800;
	s24 =	smov.u32 s17;
	s18 =	sadd.s32 $0x14, s17  }
0x71: {  	[tilespmem:s31], [sflag:$0x2] =	stream.linear.gather [hbm4b:s23+s4], $0x50, $0x38;
	[tilespmem:$0x19200] =	vst v63  }
0x72: {  	p0 =	sne.s32 s17, $0x4C4;
	_ =	swait.ge [sflag:s30], $0x50  }
0x73: {  	[sflag:s30] =	ssyncset.done $0x0  }
0x74: {  	s17 =	sadd.s32 s16, s19;
	[sflag:s30] =	ssyncadd.s32 $0xFFFFFFB0  }
0x75: {  	[tilespmem:s2], [sflag:$0x2] =	stream.linear.gather [hbm4b:s17+s4], $0x50, $0x38;
	[tilespmem:$0x19200] =	vst v63  }
0x76: {  	_ =	swait.ge [sflag:s30], $0x50  }
0x77: {  	[sflag:s30] =	ssyncset.done $0x0  }
0x78: {  	[sflag:s30] =	ssyncadd.s32 $0xFFFFFFB0  }
0x79: {  	[tilespmem:s29], [sflag:$0x1] =	stream.indirect.gather [hbm4b:s1+s0], $0x80, s31, s0, $0xb8;
	[tilespmem:$0x19200] =	vst v63  }
0x7a: {  	s17 =	sadd.s32 s16, s22  }
0x7b: {  	[tilespmem:s11], [sflag:$0x2] =	stream.linear.gather [hbm4b:s17+s4], $0x50, $0x38;
	[tilespmem:$0x19200] =	vst v63  }
0x7c: {  	_ =	swait.ge [sflag:s30], $0x50  }
0x7d: {  	[sflag:s30] =	ssyncset.done $0x0  }
0x7e: {  	s17 =	sadd.s32 s16, s21;
	s16 =	smov.u32 s24;
	[sflag:s30] =	ssyncadd.s32 $0xFFFFFFB0  }
0x7f: {  	[tilespmem:s12], [sflag:$0x2] =	stream.linear.gather [hbm4b:s17+s4], $0x50, $0x38;
	[tilespmem:$0x19200] =	vst v63  }
0x80: {  	_ =	swait.ge [sflag:s30], $0x50  }
0x81: {  	[sflag:s30] =	ssyncset.done $0x0  }
0x82: {  	[sflag:s30] =	ssyncadd.s32 $0xFFFFFFB0  }
0x83: {  	_ =	swait.ge [sflag:s13], $0x2800  }
0x84: {  	[sflag:s13] =	ssyncset.done $0x0  }
0x85: {  	[sflag:s13] =	ssyncadd.s32 $0xFFFFD800  }
0x86: {  	[tilespmem:s14], [sflag:$0x1] =	stream.indirect.gather [hbm4b:s1+s0], $0x80, s11, s0, $0xb8;
	[tilespmem:$0x19200] =	vst v63  }
0x87: {  	_ = 	snop  }
0x88: {  	[spmem:s3] =	stream.indirect.scatter.add.f32 [tilespmem:s29], [sflag:$0x2], $0x80, s2, s0, $0xb8;
	[tilespmem:$0x19200] =	vst v63  }
0x89: {  	_ =	swait.ge [sflag:s30], $0x2800  }
0x8a: {  	[sflag:s30] =	ssyncset.done $0x0  }
0x8b: {  	[sflag:s30] =	ssyncadd.s32 $0xFFFFD800  }
0x8c: {  	_ =	swait.ge [sflag:s13], $0x2800  }
.Ltmp1:
0x8d: {  	[sflag:s13] =	ssyncset.done $0x0;
	(pc) =	sbr.rel @p0 .LBB2_4-.Ltmp1, $4  }
0x8e: {  	[sflag:s13] =	ssyncadd.s32 $0xFFFFD800  }
0x8f: {  	[spmem:s3] =	stream.indirect.scatter.add.f32 [tilespmem:s14], [sflag:$0x2], $0x80, s12, s0, $0xb8;
	[tilespmem:$0x19200] =	vst v63  }
0x90: {  	_ =	swait.ge [sflag:s30], $0x2800  }
0x91: {  	s17 =	smov.u32 s18;
	[sflag:s30] =	ssyncset.done $0x0  }
0x92: {  	s17 =	sadd.s32 s16, s20;
	[sflag:s30] =	ssyncadd.s32 $0xFFFFD800  }
0x93: {  	[tilespmem:s31], [sflag:$0x2] =	stream.linear.gather [hbm4b:s17+s4], $0x50, $0x38;
	[tilespmem:$0x19200] =	vst v63  }
0x94: {  	_ =	swait.ge [sflag:s30], $0x50  }
0x95: {  	[sflag:s30] =	ssyncset.done $0x0  }
0x96: {  	s23 =	sadd.s32 s16, s19;
	[sflag:s30] =	ssyncadd.s32 $0xFFFFFFB0  }
0x97: {  	[tilespmem:s2], [sflag:$0x2] =	stream.linear.gather [hbm4b:s23+s4], $0x50, $0x38;
	[tilespmem:$0x19200] =	vst v63  }
0x98: {  	_ =	swait.ge [sflag:s30], $0x50  }
0x99: {  	[sflag:s30] =	ssyncset.done $0x0  }
0x9a: {  	[sflag:s30] =	ssyncadd.s32 $0xFFFFFFB0  }
0x9b: {  	[tilespmem:s29], [sflag:$0x1] =	stream.indirect.gather [hbm4b:s1+s0], $0x80, s31, s0, $0xb8;
	[tilespmem:$0x19200] =	vst v63  }
0x9c: {  	s24 =	sadd.s32 s16, s22  }
0x9d: {  	[tilespmem:s11], [sflag:$0x2] =	stream.linear.gather [hbm4b:s24+s4], $0x50, $0x38;
	[tilespmem:$0x19200] =	vst v63  }
0x9e: {  	_ =	swait.ge [sflag:s30], $0x50  }
0x9f: {  	[sflag:s30] =	ssyncset.done $0x0  }
0xa0: {  	s18 =	sadd.s32 s16, s21;
	[sflag:s30] =	ssyncadd.s32 $0xFFFFFFB0  }
0xa1: {  	[tilespmem:s12], [sflag:$0x2] =	stream.linear.gather [hbm4b:s18+s4], $0x50, $0x38;
	[tilespmem:$0x19200] =	vst v63  }
0xa2: {  	_ =	swait.ge [sflag:s30], $0x50  }
0xa3: {  	[sflag:s30] =	ssyncset.done $0x0  }
0xa4: {  	[sflag:s30] =	ssyncadd.s32 $0xFFFFFFB0  }
0xa5: {  	_ =	swait.ge [sflag:s13], $0x2800  }
0xa6: {  	[sflag:s13] =	ssyncset.done $0x0  }
0xa7: {  	[sflag:s13] =	ssyncadd.s32 $0xFFFFD800  }
0xa8: {  	[tilespmem:s14], [sflag:$0x1] =	stream.indirect.gather [hbm4b:s1+s0], $0x80, s11, s0, $0xb8;
	[tilespmem:$0x19200] =	vst v63  }
0xa9: {  	_ = 	snop  }
0xaa: {  	[spmem:s3] =	stream.indirect.scatter.add.f32 [tilespmem:s29], [sflag:$0x2], $0x80, s2, s0, $0xb8;
	[tilespmem:$0x19200] =	vst v63  }
0xab: {  	_ =	swait.ge [sflag:s30], $0x2800  }
0xac: {  	[sflag:s30] =	ssyncset.done $0x0  }
0xad: {  	[sflag:s30] =	ssyncadd.s32 $0xFFFFD800  }
0xae: {  	_ =	swait.ge [sflag:s13], $0x2800  }
0xaf: {  	[sflag:s13] =	ssyncset.done $0x0  }
0xb0: {  	[sflag:s13] =	ssyncadd.s32 $0xFFFFD800  }
0xb1: {  	[spmem:s3] =	stream.indirect.scatter.add.f32 [tilespmem:s14], [sflag:$0x2], $0x80, s12, s0, $0xb8;
	[tilespmem:$0x19200] =	vst v63  }
0xb2: {  	_ =	swait.ge [sflag:s30], $0x2800  }
0xb3: {  	[sflag:s30] =	ssyncset.done $0x0  }
0xb4: {  	s23 =	rddreg [dreg:$0x6];
	[sflag:s30] =	ssyncadd.s32 $0xFFFFD800  }
0xb5: {  	[tilespmem:s31], [sflag:$0x2] =	stream.linear.gather [hbm4b:s23+s4], $0x50, $0x38;
	[tilespmem:$0x19200] =	vst v63  }
0xb6: {  	_ =	swait.ge [sflag:s30], $0x50  }
0xb7: {  	[sflag:s30] =	ssyncset.done $0x0  }
0xb8: {  	s24 =	rddreg [dreg:$0x7];
	[sflag:s30] =	ssyncadd.s32 $0xFFFFFFB0  }
0xb9: {  	[tilespmem:s2], [sflag:$0x2] =	stream.linear.gather [hbm4b:s24+s4], $0x50, $0x38;
	[tilespmem:$0x19200] =	vst v63  }
0xba: {  	_ =	swait.ge [sflag:s30], $0x50  }
0xbb: {  	[sflag:s30] =	ssyncset.done $0x0  }
0xbc: {  	[sflag:s30] =	ssyncadd.s32 $0xFFFFFFB0  }
0xbd: {  	[tilespmem:s29], [sflag:$0x1] =	stream.indirect.gather [hbm4b:s1+s0], $0x80, s31, s0, $0xb8;
	[tilespmem:$0x19200] =	vst v63  }
0xbe: {  	_ =	swait.ge [sflag:s13], $0x2800  }
0xbf: {  	[sflag:s13] =	ssyncset.done $0x0  }
0xc0: {  	[sflag:s13] =	ssyncadd.s32 $0xFFFFD800  }
0xc1: {  	[spmem:s3] =	stream.indirect.scatter.add.f32 [tilespmem:s29], [sflag:$0x2], $0x80, s2, s0, $0xb8;
	[tilespmem:$0x19200] =	vst v63  }
0xc2: {  	_ =	swait.ge [sflag:s30], $0x2800  }
0xc3: {  	[sflag:s30] =	ssyncset.done $0x0  }
0xc4: {  	[sflag:s30] =	ssyncadd.s32 $0xFFFFD800  }
0xc5: {  	[bflag:$0x0] =	sbarrier.arrive $0xFFFF  }
0xc6: {  	[tilespmem:s29], [sflag:$0x2] =	stream.linear.gather [spmem:s5], $0x2800, $0x38;
	[tilespmem:$0x19200] =	vst v63  }
0xc7: {  	_ =	swait.ge [sflag:s30], $0x2800  }
0xc8: {  	[sflag:s30] =	ssyncset.done $0x0  }
0xc9: {  	s17 =	rddreg [dreg:$0x8];
	[sflag:s30] =	ssyncadd.s32 $0xFFFFD800  }
0xca: {  	[hbm4b:s17+s4] =	stream.linear.scatter [tilespmem:s29], [sflag:$0x2], $0x2800, $0x38;
	[tilespmem:$0x19200] =	vst v63  }
0xcb: {  	_ =	swait.ge [sflag:s30], $0x2800  }
0xcc: {  	[sflag:s30] =	ssyncset.done $0x0  }
0xcd: {  	[sflag:s30] =	ssyncadd.s32 $0xFFFFD800  }
0xce: {  	[tilespmem:s29], [sflag:$0x2] =	stream.linear.gather [spmem:s6], $0x2800, $0x38;
	[tilespmem:$0x19200] =	vst v63  }
0xcf: {  	_ =	swait.ge [sflag:s30], $0x2800  }
0xd0: {  	[sflag:s30] =	ssyncset.done $0x0  }
0xd1: {  	s18 =	rddreg [dreg:$0x9];
	[sflag:s30] =	ssyncadd.s32 $0xFFFFD800  }
0xd2: {  	[hbm4b:s18+s4] =	stream.linear.scatter [tilespmem:s29], [sflag:$0x2], $0x2800, $0x38;
	[tilespmem:$0x19200] =	vst v63  }
0xd3: {  	_ =	swait.ge [sflag:s30], $0x2800  }
0xd4: {  	[sflag:s30] =	ssyncset.done $0x0  }
0xd5: {  	[sflag:s30] =	ssyncadd.s32 $0xFFFFD800  }
0xd6: {  	[tilespmem:s29], [sflag:$0x2] =	stream.linear.gather [spmem:s7], $0x2800, $0x38;
	[tilespmem:$0x19200] =	vst v63  }
0xd7: {  	_ =	swait.ge [sflag:s30], $0x2800  }
0xd8: {  	[sflag:s30] =	ssyncset.done $0x0  }
0xd9: {  	s23 =	rddreg [dreg:$0xa];
	[sflag:s30] =	ssyncadd.s32 $0xFFFFD800  }
0xda: {  	[hbm4b:s23+s4] =	stream.linear.scatter [tilespmem:s29], [sflag:$0x2], $0x2800, $0x38;
	[tilespmem:$0x19200] =	vst v63  }
0xdb: {  	_ =	swait.ge [sflag:s30], $0x2800  }
0xdc: {  	[sflag:s30] =	ssyncset.done $0x0  }
0xdd: {  	[sflag:s30] =	ssyncadd.s32 $0xFFFFD800  }
0xde: {  	[tilespmem:s29], [sflag:$0x2] =	stream.linear.gather [spmem:s8], $0x2800, $0x38;
	[tilespmem:$0x19200] =	vst v63  }
0xdf: {  	_ =	swait.ge [sflag:s30], $0x2800  }
0xe0: {  	[sflag:s30] =	ssyncset.done $0x0  }
0xe1: {  	s24 =	rddreg [dreg:$0xb];
	[sflag:s30] =	ssyncadd.s32 $0xFFFFD800  }
0xe2: {  	[hbm4b:s24+s4] =	stream.linear.scatter [tilespmem:s29], [sflag:$0x2], $0x2800, $0x38;
	[tilespmem:$0x19200] =	vst v63  }
0xe3: {  	_ =	swait.ge [sflag:s30], $0x2800  }
0xe4: {  	[sflag:s30] =	ssyncset.done $0x0  }
0xe5: {  	[sflag:s30] =	ssyncadd.s32 $0xFFFFD800  }
0xe6: {  	[tilespmem:s29], [sflag:$0x2] =	stream.linear.gather [spmem:s9], $0x2800, $0x38;
	[tilespmem:$0x19200] =	vst v63  }
0xe7: {  	_ =	swait.ge [sflag:s30], $0x2800  }
0xe8: {  	[sflag:s30] =	ssyncset.done $0x0  }
0xe9: {  	s17 =	rddreg [dreg:$0xc];
	[sflag:s30] =	ssyncadd.s32 $0xFFFFD800  }
0xea: {  	[hbm4b:s17+s4] =	stream.linear.scatter [tilespmem:s29], [sflag:$0x2], $0x2800, $0x38;
	[tilespmem:$0x19200] =	vst v63  }
0xeb: {  	_ =	swait.ge [sflag:s30], $0x2800  }
0xec: {  	[sflag:s30] =	ssyncset.done $0x0  }
0xed: {  	[sflag:s30] =	ssyncadd.s32 $0xFFFFD800  }
0xee: {  	[tilespmem:s29], [sflag:$0x2] =	stream.linear.gather [spmem:s10], $0x2800, $0x38;
	[tilespmem:$0x19200] =	vst v63  }
0xef: {  	_ =	swait.ge [sflag:s30], $0x2800  }
0xf0: {  	[sflag:s30] =	ssyncset.done $0x0  }
0xf1: {  	s18 =	rddreg [dreg:$0xd];
	[sflag:s30] =	ssyncadd.s32 $0xFFFFD800  }
0xf2: {  	[hbm4b:s18+s4] =	stream.linear.scatter [tilespmem:s29], [sflag:$0x2], $0x2800, $0x38;
	[tilespmem:$0x19200] =	vst v63  }
0xf3: {  	_ =	swait.ge [sflag:s30], $0x2800  }
0xf4: {  	[sflag:s30] =	ssyncset.done $0x0  }
0xf5: {  	[sflag:s30] =	ssyncadd.s32 $0xFFFFD800  }
0xf6: {  	[tilespmem:s29], [sflag:$0x2] =	stream.linear.gather [spmem:s26], $0x2800, $0x38;
	[tilespmem:$0x19200] =	vst v63  }
0xf7: {  	_ =	swait.ge [sflag:s30], $0x2800  }
0xf8: {  	[sflag:s30] =	ssyncset.done $0x0  }
0xf9: {  	s23 =	rddreg [dreg:$0xe];
	[sflag:s30] =	ssyncadd.s32 $0xFFFFD800  }
0xfa: {  	[hbm4b:s23+s4] =	stream.linear.scatter [tilespmem:s29], [sflag:$0x2], $0x2800, $0x38;
	[tilespmem:$0x19200] =	vst v63  }
0xfb: {  	_ =	swait.ge [sflag:s30], $0x2800  }
0xfc: {  	[sflag:s30] =	ssyncset.done $0x0  }
0xfd: {  	[sflag:s30] =	ssyncadd.s32 $0xFFFFD800  }
0xfe: {  	[tilespmem:s29], [sflag:$0x2] =	stream.linear.gather [spmem:s28], $0x2800, $0x38;
	[tilespmem:$0x19200] =	vst v63  }
0xff: {  	s15 =	sadd.s32 $0x1, s15;
	_ =	swait.ge [sflag:s30], $0x2800  }
0x100: {  	p0 =	sne.s32 s15, s25;
	[sflag:s30] =	ssyncset.done $0x0  }
.Ltmp2:
0x101: {  	s24 =	rddreg [dreg:$0xf];
	[sflag:s30] =	ssyncadd.s32 $0xFFFFD800;
	(pc) =	sbr.rel @p0 .LBB2_1-.Ltmp2, $4  }
0x102: {  	[hbm4b:s24+s4] =	stream.linear.scatter [tilespmem:s29], [sflag:$0x2], $0x2800, $0x38;
	[tilespmem:$0x19200] =	vst v63  }
0x103: {  	_ =	swait.ge [sflag:s30], $0x2800  }
0x104: {  	[sflag:s30] =	ssyncset.done $0x0  }
0x105: {  	[sflag:s30] =	ssyncadd.s32 $0xFFFFD800  }
0x106: {  	_ =	sfence.sel $0x180000  }
0x107: {  	[bflag:$0x0] =	sbarrier.arrive $0xFFFF  }
0x108: {  	_ =	strace $0x9000004A  }
0x109: {  	s0 =	stileid.u32;
	[bflag:$0x2] =	sbarrier.arrive $0xFFFF  }
0x10a: {  	p0 =	sne.s32 s0, $0x0;
	s0 =	rddreg [dreg:$0x5]  }
0x10b: {  	s0 =	sadd.s32 @!p0 $0x100000, s0  }
0x10c: {  	[sflag:s0] =	ssyncadd.tile.s32 @!p0 $0x1;
	_ =	shalt  }
.Lfunc_end2:
_tile_overlayer_lowered:
.L_overlay_start_2:
0x10d: {  	(tag) =	ssettag $0x2  }
0x10e: {  	s0 =	rddreg [dreg:$0x0];
	s2 =	stileid.u32  }
0x10f: {  	s1 =	rddreg [dreg:$0x1];
	p0 =	sne.s32 s2, $0x0  }
0x110: {  	s3 =	rddreg [dreg:$0x2];
	[bflag:$0x3] =	sbarrier.arrive $0xFFFF;
	s2 =	simm.s32 @!p0 $0x1C02  }
0x111: {  	[timem:s3], [sflag:s2] =	dma.local @!p0 [hbm:s0], s1  }
0x112: {  	s0 =	simm.s32 @!p0 $0x2  }
0x113: {  	_ =	swait.ge @!p0 [sflag:s0], s1  }
0x114: {  	s1 =	ssub.s32 @!p0 $0x0, s1;
	[sflag:s0] =	ssyncset.done @!p0 $0x0  }
0x115: {  	[sflag:s0] =	ssyncadd.s32 @!p0 s1  }
0x116: {  	[bflag:$0x3] =	sbarrier.arrive $0xFFFF  }
0x117: {  	_ =	shalt  }

</sc_bundles>
